<compile_context>
chip_gen: v7x
topology: tpu7x:2x2x1
jax: 0.10.2.dev20260603
libtpu: 0.0.44.dev20260713+nightly
codegen_flags: <defaults>
</compile_context>

<pallas_src>
import functools

import jax
import jax.numpy as jnp
from jax import lax
from jax.experimental import pallas as pl
from jax.experimental.pallas import tpu as pltpu
from jax.experimental.pallas import tpu_sc as plsc

E = 16
LW = 50
LC = 100
NC = 2
NS = 16
NWORKERS = NC * NS
TCHUNK = 2048


def _tr_body(v1, vt_ref, tail_ref, out_ref,
             inb00, inb01, inb10, inb11, outb0, outb1,
             sin0, sin1, sout, sout2):
    inb = ((inb00, inb01), (inb10, inb11))
    sin = (sin0, sin1)
    outb = (outb0, outb1)

    wid = lax.axis_index("s") * NC + lax.axis_index("c")

    talign = v1 // 128 * 128
    rlen = v1 - talign
    nfull = talign // TCHUNK
    tail0 = nfull * TCHUNK
    tlen = talign - tail0
    nmine = (nfull - wid + NWORKERS - 1) // NWORKERS

    lane = lax.iota(jnp.int32, E)
    lane16 = lane * E

    def start_in(c, p):
        for tr in (0, 1):
            pltpu.make_async_copy(
                vt_ref.at[pl.ds(tr * 8, 8), pl.ds(c * TCHUNK, TCHUNK)],
                inb[tr][p], sin[p]).start()

    def wait_in(p):
        for tr in (0, 1):
            pltpu.make_async_copy(
                vt_ref.at[pl.ds(0, 8), pl.ds(0, TCHUNK)],
                inb[tr][p], sin[p]).wait()

    idxs = [lane16 + (tr * 8 + r) for tr in (0, 1) for r in range(8)]

    def transpose_block(p, ngroups, vmask):
        @plsc.parallel_loop(0, ngroups, step=1, carry=jnp.int32(0))
        def _(tg, carry):
            ob = outb[p].at[pl.ds(tg * (E * E), E * E)]
            for tr in (0, 1):
                for r in range(8):
                    val = inb[tr][p][r, pl.ds(tg * E, E)]
                    if vmask is None:
                        plsc.store_scatter(ob, [idxs[tr * 8 + r]], val)
                    else:
                        plsc.store_scatter(ob, [idxs[tr * 8 + r]], val,
                                           mask=vmask(tg))
            return carry

    @pl.when(jnp.logical_and(wid == nfull % NWORKERS, tlen > 0))
    def _():
        for tr in (0, 1):
            pltpu.make_async_copy(
                vt_ref.at[pl.ds(tr * 8, 8), pl.ds(tail0, tlen)],
                inb[tr][0].at[:, pl.ds(0, tlen)], sin[0]).start()
        for tr in (0, 1):
            pltpu.make_async_copy(
                vt_ref.at[pl.ds(0, 8), pl.ds(0, tlen)],
                inb[tr][0].at[:, pl.ds(0, tlen)], sin[0]).wait()
        ngroups = (tlen + E - 1) // E
        transpose_block(0, ngroups,
                        lambda tg: (tg * E + lane) < tlen)
        pltpu.sync_copy(outb[0].at[pl.ds(0, tlen * E)],
                        out_ref.at[pl.ds(tail0 * E, tlen * E)])

    if rlen > 0:
        @pl.when(wid == 17)
        def _():
            pltpu.sync_copy(tail_ref, outb[1].at[pl.ds(0, rlen * E)])
            pltpu.sync_copy(outb[1].at[pl.ds(0, rlen * E)],
                            out_ref.at[pl.ds(talign * E, rlen * E)])

    souts = (sout, sout2)

    def drain_out(p):
        pltpu.make_async_copy(
            outb[p], out_ref.at[pl.ds(0, TCHUNK * E)], souts[p]).wait()

    def start_out(p, c):
        pltpu.make_async_copy(
            outb[p], out_ref.at[pl.ds(c * (TCHUNK * E), TCHUNK * E)],
            souts[p]).start()

    @pl.when(nmine > 0)
    def _():
        start_in(wid, 0)

    def outer(kk, carry):
        for p in (0, 1):
            k = kk * 2 + p
            c = wid + k * NWORKERS

            @pl.when(k < nmine)
            def _():
                wait_in(p)

                @pl.when(k + 1 < nmine)
                def _():
                    start_in(c + NWORKERS, 1 - p)

                @pl.when(k >= 2)
                def _():
                    drain_out(p)

                transpose_block(p, TCHUNK // E, None)
                start_out(p, c)
        return carry

    lax.fori_loop(0, 16, outer, 0)

    @pl.when(nmine >= 1)
    def _():
        drain_out(0)

    @pl.when(nmine >= 2)
    def _():
        drain_out(1)


def _sc_body(rpw, words_ref, ctx_ref, vocab_ref, w_ref, b_ref, out_ref,
             widx, cidx, wacc, cacc, outv, pbuf, wbv, bbv, s_idx, s_acc):
    wid = lax.axis_index("s") * NC + lax.axis_index("c")
    base0 = wid * rpw

    pltpu.sync_copy(w_ref, wbv)
    pltpu.sync_copy(b_ref, bbv)

    pltpu.make_async_copy(
        words_ref.at[:, pl.ds(base0, rpw)], widx, s_idx).start()
    pltpu.make_async_copy(
        ctx_ref.at[:, pl.ds(base0, rpw)], cidx, s_idx).start()

    z16 = jnp.zeros((E,), jnp.float32)

    def zero_body(i, carry):
        wacc[i] = z16
        cacc[i] = z16
        return carry

    lax.fori_loop(0, rpw, zero_body, 0)

    pltpu.make_async_copy(
        words_ref.at[:, pl.ds(0, rpw)], widx, s_idx).wait()

    def wg_body(j, carry):
        pltpu.async_copy(vocab_ref.at[widx.at[j]], wacc, s_acc, add=True)
        return carry

    lax.fori_loop(0, LW, wg_body, 0)

    pltpu.make_async_copy(
        ctx_ref.at[:, pl.ds(0, rpw)], cidx, s_idx).wait()

    def cg_body(j, carry):
        pltpu.async_copy(vocab_ref.at[cidx.at[j]], cacc, s_acc, add=True)
        return carry

    lax.fori_loop(0, LC, cg_body, 0)

    def drain_w(j, carry):
        pltpu.make_async_copy(vocab_ref.at[widx.at[0]], wacc, s_acc).wait()
        return carry

    lax.fori_loop(0, LW, drain_w, 0)

    def drain_c(j, carry):
        pltpu.make_async_copy(vocab_ref.at[cidx.at[0]], cacc, s_acc).wait()
        return carry

    lax.fori_loop(0, LC, drain_c, 0)

    wv = wbv[...]
    bv = bbv[...]
    lane = lax.iota(jnp.int32, E)
    gbase = lane * E

    def group_body(g, carry):
        def prod_body(i, carry2):
            r = g * E + i
            pbuf[pl.ds(i * E, E)] = wacc[r] * cacc[r]
            return carry2

        lax.fori_loop(0, E, prod_body, 0)

        acc = z16
        for c in range(E):
            acc = acc + plsc.load_gather(pbuf, [gbase + c])
        zv = acc * wv + bv
        ov = 1.0 / (1.0 + jnp.exp(-zv))
        outv[pl.ds(g * E, E)] = ov
        return carry

    lax.fori_loop(0, rpw // E, group_body, 0)

    pltpu.sync_copy(outv, out_ref.at[pl.ds(base0, rpw)])


@functools.partial(jax.jit, static_argnames=())
def kernel(words, context, vocab, dense_w, dense_b):
    B, lw = words.shape
    lc = context.shape[1] * context.shape[2]
    assert lw == LW and lc == LC and vocab.shape[1] == E
    assert B % (NWORKERS * E) == 0
    rpw = B // NWORKERS

    words_t = jnp.asarray(words, jnp.int32).T
    ctx_t = jnp.asarray(context, jnp.int32).transpose(2, 1, 0).reshape(LC, B)
    vocab = jnp.asarray(vocab, jnp.float32)
    w16 = jnp.broadcast_to(
        jnp.asarray(dense_w, jnp.float32).reshape(-1)[:1], (E,))
    b16 = jnp.broadcast_to(
        jnp.asarray(dense_b, jnp.float32).reshape(-1)[:1], (E,))

    mesh = plsc.VectorSubcoreMesh(
        core_axis_name="c", subcore_axis_name="s",
        num_cores=NC, num_subcores=NS)

    V = vocab.shape[0]
    vt = vocab.T
    run_tr = pl.kernel(
        functools.partial(_tr_body, V),
        out_type=jax.ShapeDtypeStruct((V * E,), jnp.float32),
        mesh=mesh,
        compiler_params=pltpu.CompilerParams(needs_layout_passes=False),
        scratch_types=[
            pltpu.VMEM((8, TCHUNK), jnp.float32),
            pltpu.VMEM((8, TCHUNK), jnp.float32),
            pltpu.VMEM((8, TCHUNK), jnp.float32),
            pltpu.VMEM((8, TCHUNK), jnp.float32),
            pltpu.VMEM((TCHUNK * E,), jnp.float32),
            pltpu.VMEM((TCHUNK * E,), jnp.float32),
            pltpu.SemaphoreType.DMA,
            pltpu.SemaphoreType.DMA,
            pltpu.SemaphoreType.DMA,
            pltpu.SemaphoreType.DMA,
        ],
    )
    rump0 = V // 128 * 128
    tail_flat = lax.slice(vocab, (rump0, 0), (V, E)).reshape(-1)
    table = run_tr(vt, tail_flat).reshape(V, E)

    run = pl.kernel(
        functools.partial(_sc_body, rpw),
        out_type=jax.ShapeDtypeStruct((B,), jnp.float32),
        mesh=mesh,
        compiler_params=pltpu.CompilerParams(
            needs_layout_passes=False, use_tc_tiling_on_sc=False),
        scratch_types=[
            pltpu.VMEM((LW, rpw), jnp.int32),
            pltpu.VMEM((LC, rpw), jnp.int32),
            pltpu.VMEM((rpw, E), jnp.float32),
            pltpu.VMEM((rpw, E), jnp.float32),
            pltpu.VMEM((rpw,), jnp.float32),
            pltpu.VMEM((E * E,), jnp.float32),
            pltpu.VMEM((E,), jnp.float32),
            pltpu.VMEM((E,), jnp.float32),
            pltpu.SemaphoreType.DMA,
            pltpu.SemaphoreType.DMA,
        ],
    )
    out = run(words_t, ctx_t, table, w16, b16)
    return out.reshape(B, 1)

# --- scband reference (transcript-rebuilt; emitter-appended) ---
"""Pipeline reference for scband-model-26688926777946 (READ-ONLY COPY).

The authoritative reference and input builder live on the scoring server;
editing this copy changes nothing except your own understanding.
"""

import jax, jax.numpy as jnp
import numpy as np

VOCAB_SIZE = 1000000
EMBED = 16
B = 16384

def setup_inputs(seed: int = 0) -> dict:
    key = jax.random.key(seed)
    k1, k2, k3, k4 = jax.random.split(key, 4)
    words = jax.random.randint(k1, (B, 50), 0, VOCAB_SIZE)
    context = jax.random.randint(k2, (B, 20, 5), 0, VOCAB_SIZE)
    # learned params: embedding table [vocab_size+1, embed], dense(1) weight/bias
    vocab = jax.random.uniform(k3, (VOCAB_SIZE + 1, EMBED), minval=-1.0, maxval=1.0, dtype=jnp.float32)
    dense_w = jax.random.normal(k4, (1, 1), dtype=jnp.float32) * 0.05
    dense_b = jnp.zeros((1,), dtype=jnp.float32)
    return {"words": words, "context": context, "vocab": vocab, "dense_w": dense_w, "dense_b": dense_b}

def reference(words, context, vocab, dense_w, dense_b):
    # tf.nn.embedding_lookup -> jnp.take along axis 0
    emb_words = jnp.take(vocab, words, axis=0)        # [B, Lw, E]
    emb_context = jnp.take(vocab, context, axis=0)    # [B, C1, C2, E]
    ctx = jnp.sum(jnp.sum(emb_context, axis=1), axis=1)  # [B, E]
    wrd = jnp.sum(emb_words, axis=1)                     # [B, E]
    # keras Dot(1): inner product along axis 1 -> [B, 1]
    dot_prod = jnp.sum(ctx * wrd, axis=1, keepdims=True)
    # Dense(1, sigmoid)
    out = jax.nn.sigmoid(dot_prod @ dense_w + dense_b)
    return out

if __name__ == "__main__":
    import jax
    _d = setup_inputs()
    print(jax.jit(kernel)(*tuple(_d.values())))

</pallas_src>

<mosaic_0001>
#map = affine_map<(d0, d1) -> (0, 0)>
#map1 = affine_map<(d0, d1) -> (0)>
module attributes {stable_mosaic.version = 14 : i64} {
  func.func @_tr_body(%arg0: i32, %arg1: i32, %arg2: memref<16x1000001xf32, #tpu.memory_space<hbm>>, %arg3: memref<1040xf32, #tpu.memory_space<hbm>>, %arg4: memref<16000016xf32, #tpu.memory_space<hbm>>, %arg5: memref<8x2048xf32, #tpu.memory_space<vmem>>, %arg6: memref<8x2048xf32, #tpu.memory_space<vmem>>, %arg7: memref<8x2048xf32, #tpu.memory_space<vmem>>, %arg8: memref<8x2048xf32, #tpu.memory_space<vmem>>, %arg9: memref<32768xf32, #tpu.memory_space<vmem>>, %arg10: memref<32768xf32, #tpu.memory_space<vmem>>, %arg11: memref<!tpu.dma_semaphore, #tpu.memory_space<semaphore_mem>>, %arg12: memref<!tpu.dma_semaphore, #tpu.memory_space<semaphore_mem>>, %arg13: memref<!tpu.dma_semaphore, #tpu.memory_space<semaphore_mem>>, %arg14: memref<!tpu.dma_semaphore, #tpu.memory_space<semaphore_mem>>) attributes {dimension_semantics = [#tpu.dimension_semantics<core_parallel>, #tpu.dimension_semantics<subcore_parallel>], iteration_bounds = array<i64: 2, 16>, scalar_prefetch = 0 : i64, scratch_operands = 10 : i64, tpu.core_type = #tpu.core_type<sc_vector_subcore>, window_params = [{transform_indices = #map}, {transform_indices = #map1}, {transform_indices = #map1}]} {
    %mul3A = arith.constant 2 : i32
    %mul3A_0 = arith.muli %arg1, %mul3A : i32
    %add3A = arith.addi %mul3A_0, %arg0 : i32
    %sub3A = arith.constant 488 : i32
    %sub3A_1 = arith.subi %sub3A, %add3A : i32
    %add3A_2 = arith.constant 32 : i32
    %add3A_3 = arith.addi %sub3A_1, %add3A_2 : i32
    %sub3A_4 = arith.constant 1 : i32
    %sub3A_5 = arith.subi %add3A_3, %sub3A_4 : i32
    %jit3A = arith.constant 32 : i32
    %div3A = arith.divsi %sub3A_5, %jit3A : i32
    %sign3A = arith.constant 0 : i32
    %sign3A_6 = arith.cmpi sgt, %sub3A_5, %sign3A : i32
    %sign3A_7 = arith.extui %sign3A_6 : i1 to i32
    %sign3A_8 = arith.constant 0 : i32
    %sign3A_9 = arith.cmpi slt, %sub3A_5, %sign3A_8 : i32
    %sign3A_10 = arith.extui %sign3A_9 : i1 to i32
    %sign3A_11 = arith.subi %sign3A_7, %sign3A_10 : i32
    %sign3A_12 = arith.constant 0 : i32
    %sign3A_13 = arith.cmpi sgt, %jit3A, %sign3A_12 : i32
    %sign3A_14 = arith.extui %sign3A_13 : i1 to i32
    %sign3A_15 = arith.constant 0 : i32
    %sign3A_16 = arith.cmpi slt, %jit3A, %sign3A_15 : i32
    %sign3A_17 = arith.extui %sign3A_16 : i1 to i32
    %sign3A_18 = arith.subi %sign3A_14, %sign3A_17 : i32
    %ne3A = arith.cmpi ne, %sign3A_11, %sign3A_18 : i32
    %rem3A = arith.remsi %sub3A_5, %jit3A : i32
    %ne3A_19 = arith.constant 0 : i32
    %ne3A_20 = arith.cmpi ne, %rem3A, %ne3A_19 : i32
    %and3A = arith.andi %ne3A, %ne3A_20 : i1
    %sub3A_21 = arith.constant 1 : i32
    %sub3A_22 = arith.subi %div3A, %sub3A_21 : i32
    %select_n3A = arith.select %and3A, %sub3A_22, %div3A : i32
    %iota3A = tpu.iota {dimensions = array<i32: 0>} : vector<16xi32>
    %mul3A_23 = arith.constant 16 : i32
    %mul3A_24 = vector.broadcast %mul3A_23 : i32 to vector<16xi32>
    %mul3A_25 = arith.muli %iota3A, %mul3A_24 : vector<16xi32>
    %add3A_26 = arith.constant 0 : i32
    %add3A_27 = vector.broadcast %add3A_26 : i32 to vector<16xi32>
    %add3A_28 = arith.addi %mul3A_25, %add3A_27 : vector<16xi32>
    %add3A_29 = arith.constant 1 : i32
    %add3A_30 = vector.broadcast %add3A_29 : i32 to vector<16xi32>
    %add3A_31 = arith.addi %mul3A_25, %add3A_30 : vector<16xi32>
    %add3A_32 = arith.constant 2 : i32
    %add3A_33 = vector.broadcast %add3A_32 : i32 to vector<16xi32>
    %add3A_34 = arith.addi %mul3A_25, %add3A_33 : vector<16xi32>
    %add3A_35 = arith.constant 3 : i32
    %add3A_36 = vector.broadcast %add3A_35 : i32 to vector<16xi32>
    %add3A_37 = arith.addi %mul3A_25, %add3A_36 : vector<16xi32>
    %add3A_38 = arith.constant 4 : i32
    %add3A_39 = vector.broadcast %add3A_38 : i32 to vector<16xi32>
    %add3A_40 = arith.addi %mul3A_25, %add3A_39 : vector<16xi32>
    %add3A_41 = arith.constant 5 : i32
    %add3A_42 = vector.broadcast %add3A_41 : i32 to vector<16xi32>
    %add3A_43 = arith.addi %mul3A_25, %add3A_42 : vector<16xi32>
    %add3A_44 = arith.constant 6 : i32
    %add3A_45 = vector.broadcast %add3A_44 : i32 to vector<16xi32>
    %add3A_46 = arith.addi %mul3A_25, %add3A_45 : vector<16xi32>
    %add3A_47 = arith.constant 7 : i32
    %add3A_48 = vector.broadcast %add3A_47 : i32 to vector<16xi32>
    %add3A_49 = arith.addi %mul3A_25, %add3A_48 : vector<16xi32>
    %add3A_50 = arith.constant 8 : i32
    %add3A_51 = vector.broadcast %add3A_50 : i32 to vector<16xi32>
    %add3A_52 = arith.addi %mul3A_25, %add3A_51 : vector<16xi32>
    %add3A_53 = arith.constant 9 : i32
    %add3A_54 = vector.broadcast %add3A_53 : i32 to vector<16xi32>
    %add3A_55 = arith.addi %mul3A_25, %add3A_54 : vector<16xi32>
    %add3A_56 = arith.constant 10 : i32
    %add3A_57 = vector.broadcast %add3A_56 : i32 to vector<16xi32>
    %add3A_58 = arith.addi %mul3A_25, %add3A_57 : vector<16xi32>
    %add3A_59 = arith.constant 11 : i32
    %add3A_60 = vector.broadcast %add3A_59 : i32 to vector<16xi32>
    %add3A_61 = arith.addi %mul3A_25, %add3A_60 : vector<16xi32>
    %add3A_62 = arith.constant 12 : i32
    %add3A_63 = vector.broadcast %add3A_62 : i32 to vector<16xi32>
    %add3A_64 = arith.addi %mul3A_25, %add3A_63 : vector<16xi32>
    %add3A_65 = arith.constant 13 : i32
    %add3A_66 = vector.broadcast %add3A_65 : i32 to vector<16xi32>
    %add3A_67 = arith.addi %mul3A_25, %add3A_66 : vector<16xi32>
    %add3A_68 = arith.constant 14 : i32
    %add3A_69 = vector.broadcast %add3A_68 : i32 to vector<16xi32>
    %add3A_70 = arith.addi %mul3A_25, %add3A_69 : vector<16xi32>
    %add3A_71 = arith.constant 15 : i32
    %add3A_72 = vector.broadcast %add3A_71 : i32 to vector<16xi32>
    %add3A_73 = arith.addi %mul3A_25, %add3A_72 : vector<16xi32>
    %eq3A = arith.constant 8 : i32
    %eq3A_74 = arith.cmpi eq, %add3A, %eq3A : i32
    %and3A_75 = arith.constant true
    %and3A_76 = arith.andi %eq3A_74, %and3A_75 : i1
    %convert_element_type3A = arith.extui %and3A_76 : i1 to i32
    %cond3A = arith.constant 0 : i32
    %cond3A_77 = arith.cmpi ne, %convert_element_type3A, %cond3A : i32
    scf.if %cond3A_77 {
      %dma_start3A = arith.constant 0 : i32
      %dma_start3A_101 = arith.constant 0 : i32
      %dma_start3A_102 = tpu.memref_slice %arg5[%dma_start3A, %dma_start3A_101] : memref<8x2048xf32, #tpu.memory_space<vmem>> -> memref<8x512xf32, #tpu.memory_space<vmem>>
      %dma_start3A_103 = arith.constant 0 : i32
      %dma_start3A_104 = arith.constant 999424 : i32
      %dma_start3A_105 = tpu.memref_slice %arg2[%dma_start3A_103, %dma_start3A_104] : memref<16x1000001xf32, #tpu.memory_space<hbm>> -> memref<8x512xf32, #tpu.memory_space<hbm>>
      %dma_start3A_106 = arith.constant 0 : i32
      %dma_start3A_107 = arith.constant 0 : i32
      %dma_start3A_108 = tpu.memref_slice %arg5[%dma_start3A_106, %dma_start3A_107] : memref<8x2048xf32, #tpu.memory_space<vmem>> -> memref<8x512xf32, #tpu.memory_space<vmem>>
      %dma_start3A_109 = arith.constant 0 : i32
      %dma_start3A_110 = arith.constant 999424 : i32
      %dma_start3A_111 = tpu.memref_slice %arg2[%dma_start3A_109, %dma_start3A_110] : memref<16x1000001xf32, #tpu.memory_space<hbm>> -> memref<8x512xf32, #tpu.memory_space<hbm>>
      tpu.enqueue_dma source(%dma_start3A_111 : memref<8x512xf32, #tpu.memory_space<hbm>>) target(%dma_start3A_108 : memref<8x512xf32, #tpu.memory_space<vmem>>) target_semaphore(%arg11 : memref<!tpu.dma_semaphore, #tpu.memory_space<semaphore_mem>>)
      %dma_start3A_112 = arith.constant 0 : i32
      %dma_start3A_113 = arith.constant 0 : i32
      %dma_start3A_114 = tpu.memref_slice %arg7[%dma_start3A_112, %dma_start3A_113] : memref<8x2048xf32, #tpu.memory_space<vmem>> -> memref<8x512xf32, #tpu.memory_space<vmem>>
      %dma_start3A_115 = arith.constant 8 : i32
      %dma_start3A_116 = arith.constant 999424 : i32
      %dma_start3A_117 = tpu.memref_slice %arg2[%dma_start3A_115, %dma_start3A_116] : memref<16x1000001xf32, #tpu.memory_space<hbm>> -> memref<8x512xf32, #tpu.memory_space<hbm>>
      %dma_start3A_118 = arith.constant 0 : i32
      %dma_start3A_119 = arith.constant 0 : i32
      %dma_start3A_120 = tpu.memref_slice %arg7[%dma_start3A_118, %dma_start3A_119] : memref<8x2048xf32, #tpu.memory_space<vmem>> -> memref<8x512xf32, #tpu.memory_space<vmem>>
      %dma_start3A_121 = arith.constant 8 : i32
      %dma_start3A_122 = arith.constant 999424 : i32
      %dma_start3A_123 = tpu.memref_slice %arg2[%dma_start3A_121, %dma_start3A_122] : memref<16x1000001xf32, #tpu.memory_space<hbm>> -> memref<8x512xf32, #tpu.memory_space<hbm>>
      tpu.enqueue_dma source(%dma_start3A_123 : memref<8x512xf32, #tpu.memory_space<hbm>>) target(%dma_start3A_120 : memref<8x512xf32, #tpu.memory_space<vmem>>) target_semaphore(%arg11 : memref<!tpu.dma_semaphore, #tpu.memory_space<semaphore_mem>>)
      %dma_wait3A = arith.constant 0 : i32
      %dma_wait3A_124 = arith.constant 0 : i32
      %dma_wait3A_125 = tpu.memref_slice %arg5[%dma_wait3A, %dma_wait3A_124] : memref<8x2048xf32, #tpu.memory_space<vmem>> -> memref<8x512xf32, #tpu.memory_space<vmem>>
      %dma_wait3A_126 = arith.constant 0 : i32
      %dma_wait3A_127 = arith.constant 0 : i32
      %dma_wait3A_128 = tpu.memref_slice %arg2[%dma_wait3A_126, %dma_wait3A_127] : memref<16x1000001xf32, #tpu.memory_space<hbm>> -> memref<8x512xf32, #tpu.memory_space<hbm>>
      %dma_wait3A_129 = arith.constant 0 : i32
      %dma_wait3A_130 = arith.constant 0 : i32
      %dma_wait3A_131 = tpu.memref_slice %arg5[%dma_wait3A_129, %dma_wait3A_130] : memref<8x2048xf32, #tpu.memory_space<vmem>> -> memref<8x512xf32, #tpu.memory_space<vmem>>
      %dma_wait3A_132 = arith.constant 0 : i32
      %dma_wait3A_133 = arith.constant 0 : i32
      %dma_wait3A_134 = tpu.memref_slice %arg2[%dma_wait3A_132, %dma_wait3A_133] : memref<16x1000001xf32, #tpu.memory_space<hbm>> -> memref<8x512xf32, #tpu.memory_space<hbm>>
      tpu.wait_dma2 semaphore(%arg11 : memref<!tpu.dma_semaphore, #tpu.memory_space<semaphore_mem>>) src(%dma_wait3A_134 : memref<8x512xf32, #tpu.memory_space<hbm>>) dst(%dma_wait3A_131 : memref<8x512xf32, #tpu.memory_space<vmem>>)
      %dma_wait3A_135 = arith.constant 0 : i32
      %dma_wait3A_136 = arith.constant 0 : i32
      %dma_wait3A_137 = tpu.memref_slice %arg7[%dma_wait3A_135, %dma_wait3A_136] : memref<8x2048xf32, #tpu.memory_space<vmem>> -> memref<8x512xf32, #tpu.memory_space<vmem>>
      %dma_wait3A_138 = arith.constant 0 : i32
      %dma_wait3A_139 = arith.constant 0 : i32
      %dma_wait3A_140 = tpu.memref_slice %arg2[%dma_wait3A_138, %dma_wait3A_139] : memref<16x1000001xf32, #tpu.memory_space<hbm>> -> memref<8x512xf32, #tpu.memory_space<hbm>>
      %dma_wait3A_141 = arith.constant 0 : i32
      %dma_wait3A_142 = arith.constant 0 : i32
      %dma_wait3A_143 = tpu.memref_slice %arg7[%dma_wait3A_141, %dma_wait3A_142] : memref<8x2048xf32, #tpu.memory_space<vmem>> -> memref<8x512xf32, #tpu.memory_space<vmem>>
      %dma_wait3A_144 = arith.constant 0 : i32
      %dma_wait3A_145 = arith.constant 0 : i32
      %dma_wait3A_146 = tpu.memref_slice %arg2[%dma_wait3A_144, %dma_wait3A_145] : memref<16x1000001xf32, #tpu.memory_space<hbm>> -> memref<8x512xf32, #tpu.memory_space<hbm>>
      tpu.wait_dma2 semaphore(%arg11 : memref<!tpu.dma_semaphore, #tpu.memory_space<semaphore_mem>>) src(%dma_wait3A_146 : memref<8x512xf32, #tpu.memory_space<hbm>>) dst(%dma_wait3A_143 : memref<8x512xf32, #tpu.memory_space<vmem>>)
      %parallel_loop3A = arith.constant 0 : i32
      %parallel_loop3A_147 = arith.constant 32 : i32
      %parallel_loop3A_148 = arith.constant 1 : i32
      %parallel_loop3A_149 = arith.constant 0 : i32
      %parallel_loop3A_150 = scf.for %parallel_loop3A_151 = %parallel_loop3A to %parallel_loop3A_147 step %parallel_loop3A_148 iter_args(%parallel_loop3A_152 = %parallel_loop3A_149) -> (i32)  : i32 {
        %parallel_loop3A_153 = arith.constant 256 : i32
        %parallel_loop3A_154 = arith.muli %parallel_loop3A_151, %parallel_loop3A_153 : i32
        %parallel_loop3A_155 = arith.constant 16 : i32
        %parallel_loop3A_156 = arith.muli %parallel_loop3A_151, %parallel_loop3A_155 : i32
        %parallel_loop3A_157 = arith.constant 0 : i32
        %parallel_loop3A_158 = arith.index_cast %parallel_loop3A_157 : i32 to index
        %parallel_loop3A_159 = arith.index_cast %parallel_loop3A_156 : i32 to index
        %parallel_loop3A_160 = tpu.vector_load %arg5[%parallel_loop3A_158, %parallel_loop3A_159] {strides = array<i32>} : memref<8x2048xf32, #tpu.memory_space<vmem>>, vector<16xf32>,
        %parallel_loop3A_161 = arith.constant 16 : i32
        %parallel_loop3A_162 = arith.muli %parallel_loop3A_151, %parallel_loop3A_161 : i32
        %parallel_loop3A_163 = vector.broadcast %parallel_loop3A_162 : i32 to vector<16xi32>
        %parallel_loop3A_164 = arith.addi %parallel_loop3A_163, %iota3A : vector<16xi32>
        %parallel_loop3A_165 = arith.constant 512 : i32
        %parallel_loop3A_166 = vector.broadcast %parallel_loop3A_165 : i32 to vector<16xi32>
        %parallel_loop3A_167 = arith.cmpi slt, %parallel_loop3A_164, %parallel_loop3A_166 : vector<16xi32>
        %parallel_loop3A_168 = tpu.memref_slice %arg9[%parallel_loop3A_154] : memref<32768xf32, #tpu.memory_space<vmem>> -> memref<256xf32, #tpu.memory_space<vmem>>
        tpu.vector_store_idx %parallel_loop3A_168[%add3A_28], %parallel_loop3A_160 masked %parallel_loop3A_167 : memref<256xf32, #tpu.memory_space<vmem>>[vector<16xi32>], vector<16xf32>, vector<16xi1>
        %parallel_loop3A_169 = arith.constant 16 : i32
        %parallel_loop3A_170 = arith.muli %parallel_loop3A_151, %parallel_loop3A_169 : i32
        %parallel_loop3A_171 = arith.constant 1 : i32
        %parallel_loop3A_172 = arith.index_cast %parallel_loop3A_171 : i32 to index
        %parallel_loop3A_173 = arith.index_cast %parallel_loop3A_170 : i32 to index
        %parallel_loop3A_174 = tpu.vector_load %arg5[%parallel_loop3A_172, %parallel_loop3A_173] {strides = array<i32>} : memref<8x2048xf32, #tpu.memory_space<vmem>>, vector<16xf32>,
        %parallel_loop3A_175 = arith.constant 16 : i32
        %parallel_loop3A_176 = arith.muli %parallel_loop3A_151, %parallel_loop3A_175 : i32
        %parallel_loop3A_177 = vector.broadcast %parallel_loop3A_176 : i32 to vector<16xi32>
        %parallel_loop3A_178 = arith.addi %parallel_loop3A_177, %iota3A : vector<16xi32>
        %parallel_loop3A_179 = arith.constant 512 : i32
        %parallel_loop3A_180 = vector.broadcast %parallel_loop3A_179 : i32 to vector<16xi32>
        %parallel_loop3A_181 = arith.cmpi slt, %parallel_loop3A_178, %parallel_loop3A_180 : vector<16xi32>
        %parallel_loop3A_182 = tpu.memref_slice %arg9[%parallel_loop3A_154] : memref<32768xf32, #tpu.memory_space<vmem>> -> memref<256xf32, #tpu.memory_space<vmem>>
        tpu.vector_store_idx %parallel_loop3A_182[%add3A_31], %parallel_loop3A_174 masked %parallel_loop3A_181 : memref<256xf32, #tpu.memory_space<vmem>>[vector<16xi32>], vector<16xf32>, vector<16xi1>
        %parallel_loop3A_183 = arith.constant 16 : i32
        %parallel_loop3A_184 = arith.muli %parallel_loop3A_151, %parallel_loop3A_183 : i32
        %parallel_loop3A_185 = arith.constant 2 : i32
        %parallel_loop3A_186 = arith.index_cast %parallel_loop3A_185 : i32 to index
        %parallel_loop3A_187 = arith.index_cast %parallel_loop3A_184 : i32 to index
        %parallel_loop3A_188 = tpu.vector_load %arg5[%parallel_loop3A_186, %parallel_loop3A_187] {strides = array<i32>} : memref<8x2048xf32, #tpu.memory_space<vmem>>, vector<16xf32>,
        %parallel_loop3A_189 = arith.constant 16 : i32
        %parallel_loop3A_190 = arith.muli %parallel_loop3A_151, %parallel_loop3A_189 : i32
        %parallel_loop3A_191 = vector.broadcast %parallel_loop3A_190 : i32 to vector<16xi32>
        %parallel_loop3A_192 = arith.addi %parallel_loop3A_191, %iota3A : vector<16xi32>
        %parallel_loop3A_193 = arith.constant 512 : i32
        %parallel_loop3A_194 = vector.broadcast %parallel_loop3A_193 : i32 to vector<16xi32>
        %parallel_loop3A_195 = arith.cmpi slt, %parallel_loop3A_192, %parallel_loop3A_194 : vector<16xi32>
        %parallel_loop3A_196 = tpu.memref_slice %arg9[%parallel_loop3A_154] : memref<32768xf32, #tpu.memory_space<vmem>> -> memref<256xf32, #tpu.memory_space<vmem>>
        tpu.vector_store_idx %parallel_loop3A_196[%add3A_34], %parallel_loop3A_188 masked %parallel_loop3A_195 : memref<256xf32, #tpu.memory_space<vmem>>[vector<16xi32>], vector<16xf32>, vector<16xi1>
        %parallel_loop3A_197 = arith.constant 16 : i32
        %parallel_loop3A_198 = arith.muli %parallel_loop3A_151, %parallel_loop3A_197 : i32
        %parallel_loop3A_199 = arith.constant 3 : i32
        %parallel_loop3A_200 = arith.index_cast %parallel_loop3A_199 : i32 to index
        %parallel_loop3A_201 = arith.index_cast %parallel_loop3A_198 : i32 to index
        %parallel_loop3A_202 = tpu.vector_load %arg5[%parallel_loop3A_200, %parallel_loop3A_201] {strides = array<i32>} : memref<8x2048xf32, #tpu.memory_space<vmem>>, vector<16xf32>,
        %parallel_loop3A_203 = arith.constant 16 : i32
        %parallel_loop3A_204 = arith.muli %parallel_loop3A_151, %parallel_loop3A_203 : i32
        %parallel_loop3A_205 = vector.broadcast %parallel_loop3A_204 : i32 to vector<16xi32>
        %parallel_loop3A_206 = arith.addi %parallel_loop3A_205, %iota3A : vector<16xi32>
        %parallel_loop3A_207 = arith.constant 512 : i32
        %parallel_loop3A_208 = vector.broadcast %parallel_loop3A_207 : i32 to vector<16xi32>
        %parallel_loop3A_209 = arith.cmpi slt, %parallel_loop3A_206, %parallel_loop3A_208 : vector<16xi32>
        %parallel_loop3A_210 = tpu.memref_slice %arg9[%parallel_loop3A_154] : memref<32768xf32, #tpu.memory_space<vmem>> -> memref<256xf32, #tpu.memory_space<vmem>>
        tpu.vector_store_idx %parallel_loop3A_210[%add3A_37], %parallel_loop3A_202 masked %parallel_loop3A_209 : memref<256xf32, #tpu.memory_space<vmem>>[vector<16xi32>], vector<16xf32>, vector<16xi1>
        %parallel_loop3A_211 = arith.constant 16 : i32
        %parallel_loop3A_212 = arith.muli %parallel_loop3A_151, %parallel_loop3A_211 : i32
        %parallel_loop3A_213 = arith.constant 4 : i32
        %parallel_loop3A_214 = arith.index_cast %parallel_loop3A_213 : i32 to index
        %parallel_loop3A_215 = arith.index_cast %parallel_loop3A_212 : i32 to index
        %parallel_loop3A_216 = tpu.vector_load %arg5[%parallel_loop3A_214, %parallel_loop3A_215] {strides = array<i32>} : memref<8x2048xf32, #tpu.memory_space<vmem>>, vector<16xf32>,
        %parallel_loop3A_217 = arith.constant 16 : i32
        %parallel_loop3A_218 = arith.muli %parallel_loop3A_151, %parallel_loop3A_217 : i32
        %parallel_loop3A_219 = vector.broadcast %parallel_loop3A_218 : i32 to vector<16xi32>
        %parallel_loop3A_220 = arith.addi %parallel_loop3A_219, %iota3A : vector<16xi32>
        %parallel_loop3A_221 = arith.constant 512 : i32
        %parallel_loop3A_222 = vector.broadcast %parallel_loop3A_221 : i32 to vector<16xi32>
        %parallel_loop3A_223 = arith.cmpi slt, %parallel_loop3A_220, %parallel_loop3A_222 : vector<16xi32>
        %parallel_loop3A_224 = tpu.memref_slice %arg9[%parallel_loop3A_154] : memref<32768xf32, #tpu.memory_space<vmem>> -> memref<256xf32, #tpu.memory_space<vmem>>
        tpu.vector_store_idx %parallel_loop3A_224[%add3A_40], %parallel_loop3A_216 masked %parallel_loop3A_223 : memref<256xf32, #tpu.memory_space<vmem>>[vector<16xi32>], vector<16xf32>, vector<16xi1>
        %parallel_loop3A_225 = arith.constant 16 : i32
        %parallel_loop3A_226 = arith.muli %parallel_loop3A_151, %parallel_loop3A_225 : i32
        %parallel_loop3A_227 = arith.constant 5 : i32
        %parallel_loop3A_228 = arith.index_cast %parallel_loop3A_227 : i32 to index
        %parallel_loop3A_229 = arith.index_cast %parallel_loop3A_226 : i32 to index
        %parallel_loop3A_230 = tpu.vector_load %arg5[%parallel_loop3A_228, %parallel_loop3A_229] {strides = array<i32>} : memref<8x2048xf32, #tpu.memory_space<vmem>>, vector<16xf32>,
        %parallel_loop3A_231 = arith.constant 16 : i32
        %parallel_loop3A_232 = arith.muli %parallel_loop3A_151, %parallel_loop3A_231 : i32
        %parallel_loop3A_233 = vector.broadcast %parallel_loop3A_232 : i32 to vector<16xi32>
        %parallel_loop3A_234 = arith.addi %parallel_loop3A_233, %iota3A : vector<16xi32>
        %parallel_loop3A_235 = arith.constant 512 : i32
        %parallel_loop3A_236 = vector.broadcast %parallel_loop3A_235 : i32 to vector<16xi32>
        %parallel_loop3A_237 = arith.cmpi slt, %parallel_loop3A_234, %parallel_loop3A_236 : vector<16xi32>
        %parallel_loop3A_238 = tpu.memref_slice %arg9[%parallel_loop3A_154] : memref<32768xf32, #tpu.memory_space<vmem>> -> memref<256xf32, #tpu.memory_space<vmem>>
        tpu.vector_store_idx %parallel_loop3A_238[%add3A_43], %parallel_loop3A_230 masked %parallel_loop3A_237 : memref<256xf32, #tpu.memory_space<vmem>>[vector<16xi32>], vector<16xf32>, vector<16xi1>
        %parallel_loop3A_239 = arith.constant 16 : i32
        %parallel_loop3A_240 = arith.muli %parallel_loop3A_151, %parallel_loop3A_239 : i32
        %parallel_loop3A_241 = arith.constant 6 : i32
        %parallel_loop3A_242 = arith.index_cast %parallel_loop3A_241 : i32 to index
        %parallel_loop3A_243 = arith.index_cast %parallel_loop3A_240 : i32 to index
        %parallel_loop3A_244 = tpu.vector_load %arg5[%parallel_loop3A_242, %parallel_loop3A_243] {strides = array<i32>} : memref<8x2048xf32, #tpu.memory_space<vmem>>, vector<16xf32>,
        %parallel_loop3A_245 = arith.constant 16 : i32
        %parallel_loop3A_246 = arith.muli %parallel_loop3A_151, %parallel_loop3A_245 : i32
        %parallel_loop3A_247 = vector.broadcast %parallel_loop3A_246 : i32 to vector<16xi32>
        %parallel_loop3A_248 = arith.addi %parallel_loop3A_247, %iota3A : vector<16xi32>
        %parallel_loop3A_249 = arith.constant 512 : i32
        %parallel_loop3A_250 = vector.broadcast %parallel_loop3A_249 : i32 to vector<16xi32>
        %parallel_loop3A_251 = arith.cmpi slt, %parallel_loop3A_248, %parallel_loop3A_250 : vector<16xi32>
        %parallel_loop3A_252 = tpu.memref_slice %arg9[%parallel_loop3A_154] : memref<32768xf32, #tpu.memory_space<vmem>> -> memref<256xf32, #tpu.memory_space<vmem>>
        tpu.vector_store_idx %parallel_loop3A_252[%add3A_46], %parallel_loop3A_244 masked %parallel_loop3A_251 : memref<256xf32, #tpu.memory_space<vmem>>[vector<16xi32>], vector<16xf32>, vector<16xi1>
        %parallel_loop3A_253 = arith.constant 16 : i32
        %parallel_loop3A_254 = arith.muli %parallel_loop3A_151, %parallel_loop3A_253 : i32
        %parallel_loop3A_255 = arith.constant 7 : i32
        %parallel_loop3A_256 = arith.index_cast %parallel_loop3A_255 : i32 to index
        %parallel_loop3A_257 = arith.index_cast %parallel_loop3A_254 : i32 to index
        %parallel_loop3A_258 = tpu.vector_load %arg5[%parallel_loop3A_256, %parallel_loop3A_257] {strides = array<i32>} : memref<8x2048xf32, #tpu.memory_space<vmem>>, vector<16xf32>,
        %parallel_loop3A_259 = arith.constant 16 : i32
        %parallel_loop3A_260 = arith.muli %parallel_loop3A_151, %parallel_loop3A_259 : i32
        %parallel_loop3A_261 = vector.broadcast %parallel_loop3A_260 : i32 to vector<16xi32>
        %parallel_loop3A_262 = arith.addi %parallel_loop3A_261, %iota3A : vector<16xi32>
        %parallel_loop3A_263 = arith.constant 512 : i32
        %parallel_loop3A_264 = vector.broadcast %parallel_loop3A_263 : i32 to vector<16xi32>
        %parallel_loop3A_265 = arith.cmpi slt, %parallel_loop3A_262, %parallel_loop3A_264 : vector<16xi32>
        %parallel_loop3A_266 = tpu.memref_slice %arg9[%parallel_loop3A_154] : memref<32768xf32, #tpu.memory_space<vmem>> -> memref<256xf32, #tpu.memory_space<vmem>>
        tpu.vector_store_idx %parallel_loop3A_266[%add3A_49], %parallel_loop3A_258 masked %parallel_loop3A_265 : memref<256xf32, #tpu.memory_space<vmem>>[vector<16xi32>], vector<16xf32>, vector<16xi1>
        %parallel_loop3A_267 = arith.constant 16 : i32
        %parallel_loop3A_268 = arith.muli %parallel_loop3A_151, %parallel_loop3A_267 : i32
        %parallel_loop3A_269 = arith.constant 0 : i32
        %parallel_loop3A_270 = arith.index_cast %parallel_loop3A_269 : i32 to index
        %parallel_loop3A_271 = arith.index_cast %parallel_loop3A_268 : i32 to index
        %parallel_loop3A_272 = tpu.vector_load %arg7[%parallel_loop3A_270, %parallel_loop3A_271] {strides = array<i32>} : memref<8x2048xf32, #tpu.memory_space<vmem>>, vector<16xf32>,
        %parallel_loop3A_273 = arith.constant 16 : i32
        %parallel_loop3A_274 = arith.muli %parallel_loop3A_151, %parallel_loop3A_273 : i32
        %parallel_loop3A_275 = vector.broadcast %parallel_loop3A_274 : i32 to vector<16xi32>
        %parallel_loop3A_276 = arith.addi %parallel_loop3A_275, %iota3A : vector<16xi32>
        %parallel_loop3A_277 = arith.constant 512 : i32
        %parallel_loop3A_278 = vector.broadcast %parallel_loop3A_277 : i32 to vector<16xi32>
        %parallel_loop3A_279 = arith.cmpi slt, %parallel_loop3A_276, %parallel_loop3A_278 : vector<16xi32>
        %parallel_loop3A_280 = tpu.memref_slice %arg9[%parallel_loop3A_154] : memref<32768xf32, #tpu.memory_space<vmem>> -> memref<256xf32, #tpu.memory_space<vmem>>
        tpu.vector_store_idx %parallel_loop3A_280[%add3A_52], %parallel_loop3A_272 masked %parallel_loop3A_279 : memref<256xf32, #tpu.memory_space<vmem>>[vector<16xi32>], vector<16xf32>, vector<16xi1>
        %parallel_loop3A_281 = arith.constant 16 : i32
        %parallel_loop3A_282 = arith.muli %parallel_loop3A_151, %parallel_loop3A_281 : i32
        %parallel_loop3A_283 = arith.constant 1 : i32
        %parallel_loop3A_284 = arith.index_cast %parallel_loop3A_283 : i32 to index
        %parallel_loop3A_285 = arith.index_cast %parallel_loop3A_282 : i32 to index
        %parallel_loop3A_286 = tpu.vector_load %arg7[%parallel_loop3A_284, %parallel_loop3A_285] {strides = array<i32>} : memref<8x2048xf32, #tpu.memory_space<vmem>>, vector<16xf32>,
        %parallel_loop3A_287 = arith.constant 16 : i32
        %parallel_loop3A_288 = arith.muli %parallel_loop3A_151, %parallel_loop3A_287 : i32
        %parallel_loop3A_289 = vector.broadcast %parallel_loop3A_288 : i32 to vector<16xi32>
        %parallel_loop3A_290 = arith.addi %parallel_loop3A_289, %iota3A : vector<16xi32>
        %parallel_loop3A_291 = arith.constant 512 : i32
        %parallel_loop3A_292 = vector.broadcast %parallel_loop3A_291 : i32 to vector<16xi32>
        %parallel_loop3A_293 = arith.cmpi slt, %parallel_loop3A_290, %parallel_loop3A_292 : vector<16xi32>
        %parallel_loop3A_294 = tpu.memref_slice %arg9[%parallel_loop3A_154] : memref<32768xf32, #tpu.memory_space<vmem>> -> memref<256xf32, #tpu.memory_space<vmem>>
        tpu.vector_store_idx %parallel_loop3A_294[%add3A_55], %parallel_loop3A_286 masked %parallel_loop3A_293 : memref<256xf32, #tpu.memory_space<vmem>>[vector<16xi32>], vector<16xf32>, vector<16xi1>
        %parallel_loop3A_295 = arith.constant 16 : i32
        %parallel_loop3A_296 = arith.muli %parallel_loop3A_151, %parallel_loop3A_295 : i32
        %parallel_loop3A_297 = arith.constant 2 : i32
        %parallel_loop3A_298 = arith.index_cast %parallel_loop3A_297 : i32 to index
        %parallel_loop3A_299 = arith.index_cast %parallel_loop3A_296 : i32 to index
        %parallel_loop3A_300 = tpu.vector_load %arg7[%parallel_loop3A_298, %parallel_loop3A_299] {strides = array<i32>} : memref<8x2048xf32, #tpu.memory_space<vmem>>, vector<16xf32>,
        %parallel_loop3A_301 = arith.constant 16 : i32
        %parallel_loop3A_302 = arith.muli %parallel_loop3A_151, %parallel_loop3A_301 : i32
        %parallel_loop3A_303 = vector.broadcast %parallel_loop3A_302 : i32 to vector<16xi32>
        %parallel_loop3A_304 = arith.addi %parallel_loop3A_303, %iota3A : vector<16xi32>
        %parallel_loop3A_305 = arith.constant 512 : i32
        %parallel_loop3A_306 = vector.broadcast %parallel_loop3A_305 : i32 to vector<16xi32>
        %parallel_loop3A_307 = arith.cmpi slt, %parallel_loop3A_304, %parallel_loop3A_306 : vector<16xi32>
        %parallel_loop3A_308 = tpu.memref_slice %arg9[%parallel_loop3A_154] : memref<32768xf32, #tpu.memory_space<vmem>> -> memref<256xf32, #tpu.memory_space<vmem>>
        tpu.vector_store_idx %parallel_loop3A_308[%add3A_58], %parallel_loop3A_300 masked %parallel_loop3A_307 : memref<256xf32, #tpu.memory_space<vmem>>[vector<16xi32>], vector<16xf32>, vector<16xi1>
        %parallel_loop3A_309 = arith.constant 16 : i32
        %parallel_loop3A_310 = arith.muli %parallel_loop3A_151, %parallel_loop3A_309 : i32
        %parallel_loop3A_311 = arith.constant 3 : i32
        %parallel_loop3A_312 = arith.index_cast %parallel_loop3A_311 : i32 to index
        %parallel_loop3A_313 = arith.index_cast %parallel_loop3A_310 : i32 to index
        %parallel_loop3A_314 = tpu.vector_load %arg7[%parallel_loop3A_312, %parallel_loop3A_313] {strides = array<i32>} : memref<8x2048xf32, #tpu.memory_space<vmem>>, vector<16xf32>,
        %parallel_loop3A_315 = arith.constant 16 : i32
        %parallel_loop3A_316 = arith.muli %parallel_loop3A_151, %parallel_loop3A_315 : i32
        %parallel_loop3A_317 = vector.broadcast %parallel_loop3A_316 : i32 to vector<16xi32>
        %parallel_loop3A_318 = arith.addi %parallel_loop3A_317, %iota3A : vector<16xi32>
        %parallel_loop3A_319 = arith.constant 512 : i32
        %parallel_loop3A_320 = vector.broadcast %parallel_loop3A_319 : i32 to vector<16xi32>
        %parallel_loop3A_321 = arith.cmpi slt, %parallel_loop3A_318, %parallel_loop3A_320 : vector<16xi32>
        %parallel_loop3A_322 = tpu.memref_slice %arg9[%parallel_loop3A_154] : memref<32768xf32, #tpu.memory_space<vmem>> -> memref<256xf32, #tpu.memory_space<vmem>>
        tpu.vector_store_idx %parallel_loop3A_322[%add3A_61], %parallel_loop3A_314 masked %parallel_loop3A_321 : memref<256xf32, #tpu.memory_space<vmem>>[vector<16xi32>], vector<16xf32>, vector<16xi1>
        %parallel_loop3A_323 = arith.constant 16 : i32
        %parallel_loop3A_324 = arith.muli %parallel_loop3A_151, %parallel_loop3A_323 : i32
        %parallel_loop3A_325 = arith.constant 4 : i32
        %parallel_loop3A_326 = arith.index_cast %parallel_loop3A_325 : i32 to index
        %parallel_loop3A_327 = arith.index_cast %parallel_loop3A_324 : i32 to index
        %parallel_loop3A_328 = tpu.vector_load %arg7[%parallel_loop3A_326, %parallel_loop3A_327] {strides = array<i32>} : memref<8x2048xf32, #tpu.memory_space<vmem>>, vector<16xf32>,
        %parallel_loop3A_329 = arith.constant 16 : i32
        %parallel_loop3A_330 = arith.muli %parallel_loop3A_151, %parallel_loop3A_329 : i32
        %parallel_loop3A_331 = vector.broadcast %parallel_loop3A_330 : i32 to vector<16xi32>
        %parallel_loop3A_332 = arith.addi %parallel_loop3A_331, %iota3A : vector<16xi32>
        %parallel_loop3A_333 = arith.constant 512 : i32
        %parallel_loop3A_334 = vector.broadcast %parallel_loop3A_333 : i32 to vector<16xi32>
        %parallel_loop3A_335 = arith.cmpi slt, %parallel_loop3A_332, %parallel_loop3A_334 : vector<16xi32>
        %parallel_loop3A_336 = tpu.memref_slice %arg9[%parallel_loop3A_154] : memref<32768xf32, #tpu.memory_space<vmem>> -> memref<256xf32, #tpu.memory_space<vmem>>
        tpu.vector_store_idx %parallel_loop3A_336[%add3A_64], %parallel_loop3A_328 masked %parallel_loop3A_335 : memref<256xf32, #tpu.memory_space<vmem>>[vector<16xi32>], vector<16xf32>, vector<16xi1>
        %parallel_loop3A_337 = arith.constant 16 : i32
        %parallel_loop3A_338 = arith.muli %parallel_loop3A_151, %parallel_loop3A_337 : i32
        %parallel_loop3A_339 = arith.constant 5 : i32
        %parallel_loop3A_340 = arith.index_cast %parallel_loop3A_339 : i32 to index
        %parallel_loop3A_341 = arith.index_cast %parallel_loop3A_338 : i32 to index
        %parallel_loop3A_342 = tpu.vector_load %arg7[%parallel_loop3A_340, %parallel_loop3A_341] {strides = array<i32>} : memref<8x2048xf32, #tpu.memory_space<vmem>>, vector<16xf32>,
        %parallel_loop3A_343 = arith.constant 16 : i32
        %parallel_loop3A_344 = arith.muli %parallel_loop3A_151, %parallel_loop3A_343 : i32
        %parallel_loop3A_345 = vector.broadcast %parallel_loop3A_344 : i32 to vector<16xi32>
        %parallel_loop3A_346 = arith.addi %parallel_loop3A_345, %iota3A : vector<16xi32>
        %parallel_loop3A_347 = arith.constant 512 : i32
        %parallel_loop3A_348 = vector.broadcast %parallel_loop3A_347 : i32 to vector<16xi32>
        %parallel_loop3A_349 = arith.cmpi slt, %parallel_loop3A_346, %parallel_loop3A_348 : vector<16xi32>
        %parallel_loop3A_350 = tpu.memref_slice %arg9[%parallel_loop3A_154] : memref<32768xf32, #tpu.memory_space<vmem>> -> memref<256xf32, #tpu.memory_space<vmem>>
        tpu.vector_store_idx %parallel_loop3A_350[%add3A_67], %parallel_loop3A_342 masked %parallel_loop3A_349 : memref<256xf32, #tpu.memory_space<vmem>>[vector<16xi32>], vector<16xf32>, vector<16xi1>
        %parallel_loop3A_351 = arith.constant 16 : i32
        %parallel_loop3A_352 = arith.muli %parallel_loop3A_151, %parallel_loop3A_351 : i32
        %parallel_loop3A_353 = arith.constant 6 : i32
        %parallel_loop3A_354 = arith.index_cast %parallel_loop3A_353 : i32 to index
        %parallel_loop3A_355 = arith.index_cast %parallel_loop3A_352 : i32 to index
        %parallel_loop3A_356 = tpu.vector_load %arg7[%parallel_loop3A_354, %parallel_loop3A_355] {strides = array<i32>} : memref<8x2048xf32, #tpu.memory_space<vmem>>, vector<16xf32>,
        %parallel_loop3A_357 = arith.constant 16 : i32
        %parallel_loop3A_358 = arith.muli %parallel_loop3A_151, %parallel_loop3A_357 : i32
        %parallel_loop3A_359 = vector.broadcast %parallel_loop3A_358 : i32 to vector<16xi32>
        %parallel_loop3A_360 = arith.addi %parallel_loop3A_359, %iota3A : vector<16xi32>
        %parallel_loop3A_361 = arith.constant 512 : i32
        %parallel_loop3A_362 = vector.broadcast %parallel_loop3A_361 : i32 to vector<16xi32>
        %parallel_loop3A_363 = arith.cmpi slt, %parallel_loop3A_360, %parallel_loop3A_362 : vector<16xi32>
        %parallel_loop3A_364 = tpu.memref_slice %arg9[%parallel_loop3A_154] : memref<32768xf32, #tpu.memory_space<vmem>> -> memref<256xf32, #tpu.memory_space<vmem>>
        tpu.vector_store_idx %parallel_loop3A_364[%add3A_70], %parallel_loop3A_356 masked %parallel_loop3A_363 : memref<256xf32, #tpu.memory_space<vmem>>[vector<16xi32>], vector<16xf32>, vector<16xi1>
        %parallel_loop3A_365 = arith.constant 16 : i32
        %parallel_loop3A_366 = arith.muli %parallel_loop3A_151, %parallel_loop3A_365 : i32
        %parallel_loop3A_367 = arith.constant 7 : i32
        %parallel_loop3A_368 = arith.index_cast %parallel_loop3A_367 : i32 to index
        %parallel_loop3A_369 = arith.index_cast %parallel_loop3A_366 : i32 to index
        %parallel_loop3A_370 = tpu.vector_load %arg7[%parallel_loop3A_368, %parallel_loop3A_369] {strides = array<i32>} : memref<8x2048xf32, #tpu.memory_space<vmem>>, vector<16xf32>,
        %parallel_loop3A_371 = arith.constant 16 : i32
        %parallel_loop3A_372 = arith.muli %parallel_loop3A_151, %parallel_loop3A_371 : i32
        %parallel_loop3A_373 = vector.broadcast %parallel_loop3A_372 : i32 to vector<16xi32>
        %parallel_loop3A_374 = arith.addi %parallel_loop3A_373, %iota3A : vector<16xi32>
        %parallel_loop3A_375 = arith.constant 512 : i32
        %parallel_loop3A_376 = vector.broadcast %parallel_loop3A_375 : i32 to vector<16xi32>
        %parallel_loop3A_377 = arith.cmpi slt, %parallel_loop3A_374, %parallel_loop3A_376 : vector<16xi32>
        %parallel_loop3A_378 = tpu.memref_slice %arg9[%parallel_loop3A_154] : memref<32768xf32, #tpu.memory_space<vmem>> -> memref<256xf32, #tpu.memory_space<vmem>>
        tpu.vector_store_idx %parallel_loop3A_378[%add3A_73], %parallel_loop3A_370 masked %parallel_loop3A_377 : memref<256xf32, #tpu.memory_space<vmem>>[vector<16xi32>], vector<16xf32>, vector<16xi1>
        scf.yield %parallel_loop3A_152 : i32
      } {sc.loop_unroll_factor = 1 : i64, sc.parallel_access}
      "tpu.region"() ({
        %run_scoped3A = tpu.sem_alloc : memref<!tpu.dma_semaphore, #tpu.memory_space<semaphore_mem>>
        %dma_start3A_151 = arith.constant 0 : i32
        %dma_start3A_152 = tpu.memref_slice %arg9[%dma_start3A_151] : memref<32768xf32, #tpu.memory_space<vmem>> -> memref<8192xf32, #tpu.memory_space<vmem>>
        %dma_start3A_153 = arith.constant 15990784 : i32
        %dma_start3A_154 = tpu.memref_slice %arg4[%dma_start3A_153] : memref<16000016xf32, #tpu.memory_space<hbm>> -> memref<8192xf32, #tpu.memory_space<hbm>>
        %dma_start3A_155 = arith.constant 15990784 : i32
        %dma_start3A_156 = tpu.memref_slice %arg4[%dma_start3A_155] : memref<16000016xf32, #tpu.memory_space<hbm>> -> memref<8192xf32, #tpu.memory_space<hbm>>
        %dma_start3A_157 = arith.constant 0 : i32
        %dma_start3A_158 = tpu.memref_slice %arg9[%dma_start3A_157] : memref<32768xf32, #tpu.memory_space<vmem>> -> memref<8192xf32, #tpu.memory_space<vmem>>
        tpu.enqueue_dma source(%dma_start3A_158 : memref<8192xf32, #tpu.memory_space<vmem>>) target(%dma_start3A_156 : memref<8192xf32, #tpu.memory_space<hbm>>) target_semaphore(%run_scoped3A : memref<!tpu.dma_semaphore, #tpu.memory_space<semaphore_mem>>)
        %dma_wait3A_159 = arith.constant 0 : i32
        %dma_wait3A_160 = tpu.memref_slice %arg9[%dma_wait3A_159] : memref<32768xf32, #tpu.memory_space<vmem>> -> memref<8192xf32, #tpu.memory_space<vmem>>
        %dma_wait3A_161 = arith.constant 15990784 : i32
        %dma_wait3A_162 = tpu.memref_slice %arg4[%dma_wait3A_161] : memref<16000016xf32, #tpu.memory_space<hbm>> -> memref<8192xf32, #tpu.memory_space<hbm>>
        %dma_wait3A_163 = arith.constant 15990784 : i32
        %dma_wait3A_164 = tpu.memref_slice %arg4[%dma_wait3A_163] : memref<16000016xf32, #tpu.memory_space<hbm>> -> memref<8192xf32, #tpu.memory_space<hbm>>
        %dma_wait3A_165 = arith.constant 0 : i32
        %dma_wait3A_166 = tpu.memref_slice %arg9[%dma_wait3A_165] : memref<32768xf32, #tpu.memory_space<vmem>> -> memref<8192xf32, #tpu.memory_space<vmem>>
        tpu.wait_dma2 semaphore(%run_scoped3A : memref<!tpu.dma_semaphore, #tpu.memory_space<semaphore_mem>>) src(%dma_wait3A_166 : memref<8192xf32, #tpu.memory_space<vmem>>) dst(%dma_wait3A_164 : memref<8192xf32, #tpu.memory_space<hbm>>)
        tpu.yield
      }) : () -> ()
    } else {
    }
    %eq3A_78 = arith.constant 17 : i32
    %eq3A_79 = arith.cmpi eq, %add3A, %eq3A_78 : i32
    %convert_element_type3A_80 = arith.extui %eq3A_79 : i1 to i32
    %cond3A_81 = arith.constant 0 : i32
    %cond3A_82 = arith.cmpi ne, %convert_element_type3A_80, %cond3A_81 : i32
    scf.if %cond3A_82 {
      "tpu.region"() ({
        %run_scoped3A = tpu.sem_alloc : memref<!tpu.dma_semaphore, #tpu.memory_space<semaphore_mem>>
        %dma_start3A = arith.constant 0 : i32
        %dma_start3A_101 = tpu.memref_slice %arg10[%dma_start3A] : memref<32768xf32, #tpu.memory_space<vmem>> -> memref<1040xf32, #tpu.memory_space<vmem>>
        %dma_start3A_102 = arith.constant 0 : i32
        %dma_start3A_103 = tpu.memref_slice %arg10[%dma_start3A_102] : memref<32768xf32, #tpu.memory_space<vmem>> -> memref<1040xf32, #tpu.memory_space<vmem>>
        tpu.enqueue_dma source(%arg3 : memref<1040xf32, #tpu.memory_space<hbm>>) target(%dma_start3A_103 : memref<1040xf32, #tpu.memory_space<vmem>>) target_semaphore(%run_scoped3A : memref<!tpu.dma_semaphore, #tpu.memory_space<semaphore_mem>>)
        %dma_wait3A = arith.constant 0 : i32
        %dma_wait3A_104 = tpu.memref_slice %arg10[%dma_wait3A] : memref<32768xf32, #tpu.memory_space<vmem>> -> memref<1040xf32, #tpu.memory_space<vmem>>
        %dma_wait3A_105 = arith.constant 0 : i32
        %dma_wait3A_106 = tpu.memref_slice %arg10[%dma_wait3A_105] : memref<32768xf32, #tpu.memory_space<vmem>> -> memref<1040xf32, #tpu.memory_space<vmem>>
        tpu.wait_dma2 semaphore(%run_scoped3A : memref<!tpu.dma_semaphore, #tpu.memory_space<semaphore_mem>>) src(%arg3 : memref<1040xf32, #tpu.memory_space<hbm>>) dst(%dma_wait3A_106 : memref<1040xf32, #tpu.memory_space<vmem>>)
        tpu.yield
      }) : () -> ()
      "tpu.region"() ({
        %run_scoped3A = tpu.sem_alloc : memref<!tpu.dma_semaphore, #tpu.memory_space<semaphore_mem>>
        %dma_start3A = arith.constant 0 : i32
        %dma_start3A_101 = tpu.memref_slice %arg10[%dma_start3A] : memref<32768xf32, #tpu.memory_space<vmem>> -> memref<1040xf32, #tpu.memory_space<vmem>>
        %dma_start3A_102 = arith.constant 15998976 : i32
        %dma_start3A_103 = tpu.memref_slice %arg4[%dma_start3A_102] : memref<16000016xf32, #tpu.memory_space<hbm>> -> memref<1040xf32, #tpu.memory_space<hbm>>
        %dma_start3A_104 = arith.constant 15998976 : i32
        %dma_start3A_105 = tpu.memref_slice %arg4[%dma_start3A_104] : memref<16000016xf32, #tpu.memory_space<hbm>> -> memref<1040xf32, #tpu.memory_space<hbm>>
        %dma_start3A_106 = arith.constant 0 : i32
        %dma_start3A_107 = tpu.memref_slice %arg10[%dma_start3A_106] : memref<32768xf32, #tpu.memory_space<vmem>> -> memref<1040xf32, #tpu.memory_space<vmem>>
        tpu.enqueue_dma source(%dma_start3A_107 : memref<1040xf32, #tpu.memory_space<vmem>>) target(%dma_start3A_105 : memref<1040xf32, #tpu.memory_space<hbm>>) target_semaphore(%run_scoped3A : memref<!tpu.dma_semaphore, #tpu.memory_space<semaphore_mem>>)
        %dma_wait3A = arith.constant 0 : i32
        %dma_wait3A_108 = tpu.memref_slice %arg10[%dma_wait3A] : memref<32768xf32, #tpu.memory_space<vmem>> -> memref<1040xf32, #tpu.memory_space<vmem>>
        %dma_wait3A_109 = arith.constant 15998976 : i32
        %dma_wait3A_110 = tpu.memref_slice %arg4[%dma_wait3A_109] : memref<16000016xf32, #tpu.memory_space<hbm>> -> memref<1040xf32, #tpu.memory_space<hbm>>
        %dma_wait3A_111 = arith.constant 15998976 : i32
        %dma_wait3A_112 = tpu.memref_slice %arg4[%dma_wait3A_111] : memref<16000016xf32, #tpu.memory_space<hbm>> -> memref<1040xf32, #tpu.memory_space<hbm>>
        %dma_wait3A_113 = arith.constant 0 : i32
        %dma_wait3A_114 = tpu.memref_slice %arg10[%dma_wait3A_113] : memref<32768xf32, #tpu.memory_space<vmem>> -> memref<1040xf32, #tpu.memory_space<vmem>>
        tpu.wait_dma2 semaphore(%run_scoped3A : memref<!tpu.dma_semaphore, #tpu.memory_space<semaphore_mem>>) src(%dma_wait3A_114 : memref<1040xf32, #tpu.memory_space<vmem>>) dst(%dma_wait3A_112 : memref<1040xf32, #tpu.memory_space<hbm>>)
        tpu.yield
      }) : () -> ()
    } else {
    }
    %gt3A = arith.constant 0 : i32
    %gt3A_83 = arith.cmpi sgt, %select_n3A, %gt3A : i32
    %convert_element_type3A_84 = arith.extui %gt3A_83 : i1 to i32
    %cond3A_85 = arith.constant 0 : i32
    %cond3A_86 = arith.cmpi ne, %convert_element_type3A_84, %cond3A_85 : i32
    scf.if %cond3A_86 {
      %mul3A_101 = arith.constant 2048 : i32
      %mul3A_102 = arith.muli %add3A, %mul3A_101 : i32
      %dma_start3A = arith.constant 0 : i32
      %dma_start3A_103 = tpu.memref_slice %arg2[%dma_start3A, %mul3A_102] : memref<16x1000001xf32, #tpu.memory_space<hbm>> -> memref<8x2048xf32, #tpu.memory_space<hbm>>
      %dma_start3A_104 = arith.constant 0 : i32
      %dma_start3A_105 = tpu.memref_slice %arg2[%dma_start3A_104, %mul3A_102] : memref<16x1000001xf32, #tpu.memory_space<hbm>> -> memref<8x2048xf32, #tpu.memory_space<hbm>>
      tpu.enqueue_dma source(%dma_start3A_105 : memref<8x2048xf32, #tpu.memory_space<hbm>>) target(%arg5 : memref<8x2048xf32, #tpu.memory_space<vmem>>) target_semaphore(%arg11 : memref<!tpu.dma_semaphore, #tpu.memory_space<semaphore_mem>>)
      %mul3A_106 = arith.constant 2048 : i32
      %mul3A_107 = arith.muli %add3A, %mul3A_106 : i32
      %dma_start3A_108 = arith.constant 8 : i32
      %dma_start3A_109 = tpu.memref_slice %arg2[%dma_start3A_108, %mul3A_107] : memref<16x1000001xf32, #tpu.memory_space<hbm>> -> memref<8x2048xf32, #tpu.memory_space<hbm>>
      %dma_start3A_110 = arith.constant 8 : i32
      %dma_start3A_111 = tpu.memref_slice %arg2[%dma_start3A_110, %mul3A_107] : memref<16x1000001xf32, #tpu.memory_space<hbm>> -> memref<8x2048xf32, #tpu.memory_space<hbm>>
      tpu.enqueue_dma source(%dma_start3A_111 : memref<8x2048xf32, #tpu.memory_space<hbm>>) target(%arg7 : memref<8x2048xf32, #tpu.memory_space<vmem>>) target_semaphore(%arg11 : memref<!tpu.dma_semaphore, #tpu.memory_space<semaphore_mem>>)
    } else {
    }
    %scan3A = arith.constant 0 : i32
    %scan3A_87 = arith.constant 0 : i32
    %scan3A_88 = arith.constant 16 : i32
    %scan3A_89 = arith.addi %scan3A_87, %scan3A_88 : i32
    %scan3A_90 = arith.constant 1 : i32
    scf.for %scan3A_101 = %scan3A_87 to %scan3A_89 step %scan3A_90  : i32 {
      %mul3A_102 = arith.constant 2 : i32
      %mul3A_103 = arith.muli %scan3A_101, %mul3A_102 : i32
      %add3A_104 = arith.constant 0 : i32
      %add3A_105 = arith.addi %mul3A_103, %add3A_104 : i32
      %mul3A_106 = arith.constant 32 : i32
      %mul3A_107 = arith.muli %add3A_105, %mul3A_106 : i32
      %add3A_108 = arith.addi %add3A, %mul3A_107 : i32
      %lt3A = arith.cmpi slt, %add3A_105, %select_n3A : i32
      %convert_element_type3A_109 = arith.extui %lt3A : i1 to i32
      %cond3A_110 = arith.constant 0 : i32
      %cond3A_111 = arith.cmpi ne, %convert_element_type3A_109, %cond3A_110 : i32
      scf.if %cond3A_111 {
        %dma_wait3A = arith.constant 0 : i32
        %dma_wait3A_123 = arith.constant 0 : i32
        %dma_wait3A_124 = tpu.memref_slice %arg2[%dma_wait3A, %dma_wait3A_123] : memref<16x1000001xf32, #tpu.memory_space<hbm>> -> memref<8x2048xf32, #tpu.memory_space<hbm>>
        %dma_wait3A_125 = arith.constant 0 : i32
        %dma_wait3A_126 = arith.constant 0 : i32
        %dma_wait3A_127 = tpu.memref_slice %arg2[%dma_wait3A_125, %dma_wait3A_126] : memref<16x1000001xf32, #tpu.memory_space<hbm>> -> memref<8x2048xf32, #tpu.memory_space<hbm>>
        tpu.wait_dma2 semaphore(%arg11 : memref<!tpu.dma_semaphore, #tpu.memory_space<semaphore_mem>>) src(%dma_wait3A_127 : memref<8x2048xf32, #tpu.memory_space<hbm>>) dst(%arg5 : memref<8x2048xf32, #tpu.memory_space<vmem>>)
        %dma_wait3A_128 = arith.constant 0 : i32
        %dma_wait3A_129 = arith.constant 0 : i32
        %dma_wait3A_130 = tpu.memref_slice %arg2[%dma_wait3A_128, %dma_wait3A_129] : memref<16x1000001xf32, #tpu.memory_space<hbm>> -> memref<8x2048xf32, #tpu.memory_space<hbm>>
        %dma_wait3A_131 = arith.constant 0 : i32
        %dma_wait3A_132 = arith.constant 0 : i32
        %dma_wait3A_133 = tpu.memref_slice %arg2[%dma_wait3A_131, %dma_wait3A_132] : memref<16x1000001xf32, #tpu.memory_space<hbm>> -> memref<8x2048xf32, #tpu.memory_space<hbm>>
        tpu.wait_dma2 semaphore(%arg11 : memref<!tpu.dma_semaphore, #tpu.memory_space<semaphore_mem>>) src(%dma_wait3A_133 : memref<8x2048xf32, #tpu.memory_space<hbm>>) dst(%arg7 : memref<8x2048xf32, #tpu.memory_space<vmem>>)
        %add3A_134 = arith.constant 1 : i32
        %add3A_135 = arith.addi %add3A_105, %add3A_134 : i32
        %lt3A_136 = arith.cmpi slt, %add3A_135, %select_n3A : i32
        %convert_element_type3A_137 = arith.extui %lt3A_136 : i1 to i32
        %cond3A_138 = arith.constant 0 : i32
        %cond3A_139 = arith.cmpi ne, %convert_element_type3A_137, %cond3A_138 : i32
        scf.if %cond3A_139 {
          %add3A_152 = arith.constant 32 : i32
          %add3A_153 = arith.addi %add3A_108, %add3A_152 : i32
          %mul3A_154 = arith.constant 2048 : i32
          %mul3A_155 = arith.muli %add3A_153, %mul3A_154 : i32
          %dma_start3A_156 = arith.constant 0 : i32
          %dma_start3A_157 = tpu.memref_slice %arg2[%dma_start3A_156, %mul3A_155] : memref<16x1000001xf32, #tpu.memory_space<hbm>> -> memref<8x2048xf32, #tpu.memory_space<hbm>>
          %dma_start3A_158 = arith.constant 0 : i32
          %dma_start3A_159 = tpu.memref_slice %arg2[%dma_start3A_158, %mul3A_155] : memref<16x1000001xf32, #tpu.memory_space<hbm>> -> memref<8x2048xf32, #tpu.memory_space<hbm>>
          tpu.enqueue_dma source(%dma_start3A_159 : memref<8x2048xf32, #tpu.memory_space<hbm>>) target(%arg6 : memref<8x2048xf32, #tpu.memory_space<vmem>>) target_semaphore(%arg12 : memref<!tpu.dma_semaphore, #tpu.memory_space<semaphore_mem>>)
          %mul3A_160 = arith.constant 2048 : i32
          %mul3A_161 = arith.muli %add3A_153, %mul3A_160 : i32
          %dma_start3A_162 = arith.constant 8 : i32
          %dma_start3A_163 = tpu.memref_slice %arg2[%dma_start3A_162, %mul3A_161] : memref<16x1000001xf32, #tpu.memory_space<hbm>> -> memref<8x2048xf32, #tpu.memory_space<hbm>>
          %dma_start3A_164 = arith.constant 8 : i32
          %dma_start3A_165 = tpu.memref_slice %arg2[%dma_start3A_164, %mul3A_161] : memref<16x1000001xf32, #tpu.memory_space<hbm>> -> memref<8x2048xf32, #tpu.memory_space<hbm>>
          tpu.enqueue_dma source(%dma_start3A_165 : memref<8x2048xf32, #tpu.memory_space<hbm>>) target(%arg8 : memref<8x2048xf32, #tpu.memory_space<vmem>>) target_semaphore(%arg12 : memref<!tpu.dma_semaphore, #tpu.memory_space<semaphore_mem>>)
        } else {
        }
        %ge3A_140 = arith.constant 2 : i32
        %ge3A_141 = arith.cmpi sge, %add3A_105, %ge3A_140 : i32
        %convert_element_type3A_142 = arith.extui %ge3A_141 : i1 to i32
        %cond3A_143 = arith.constant 0 : i32
        %cond3A_144 = arith.cmpi ne, %convert_element_type3A_142, %cond3A_143 : i32
        scf.if %cond3A_144 {
          %dma_wait3A_152 = arith.constant 0 : i32
          %dma_wait3A_153 = tpu.memref_slice %arg4[%dma_wait3A_152] : memref<16000016xf32, #tpu.memory_space<hbm>> -> memref<32768xf32, #tpu.memory_space<hbm>>
          %dma_wait3A_154 = arith.constant 0 : i32
          %dma_wait3A_155 = tpu.memref_slice %arg4[%dma_wait3A_154] : memref<16000016xf32, #tpu.memory_space<hbm>> -> memref<32768xf32, #tpu.memory_space<hbm>>
          tpu.wait_dma2 semaphore(%arg13 : memref<!tpu.dma_semaphore, #tpu.memory_space<semaphore_mem>>) src(%arg9 : memref<32768xf32, #tpu.memory_space<vmem>>) dst(%dma_wait3A_155 : memref<32768xf32, #tpu.memory_space<hbm>>)
        } else {
        }
        %parallel_loop3A = arith.constant 0 : i32
        %parallel_loop3A_145 = arith.constant 128 : i32
        %parallel_loop3A_146 = arith.constant 1 : i32
        %parallel_loop3A_147 = arith.constant 0 : i32
        %parallel_loop3A_148 = scf.for %parallel_loop3A_152 = %parallel_loop3A to %parallel_loop3A_145 step %parallel_loop3A_146 iter_args(%parallel_loop3A_153 = %parallel_loop3A_147) -> (i32)  : i32 {
          %parallel_loop3A_154 = arith.constant 256 : i32
          %parallel_loop3A_155 = arith.muli %parallel_loop3A_152, %parallel_loop3A_154 : i32
          %parallel_loop3A_156 = arith.constant 16 : i32
          %parallel_loop3A_157 = arith.muli %parallel_loop3A_152, %parallel_loop3A_156 : i32
          %parallel_loop3A_158 = arith.constant 0 : i32
          %parallel_loop3A_159 = arith.index_cast %parallel_loop3A_158 : i32 to index
          %parallel_loop3A_160 = arith.index_cast %parallel_loop3A_157 : i32 to index
          %parallel_loop3A_161 = tpu.vector_load %arg5[%parallel_loop3A_159, %parallel_loop3A_160] {strides = array<i32>} : memref<8x2048xf32, #tpu.memory_space<vmem>>, vector<16xf32>,
          %parallel_loop3A_162 = tpu.memref_slice %arg9[%parallel_loop3A_155] : memref<32768xf32, #tpu.memory_space<vmem>> -> memref<256xf32, #tpu.memory_space<vmem>>
          tpu.vector_store_idx %parallel_loop3A_162[%add3A_28], %parallel_loop3A_161 : memref<256xf32, #tpu.memory_space<vmem>>[vector<16xi32>], vector<16xf32>,
          %parallel_loop3A_163 = arith.constant 16 : i32
          %parallel_loop3A_164 = arith.muli %parallel_loop3A_152, %parallel_loop3A_163 : i32
          %parallel_loop3A_165 = arith.constant 1 : i32
          %parallel_loop3A_166 = arith.index_cast %parallel_loop3A_165 : i32 to index
          %parallel_loop3A_167 = arith.index_cast %parallel_loop3A_164 : i32 to index
          %parallel_loop3A_168 = tpu.vector_load %arg5[%parallel_loop3A_166, %parallel_loop3A_167] {strides = array<i32>} : memref<8x2048xf32, #tpu.memory_space<vmem>>, vector<16xf32>,
          %parallel_loop3A_169 = tpu.memref_slice %arg9[%parallel_loop3A_155] : memref<32768xf32, #tpu.memory_space<vmem>> -> memref<256xf32, #tpu.memory_space<vmem>>
          tpu.vector_store_idx %parallel_loop3A_169[%add3A_31], %parallel_loop3A_168 : memref<256xf32, #tpu.memory_space<vmem>>[vector<16xi32>], vector<16xf32>,
          %parallel_loop3A_170 = arith.constant 16 : i32
          %parallel_loop3A_171 = arith.muli %parallel_loop3A_152, %parallel_loop3A_170 : i32
          %parallel_loop3A_172 = arith.constant 2 : i32
          %parallel_loop3A_173 = arith.index_cast %parallel_loop3A_172 : i32 to index
          %parallel_loop3A_174 = arith.index_cast %parallel_loop3A_171 : i32 to index
          %parallel_loop3A_175 = tpu.vector_load %arg5[%parallel_loop3A_173, %parallel_loop3A_174] {strides = array<i32>} : memref<8x2048xf32, #tpu.memory_space<vmem>>, vector<16xf32>,
          %parallel_loop3A_176 = tpu.memref_slice %arg9[%parallel_loop3A_155] : memref<32768xf32, #tpu.memory_space<vmem>> -> memref<256xf32, #tpu.memory_space<vmem>>
          tpu.vector_store_idx %parallel_loop3A_176[%add3A_34], %parallel_loop3A_175 : memref<256xf32, #tpu.memory_space<vmem>>[vector<16xi32>], vector<16xf32>,
          %parallel_loop3A_177 = arith.constant 16 : i32
          %parallel_loop3A_178 = arith.muli %parallel_loop3A_152, %parallel_loop3A_177 : i32
          %parallel_loop3A_179 = arith.constant 3 : i32
          %parallel_loop3A_180 = arith.index_cast %parallel_loop3A_179 : i32 to index
          %parallel_loop3A_181 = arith.index_cast %parallel_loop3A_178 : i32 to index
          %parallel_loop3A_182 = tpu.vector_load %arg5[%parallel_loop3A_180, %parallel_loop3A_181] {strides = array<i32>} : memref<8x2048xf32, #tpu.memory_space<vmem>>, vector<16xf32>,
          %parallel_loop3A_183 = tpu.memref_slice %arg9[%parallel_loop3A_155] : memref<32768xf32, #tpu.memory_space<vmem>> -> memref<256xf32, #tpu.memory_space<vmem>>
          tpu.vector_store_idx %parallel_loop3A_183[%add3A_37], %parallel_loop3A_182 : memref<256xf32, #tpu.memory_space<vmem>>[vector<16xi32>], vector<16xf32>,
          %parallel_loop3A_184 = arith.constant 16 : i32
          %parallel_loop3A_185 = arith.muli %parallel_loop3A_152, %parallel_loop3A_184 : i32
          %parallel_loop3A_186 = arith.constant 4 : i32
          %parallel_loop3A_187 = arith.index_cast %parallel_loop3A_186 : i32 to index
          %parallel_loop3A_188 = arith.index_cast %parallel_loop3A_185 : i32 to index
          %parallel_loop3A_189 = tpu.vector_load %arg5[%parallel_loop3A_187, %parallel_loop3A_188] {strides = array<i32>} : memref<8x2048xf32, #tpu.memory_space<vmem>>, vector<16xf32>,
          %parallel_loop3A_190 = tpu.memref_slice %arg9[%parallel_loop3A_155] : memref<32768xf32, #tpu.memory_space<vmem>> -> memref<256xf32, #tpu.memory_space<vmem>>
          tpu.vector_store_idx %parallel_loop3A_190[%add3A_40], %parallel_loop3A_189 : memref<256xf32, #tpu.memory_space<vmem>>[vector<16xi32>], vector<16xf32>,
          %parallel_loop3A_191 = arith.constant 16 : i32
          %parallel_loop3A_192 = arith.muli %parallel_loop3A_152, %parallel_loop3A_191 : i32
          %parallel_loop3A_193 = arith.constant 5 : i32
          %parallel_loop3A_194 = arith.index_cast %parallel_loop3A_193 : i32 to index
          %parallel_loop3A_195 = arith.index_cast %parallel_loop3A_192 : i32 to index
          %parallel_loop3A_196 = tpu.vector_load %arg5[%parallel_loop3A_194, %parallel_loop3A_195] {strides = array<i32>} : memref<8x2048xf32, #tpu.memory_space<vmem>>, vector<16xf32>,
          %parallel_loop3A_197 = tpu.memref_slice %arg9[%parallel_loop3A_155] : memref<32768xf32, #tpu.memory_space<vmem>> -> memref<256xf32, #tpu.memory_space<vmem>>
          tpu.vector_store_idx %parallel_loop3A_197[%add3A_43], %parallel_loop3A_196 : memref<256xf32, #tpu.memory_space<vmem>>[vector<16xi32>], vector<16xf32>,
          %parallel_loop3A_198 = arith.constant 16 : i32
          %parallel_loop3A_199 = arith.muli %parallel_loop3A_152, %parallel_loop3A_198 : i32
          %parallel_loop3A_200 = arith.constant 6 : i32
          %parallel_loop3A_201 = arith.index_cast %parallel_loop3A_200 : i32 to index
          %parallel_loop3A_202 = arith.index_cast %parallel_loop3A_199 : i32 to index
          %parallel_loop3A_203 = tpu.vector_load %arg5[%parallel_loop3A_201, %parallel_loop3A_202] {strides = array<i32>} : memref<8x2048xf32, #tpu.memory_space<vmem>>, vector<16xf32>,
          %parallel_loop3A_204 = tpu.memref_slice %arg9[%parallel_loop3A_155] : memref<32768xf32, #tpu.memory_space<vmem>> -> memref<256xf32, #tpu.memory_space<vmem>>
          tpu.vector_store_idx %parallel_loop3A_204[%add3A_46], %parallel_loop3A_203 : memref<256xf32, #tpu.memory_space<vmem>>[vector<16xi32>], vector<16xf32>,
          %parallel_loop3A_205 = arith.constant 16 : i32
          %parallel_loop3A_206 = arith.muli %parallel_loop3A_152, %parallel_loop3A_205 : i32
          %parallel_loop3A_207 = arith.constant 7 : i32
          %parallel_loop3A_208 = arith.index_cast %parallel_loop3A_207 : i32 to index
          %parallel_loop3A_209 = arith.index_cast %parallel_loop3A_206 : i32 to index
          %parallel_loop3A_210 = tpu.vector_load %arg5[%parallel_loop3A_208, %parallel_loop3A_209] {strides = array<i32>} : memref<8x2048xf32, #tpu.memory_space<vmem>>, vector<16xf32>,
          %parallel_loop3A_211 = tpu.memref_slice %arg9[%parallel_loop3A_155] : memref<32768xf32, #tpu.memory_space<vmem>> -> memref<256xf32, #tpu.memory_space<vmem>>
          tpu.vector_store_idx %parallel_loop3A_211[%add3A_49], %parallel_loop3A_210 : memref<256xf32, #tpu.memory_space<vmem>>[vector<16xi32>], vector<16xf32>,
          %parallel_loop3A_212 = arith.constant 16 : i32
          %parallel_loop3A_213 = arith.muli %parallel_loop3A_152, %parallel_loop3A_212 : i32
          %parallel_loop3A_214 = arith.constant 0 : i32
          %parallel_loop3A_215 = arith.index_cast %parallel_loop3A_214 : i32 to index
          %parallel_loop3A_216 = arith.index_cast %parallel_loop3A_213 : i32 to index
          %parallel_loop3A_217 = tpu.vector_load %arg7[%parallel_loop3A_215, %parallel_loop3A_216] {strides = array<i32>} : memref<8x2048xf32, #tpu.memory_space<vmem>>, vector<16xf32>,
          %parallel_loop3A_218 = tpu.memref_slice %arg9[%parallel_loop3A_155] : memref<32768xf32, #tpu.memory_space<vmem>> -> memref<256xf32, #tpu.memory_space<vmem>>
          tpu.vector_store_idx %parallel_loop3A_218[%add3A_52], %parallel_loop3A_217 : memref<256xf32, #tpu.memory_space<vmem>>[vector<16xi32>], vector<16xf32>,
          %parallel_loop3A_219 = arith.constant 16 : i32
          %parallel_loop3A_220 = arith.muli %parallel_loop3A_152, %parallel_loop3A_219 : i32
          %parallel_loop3A_221 = arith.constant 1 : i32
          %parallel_loop3A_222 = arith.index_cast %parallel_loop3A_221 : i32 to index
          %parallel_loop3A_223 = arith.index_cast %parallel_loop3A_220 : i32 to index
          %parallel_loop3A_224 = tpu.vector_load %arg7[%parallel_loop3A_222, %parallel_loop3A_223] {strides = array<i32>} : memref<8x2048xf32, #tpu.memory_space<vmem>>, vector<16xf32>,
          %parallel_loop3A_225 = tpu.memref_slice %arg9[%parallel_loop3A_155] : memref<32768xf32, #tpu.memory_space<vmem>> -> memref<256xf32, #tpu.memory_space<vmem>>
          tpu.vector_store_idx %parallel_loop3A_225[%add3A_55], %parallel_loop3A_224 : memref<256xf32, #tpu.memory_space<vmem>>[vector<16xi32>], vector<16xf32>,
          %parallel_loop3A_226 = arith.constant 16 : i32
          %parallel_loop3A_227 = arith.muli %parallel_loop3A_152, %parallel_loop3A_226 : i32
          %parallel_loop3A_228 = arith.constant 2 : i32
          %parallel_loop3A_229 = arith.index_cast %parallel_loop3A_228 : i32 to index
          %parallel_loop3A_230 = arith.index_cast %parallel_loop3A_227 : i32 to index
          %parallel_loop3A_231 = tpu.vector_load %arg7[%parallel_loop3A_229, %parallel_loop3A_230] {strides = array<i32>} : memref<8x2048xf32, #tpu.memory_space<vmem>>, vector<16xf32>,
          %parallel_loop3A_232 = tpu.memref_slice %arg9[%parallel_loop3A_155] : memref<32768xf32, #tpu.memory_space<vmem>> -> memref<256xf32, #tpu.memory_space<vmem>>
          tpu.vector_store_idx %parallel_loop3A_232[%add3A_58], %parallel_loop3A_231 : memref<256xf32, #tpu.memory_space<vmem>>[vector<16xi32>], vector<16xf32>,
          %parallel_loop3A_233 = arith.constant 16 : i32
          %parallel_loop3A_234 = arith.muli %parallel_loop3A_152, %parallel_loop3A_233 : i32
          %parallel_loop3A_235 = arith.constant 3 : i32
          %parallel_loop3A_236 = arith.index_cast %parallel_loop3A_235 : i32 to index
          %parallel_loop3A_237 = arith.index_cast %parallel_loop3A_234 : i32 to index
          %parallel_loop3A_238 = tpu.vector_load %arg7[%parallel_loop3A_236, %parallel_loop3A_237] {strides = array<i32>} : memref<8x2048xf32, #tpu.memory_space<vmem>>, vector<16xf32>,
          %parallel_loop3A_239 = tpu.memref_slice %arg9[%parallel_loop3A_155] : memref<32768xf32, #tpu.memory_space<vmem>> -> memref<256xf32, #tpu.memory_space<vmem>>
          tpu.vector_store_idx %parallel_loop3A_239[%add3A_61], %parallel_loop3A_238 : memref<256xf32, #tpu.memory_space<vmem>>[vector<16xi32>], vector<16xf32>,
          %parallel_loop3A_240 = arith.constant 16 : i32
          %parallel_loop3A_241 = arith.muli %parallel_loop3A_152, %parallel_loop3A_240 : i32
          %parallel_loop3A_242 = arith.constant 4 : i32
          %parallel_loop3A_243 = arith.index_cast %parallel_loop3A_242 : i32 to index
          %parallel_loop3A_244 = arith.index_cast %parallel_loop3A_241 : i32 to index
          %parallel_loop3A_245 = tpu.vector_load %arg7[%parallel_loop3A_243, %parallel_loop3A_244] {strides = array<i32>} : memref<8x2048xf32, #tpu.memory_space<vmem>>, vector<16xf32>,
          %parallel_loop3A_246 = tpu.memref_slice %arg9[%parallel_loop3A_155] : memref<32768xf32, #tpu.memory_space<vmem>> -> memref<256xf32, #tpu.memory_space<vmem>>
          tpu.vector_store_idx %parallel_loop3A_246[%add3A_64], %parallel_loop3A_245 : memref<256xf32, #tpu.memory_space<vmem>>[vector<16xi32>], vector<16xf32>,
          %parallel_loop3A_247 = arith.constant 16 : i32
          %parallel_loop3A_248 = arith.muli %parallel_loop3A_152, %parallel_loop3A_247 : i32
          %parallel_loop3A_249 = arith.constant 5 : i32
          %parallel_loop3A_250 = arith.index_cast %parallel_loop3A_249 : i32 to index
          %parallel_loop3A_251 = arith.index_cast %parallel_loop3A_248 : i32 to index
          %parallel_loop3A_252 = tpu.vector_load %arg7[%parallel_loop3A_250, %parallel_loop3A_251] {strides = array<i32>} : memref<8x2048xf32, #tpu.memory_space<vmem>>, vector<16xf32>,
          %parallel_loop3A_253 = tpu.memref_slice %arg9[%parallel_loop3A_155] : memref<32768xf32, #tpu.memory_space<vmem>> -> memref<256xf32, #tpu.memory_space<vmem>>
          tpu.vector_store_idx %parallel_loop3A_253[%add3A_67], %parallel_loop3A_252 : memref<256xf32, #tpu.memory_space<vmem>>[vector<16xi32>], vector<16xf32>,
          %parallel_loop3A_254 = arith.constant 16 : i32
          %parallel_loop3A_255 = arith.muli %parallel_loop3A_152, %parallel_loop3A_254 : i32
          %parallel_loop3A_256 = arith.constant 6 : i32
          %parallel_loop3A_257 = arith.index_cast %parallel_loop3A_256 : i32 to index
          %parallel_loop3A_258 = arith.index_cast %parallel_loop3A_255 : i32 to index
          %parallel_loop3A_259 = tpu.vector_load %arg7[%parallel_loop3A_257, %parallel_loop3A_258] {strides = array<i32>} : memref<8x2048xf32, #tpu.memory_space<vmem>>, vector<16xf32>,
          %parallel_loop3A_260 = tpu.memref_slice %arg9[%parallel_loop3A_155] : memref<32768xf32, #tpu.memory_space<vmem>> -> memref<256xf32, #tpu.memory_space<vmem>>
          tpu.vector_store_idx %parallel_loop3A_260[%add3A_70], %parallel_loop3A_259 : memref<256xf32, #tpu.memory_space<vmem>>[vector<16xi32>], vector<16xf32>,
          %parallel_loop3A_261 = arith.constant 16 : i32
          %parallel_loop3A_262 = arith.muli %parallel_loop3A_152, %parallel_loop3A_261 : i32
          %parallel_loop3A_263 = arith.constant 7 : i32
          %parallel_loop3A_264 = arith.index_cast %parallel_loop3A_263 : i32 to index
          %parallel_loop3A_265 = arith.index_cast %parallel_loop3A_262 : i32 to index
          %parallel_loop3A_266 = tpu.vector_load %arg7[%parallel_loop3A_264, %parallel_loop3A_265] {strides = array<i32>} : memref<8x2048xf32, #tpu.memory_space<vmem>>, vector<16xf32>,
          %parallel_loop3A_267 = tpu.memref_slice %arg9[%parallel_loop3A_155] : memref<32768xf32, #tpu.memory_space<vmem>> -> memref<256xf32, #tpu.memory_space<vmem>>
          tpu.vector_store_idx %parallel_loop3A_267[%add3A_73], %parallel_loop3A_266 : memref<256xf32, #tpu.memory_space<vmem>>[vector<16xi32>], vector<16xf32>,
          scf.yield %parallel_loop3A_153 : i32
        } {sc.loop_unroll_factor = 1 : i64, sc.parallel_access}
        %mul3A_149 = arith.constant 32768 : i32
        %mul3A_150 = arith.muli %add3A_108, %mul3A_149 : i32
        %dma_start3A = tpu.memref_slice %arg4[%mul3A_150] : memref<16000016xf32, #tpu.memory_space<hbm>> -> memref<32768xf32, #tpu.memory_space<hbm>>
        %dma_start3A_151 = tpu.memref_slice %arg4[%mul3A_150] : memref<16000016xf32, #tpu.memory_space<hbm>> -> memref<32768xf32, #tpu.memory_space<hbm>>
        tpu.enqueue_dma source(%arg9 : memref<32768xf32, #tpu.memory_space<vmem>>) target(%dma_start3A_151 : memref<32768xf32, #tpu.memory_space<hbm>>) target_semaphore(%arg13 : memref<!tpu.dma_semaphore, #tpu.memory_space<semaphore_mem>>)
      } else {
      }
      %mul3A_112 = arith.constant 2 : i32
      %mul3A_113 = arith.muli %scan3A_101, %mul3A_112 : i32
      %add3A_114 = arith.constant 1 : i32
      %add3A_115 = arith.addi %mul3A_113, %add3A_114 : i32
      %mul3A_116 = arith.constant 32 : i32
      %mul3A_117 = arith.muli %add3A_115, %mul3A_116 : i32
      %add3A_118 = arith.addi %add3A, %mul3A_117 : i32
      %lt3A_119 = arith.cmpi slt, %add3A_115, %select_n3A : i32
      %convert_element_type3A_120 = arith.extui %lt3A_119 : i1 to i32
      %cond3A_121 = arith.constant 0 : i32
      %cond3A_122 = arith.cmpi ne, %convert_element_type3A_120, %cond3A_121 : i32
      scf.if %cond3A_122 {
        %dma_wait3A = arith.constant 0 : i32
        %dma_wait3A_123 = arith.constant 0 : i32
        %dma_wait3A_124 = tpu.memref_slice %arg2[%dma_wait3A, %dma_wait3A_123] : memref<16x1000001xf32, #tpu.memory_space<hbm>> -> memref<8x2048xf32, #tpu.memory_space<hbm>>
        %dma_wait3A_125 = arith.constant 0 : i32
        %dma_wait3A_126 = arith.constant 0 : i32
        %dma_wait3A_127 = tpu.memref_slice %arg2[%dma_wait3A_125, %dma_wait3A_126] : memref<16x1000001xf32, #tpu.memory_space<hbm>> -> memref<8x2048xf32, #tpu.memory_space<hbm>>
        tpu.wait_dma2 semaphore(%arg12 : memref<!tpu.dma_semaphore, #tpu.memory_space<semaphore_mem>>) src(%dma_wait3A_127 : memref<8x2048xf32, #tpu.memory_space<hbm>>) dst(%arg6 : memref<8x2048xf32, #tpu.memory_space<vmem>>)
        %dma_wait3A_128 = arith.constant 0 : i32
        %dma_wait3A_129 = arith.constant 0 : i32
        %dma_wait3A_130 = tpu.memref_slice %arg2[%dma_wait3A_128, %dma_wait3A_129] : memref<16x1000001xf32, #tpu.memory_space<hbm>> -> memref<8x2048xf32, #tpu.memory_space<hbm>>
        %dma_wait3A_131 = arith.constant 0 : i32
        %dma_wait3A_132 = arith.constant 0 : i32
        %dma_wait3A_133 = tpu.memref_slice %arg2[%dma_wait3A_131, %dma_wait3A_132] : memref<16x1000001xf32, #tpu.memory_space<hbm>> -> memref<8x2048xf32, #tpu.memory_space<hbm>>
        tpu.wait_dma2 semaphore(%arg12 : memref<!tpu.dma_semaphore, #tpu.memory_space<semaphore_mem>>) src(%dma_wait3A_133 : memref<8x2048xf32, #tpu.memory_space<hbm>>) dst(%arg8 : memref<8x2048xf32, #tpu.memory_space<vmem>>)
        %add3A_134 = arith.constant 1 : i32
        %add3A_135 = arith.addi %add3A_115, %add3A_134 : i32
        %lt3A_136 = arith.cmpi slt, %add3A_135, %select_n3A : i32
        %convert_element_type3A_137 = arith.extui %lt3A_136 : i1 to i32
        %cond3A_138 = arith.constant 0 : i32
        %cond3A_139 = arith.cmpi ne, %convert_element_type3A_137, %cond3A_138 : i32
        scf.if %cond3A_139 {
          %add3A_152 = arith.constant 32 : i32
          %add3A_153 = arith.addi %add3A_118, %add3A_152 : i32
          %mul3A_154 = arith.constant 2048 : i32
          %mul3A_155 = arith.muli %add3A_153, %mul3A_154 : i32
          %dma_start3A_156 = arith.constant 0 : i32
          %dma_start3A_157 = tpu.memref_slice %arg2[%dma_start3A_156, %mul3A_155] : memref<16x1000001xf32, #tpu.memory_space<hbm>> -> memref<8x2048xf32, #tpu.memory_space<hbm>>
          %dma_start3A_158 = arith.constant 0 : i32
          %dma_start3A_159 = tpu.memref_slice %arg2[%dma_start3A_158, %mul3A_155] : memref<16x1000001xf32, #tpu.memory_space<hbm>> -> memref<8x2048xf32, #tpu.memory_space<hbm>>
          tpu.enqueue_dma source(%dma_start3A_159 : memref<8x2048xf32, #tpu.memory_space<hbm>>) target(%arg5 : memref<8x2048xf32, #tpu.memory_space<vmem>>) target_semaphore(%arg11 : memref<!tpu.dma_semaphore, #tpu.memory_space<semaphore_mem>>)
          %mul3A_160 = arith.constant 2048 : i32
          %mul3A_161 = arith.muli %add3A_153, %mul3A_160 : i32
          %dma_start3A_162 = arith.constant 8 : i32
          %dma_start3A_163 = tpu.memref_slice %arg2[%dma_start3A_162, %mul3A_161] : memref<16x1000001xf32, #tpu.memory_space<hbm>> -> memref<8x2048xf32, #tpu.memory_space<hbm>>
          %dma_start3A_164 = arith.constant 8 : i32
          %dma_start3A_165 = tpu.memref_slice %arg2[%dma_start3A_164, %mul3A_161] : memref<16x1000001xf32, #tpu.memory_space<hbm>> -> memref<8x2048xf32, #tpu.memory_space<hbm>>
          tpu.enqueue_dma source(%dma_start3A_165 : memref<8x2048xf32, #tpu.memory_space<hbm>>) target(%arg7 : memref<8x2048xf32, #tpu.memory_space<vmem>>) target_semaphore(%arg11 : memref<!tpu.dma_semaphore, #tpu.memory_space<semaphore_mem>>)
        } else {
        }
        %ge3A_140 = arith.constant 2 : i32
        %ge3A_141 = arith.cmpi sge, %add3A_115, %ge3A_140 : i32
        %convert_element_type3A_142 = arith.extui %ge3A_141 : i1 to i32
        %cond3A_143 = arith.constant 0 : i32
        %cond3A_144 = arith.cmpi ne, %convert_element_type3A_142, %cond3A_143 : i32
        scf.if %cond3A_144 {
          %dma_wait3A_152 = arith.constant 0 : i32
          %dma_wait3A_153 = tpu.memref_slice %arg4[%dma_wait3A_152] : memref<16000016xf32, #tpu.memory_space<hbm>> -> memref<32768xf32, #tpu.memory_space<hbm>>
          %dma_wait3A_154 = arith.constant 0 : i32
          %dma_wait3A_155 = tpu.memref_slice %arg4[%dma_wait3A_154] : memref<16000016xf32, #tpu.memory_space<hbm>> -> memref<32768xf32, #tpu.memory_space<hbm>>
          tpu.wait_dma2 semaphore(%arg14 : memref<!tpu.dma_semaphore, #tpu.memory_space<semaphore_mem>>) src(%arg10 : memref<32768xf32, #tpu.memory_space<vmem>>) dst(%dma_wait3A_155 : memref<32768xf32, #tpu.memory_space<hbm>>)
        } else {
        }
        %parallel_loop3A = arith.constant 0 : i32
        %parallel_loop3A_145 = arith.constant 128 : i32
        %parallel_loop3A_146 = arith.constant 1 : i32
        %parallel_loop3A_147 = arith.constant 0 : i32
        %parallel_loop3A_148 = scf.for %parallel_loop3A_152 = %parallel_loop3A to %parallel_loop3A_145 step %parallel_loop3A_146 iter_args(%parallel_loop3A_153 = %parallel_loop3A_147) -> (i32)  : i32 {
          %parallel_loop3A_154 = arith.constant 256 : i32
          %parallel_loop3A_155 = arith.muli %parallel_loop3A_152, %parallel_loop3A_154 : i32
          %parallel_loop3A_156 = arith.constant 16 : i32
          %parallel_loop3A_157 = arith.muli %parallel_loop3A_152, %parallel_loop3A_156 : i32
          %parallel_loop3A_158 = arith.constant 0 : i32
          %parallel_loop3A_159 = arith.index_cast %parallel_loop3A_158 : i32 to index
          %parallel_loop3A_160 = arith.index_cast %parallel_loop3A_157 : i32 to index
          %parallel_loop3A_161 = tpu.vector_load %arg6[%parallel_loop3A_159, %parallel_loop3A_160] {strides = array<i32>} : memref<8x2048xf32, #tpu.memory_space<vmem>>, vector<16xf32>,
          %parallel_loop3A_162 = tpu.memref_slice %arg10[%parallel_loop3A_155] : memref<32768xf32, #tpu.memory_space<vmem>> -> memref<256xf32, #tpu.memory_space<vmem>>
          tpu.vector_store_idx %parallel_loop3A_162[%add3A_28], %parallel_loop3A_161 : memref<256xf32, #tpu.memory_space<vmem>>[vector<16xi32>], vector<16xf32>,
          %parallel_loop3A_163 = arith.constant 16 : i32
          %parallel_loop3A_164 = arith.muli %parallel_loop3A_152, %parallel_loop3A_163 : i32
          %parallel_loop3A_165 = arith.constant 1 : i32
          %parallel_loop3A_166 = arith.index_cast %parallel_loop3A_165 : i32 to index
          %parallel_loop3A_167 = arith.index_cast %parallel_loop3A_164 : i32 to index
          %parallel_loop3A_168 = tpu.vector_load %arg6[%parallel_loop3A_166, %parallel_loop3A_167] {strides = array<i32>} : memref<8x2048xf32, #tpu.memory_space<vmem>>, vector<16xf32>,
          %parallel_loop3A_169 = tpu.memref_slice %arg10[%parallel_loop3A_155] : memref<32768xf32, #tpu.memory_space<vmem>> -> memref<256xf32, #tpu.memory_space<vmem>>
          tpu.vector_store_idx %parallel_loop3A_169[%add3A_31], %parallel_loop3A_168 : memref<256xf32, #tpu.memory_space<vmem>>[vector<16xi32>], vector<16xf32>,
          %parallel_loop3A_170 = arith.constant 16 : i32
          %parallel_loop3A_171 = arith.muli %parallel_loop3A_152, %parallel_loop3A_170 : i32
          %parallel_loop3A_172 = arith.constant 2 : i32
          %parallel_loop3A_173 = arith.index_cast %parallel_loop3A_172 : i32 to index
          %parallel_loop3A_174 = arith.index_cast %parallel_loop3A_171 : i32 to index
          %parallel_loop3A_175 = tpu.vector_load %arg6[%parallel_loop3A_173, %parallel_loop3A_174] {strides = array<i32>} : memref<8x2048xf32, #tpu.memory_space<vmem>>, vector<16xf32>,
          %parallel_loop3A_176 = tpu.memref_slice %arg10[%parallel_loop3A_155] : memref<32768xf32, #tpu.memory_space<vmem>> -> memref<256xf32, #tpu.memory_space<vmem>>
          tpu.vector_store_idx %parallel_loop3A_176[%add3A_34], %parallel_loop3A_175 : memref<256xf32, #tpu.memory_space<vmem>>[vector<16xi32>], vector<16xf32>,
          %parallel_loop3A_177 = arith.constant 16 : i32
          %parallel_loop3A_178 = arith.muli %parallel_loop3A_152, %parallel_loop3A_177 : i32
          %parallel_loop3A_179 = arith.constant 3 : i32
          %parallel_loop3A_180 = arith.index_cast %parallel_loop3A_179 : i32 to index
          %parallel_loop3A_181 = arith.index_cast %parallel_loop3A_178 : i32 to index
          %parallel_loop3A_182 = tpu.vector_load %arg6[%parallel_loop3A_180, %parallel_loop3A_181] {strides = array<i32>} : memref<8x2048xf32, #tpu.memory_space<vmem>>, vector<16xf32>,
          %parallel_loop3A_183 = tpu.memref_slice %arg10[%parallel_loop3A_155] : memref<32768xf32, #tpu.memory_space<vmem>> -> memref<256xf32, #tpu.memory_space<vmem>>
          tpu.vector_store_idx %parallel_loop3A_183[%add3A_37], %parallel_loop3A_182 : memref<256xf32, #tpu.memory_space<vmem>>[vector<16xi32>], vector<16xf32>,
          %parallel_loop3A_184 = arith.constant 16 : i32
          %parallel_loop3A_185 = arith.muli %parallel_loop3A_152, %parallel_loop3A_184 : i32
          %parallel_loop3A_186 = arith.constant 4 : i32
          %parallel_loop3A_187 = arith.index_cast %parallel_loop3A_186 : i32 to index
          %parallel_loop3A_188 = arith.index_cast %parallel_loop3A_185 : i32 to index
          %parallel_loop3A_189 = tpu.vector_load %arg6[%parallel_loop3A_187, %parallel_loop3A_188] {strides = array<i32>} : memref<8x2048xf32, #tpu.memory_space<vmem>>, vector<16xf32>,
          %parallel_loop3A_190 = tpu.memref_slice %arg10[%parallel_loop3A_155] : memref<32768xf32, #tpu.memory_space<vmem>> -> memref<256xf32, #tpu.memory_space<vmem>>
          tpu.vector_store_idx %parallel_loop3A_190[%add3A_40], %parallel_loop3A_189 : memref<256xf32, #tpu.memory_space<vmem>>[vector<16xi32>], vector<16xf32>,
          %parallel_loop3A_191 = arith.constant 16 : i32
          %parallel_loop3A_192 = arith.muli %parallel_loop3A_152, %parallel_loop3A_191 : i32
          %parallel_loop3A_193 = arith.constant 5 : i32
          %parallel_loop3A_194 = arith.index_cast %parallel_loop3A_193 : i32 to index
          %parallel_loop3A_195 = arith.index_cast %parallel_loop3A_192 : i32 to index
          %parallel_loop3A_196 = tpu.vector_load %arg6[%parallel_loop3A_194, %parallel_loop3A_195] {strides = array<i32>} : memref<8x2048xf32, #tpu.memory_space<vmem>>, vector<16xf32>,
          %parallel_loop3A_197 = tpu.memref_slice %arg10[%parallel_loop3A_155] : memref<32768xf32, #tpu.memory_space<vmem>> -> memref<256xf32, #tpu.memory_space<vmem>>
          tpu.vector_store_idx %parallel_loop3A_197[%add3A_43], %parallel_loop3A_196 : memref<256xf32, #tpu.memory_space<vmem>>[vector<16xi32>], vector<16xf32>,
          %parallel_loop3A_198 = arith.constant 16 : i32
          %parallel_loop3A_199 = arith.muli %parallel_loop3A_152, %parallel_loop3A_198 : i32
          %parallel_loop3A_200 = arith.constant 6 : i32
          %parallel_loop3A_201 = arith.index_cast %parallel_loop3A_200 : i32 to index
          %parallel_loop3A_202 = arith.index_cast %parallel_loop3A_199 : i32 to index
          %parallel_loop3A_203 = tpu.vector_load %arg6[%parallel_loop3A_201, %parallel_loop3A_202] {strides = array<i32>} : memref<8x2048xf32, #tpu.memory_space<vmem>>, vector<16xf32>,
          %parallel_loop3A_204 = tpu.memref_slice %arg10[%parallel_loop3A_155] : memref<32768xf32, #tpu.memory_space<vmem>> -> memref<256xf32, #tpu.memory_space<vmem>>
          tpu.vector_store_idx %parallel_loop3A_204[%add3A_46], %parallel_loop3A_203 : memref<256xf32, #tpu.memory_space<vmem>>[vector<16xi32>], vector<16xf32>,
          %parallel_loop3A_205 = arith.constant 16 : i32
          %parallel_loop3A_206 = arith.muli %parallel_loop3A_152, %parallel_loop3A_205 : i32
          %parallel_loop3A_207 = arith.constant 7 : i32
          %parallel_loop3A_208 = arith.index_cast %parallel_loop3A_207 : i32 to index
          %parallel_loop3A_209 = arith.index_cast %parallel_loop3A_206 : i32 to index
          %parallel_loop3A_210 = tpu.vector_load %arg6[%parallel_loop3A_208, %parallel_loop3A_209] {strides = array<i32>} : memref<8x2048xf32, #tpu.memory_space<vmem>>, vector<16xf32>,
          %parallel_loop3A_211 = tpu.memref_slice %arg10[%parallel_loop3A_155] : memref<32768xf32, #tpu.memory_space<vmem>> -> memref<256xf32, #tpu.memory_space<vmem>>
          tpu.vector_store_idx %parallel_loop3A_211[%add3A_49], %parallel_loop3A_210 : memref<256xf32, #tpu.memory_space<vmem>>[vector<16xi32>], vector<16xf32>,
          %parallel_loop3A_212 = arith.constant 16 : i32
          %parallel_loop3A_213 = arith.muli %parallel_loop3A_152, %parallel_loop3A_212 : i32
          %parallel_loop3A_214 = arith.constant 0 : i32
          %parallel_loop3A_215 = arith.index_cast %parallel_loop3A_214 : i32 to index
          %parallel_loop3A_216 = arith.index_cast %parallel_loop3A_213 : i32 to index
          %parallel_loop3A_217 = tpu.vector_load %arg8[%parallel_loop3A_215, %parallel_loop3A_216] {strides = array<i32>} : memref<8x2048xf32, #tpu.memory_space<vmem>>, vector<16xf32>,
          %parallel_loop3A_218 = tpu.memref_slice %arg10[%parallel_loop3A_155] : memref<32768xf32, #tpu.memory_space<vmem>> -> memref<256xf32, #tpu.memory_space<vmem>>
          tpu.vector_store_idx %parallel_loop3A_218[%add3A_52], %parallel_loop3A_217 : memref<256xf32, #tpu.memory_space<vmem>>[vector<16xi32>], vector<16xf32>,
          %parallel_loop3A_219 = arith.constant 16 : i32
          %parallel_loop3A_220 = arith.muli %parallel_loop3A_152, %parallel_loop3A_219 : i32
          %parallel_loop3A_221 = arith.constant 1 : i32
          %parallel_loop3A_222 = arith.index_cast %parallel_loop3A_221 : i32 to index
          %parallel_loop3A_223 = arith.index_cast %parallel_loop3A_220 : i32 to index
          %parallel_loop3A_224 = tpu.vector_load %arg8[%parallel_loop3A_222, %parallel_loop3A_223] {strides = array<i32>} : memref<8x2048xf32, #tpu.memory_space<vmem>>, vector<16xf32>,
          %parallel_loop3A_225 = tpu.memref_slice %arg10[%parallel_loop3A_155] : memref<32768xf32, #tpu.memory_space<vmem>> -> memref<256xf32, #tpu.memory_space<vmem>>
          tpu.vector_store_idx %parallel_loop3A_225[%add3A_55], %parallel_loop3A_224 : memref<256xf32, #tpu.memory_space<vmem>>[vector<16xi32>], vector<16xf32>,
          %parallel_loop3A_226 = arith.constant 16 : i32
          %parallel_loop3A_227 = arith.muli %parallel_loop3A_152, %parallel_loop3A_226 : i32
          %parallel_loop3A_228 = arith.constant 2 : i32
          %parallel_loop3A_229 = arith.index_cast %parallel_loop3A_228 : i32 to index
          %parallel_loop3A_230 = arith.index_cast %parallel_loop3A_227 : i32 to index
          %parallel_loop3A_231 = tpu.vector_load %arg8[%parallel_loop3A_229, %parallel_loop3A_230] {strides = array<i32>} : memref<8x2048xf32, #tpu.memory_space<vmem>>, vector<16xf32>,
          %parallel_loop3A_232 = tpu.memref_slice %arg10[%parallel_loop3A_155] : memref<32768xf32, #tpu.memory_space<vmem>> -> memref<256xf32, #tpu.memory_space<vmem>>
          tpu.vector_store_idx %parallel_loop3A_232[%add3A_58], %parallel_loop3A_231 : memref<256xf32, #tpu.memory_space<vmem>>[vector<16xi32>], vector<16xf32>,
          %parallel_loop3A_233 = arith.constant 16 : i32
          %parallel_loop3A_234 = arith.muli %parallel_loop3A_152, %parallel_loop3A_233 : i32
          %parallel_loop3A_235 = arith.constant 3 : i32
          %parallel_loop3A_236 = arith.index_cast %parallel_loop3A_235 : i32 to index
          %parallel_loop3A_237 = arith.index_cast %parallel_loop3A_234 : i32 to index
          %parallel_loop3A_238 = tpu.vector_load %arg8[%parallel_loop3A_236, %parallel_loop3A_237] {strides = array<i32>} : memref<8x2048xf32, #tpu.memory_space<vmem>>, vector<16xf32>,
          %parallel_loop3A_239 = tpu.memref_slice %arg10[%parallel_loop3A_155] : memref<32768xf32, #tpu.memory_space<vmem>> -> memref<256xf32, #tpu.memory_space<vmem>>
          tpu.vector_store_idx %parallel_loop3A_239[%add3A_61], %parallel_loop3A_238 : memref<256xf32, #tpu.memory_space<vmem>>[vector<16xi32>], vector<16xf32>,
          %parallel_loop3A_240 = arith.constant 16 : i32
          %parallel_loop3A_241 = arith.muli %parallel_loop3A_152, %parallel_loop3A_240 : i32
          %parallel_loop3A_242 = arith.constant 4 : i32
          %parallel_loop3A_243 = arith.index_cast %parallel_loop3A_242 : i32 to index
          %parallel_loop3A_244 = arith.index_cast %parallel_loop3A_241 : i32 to index
          %parallel_loop3A_245 = tpu.vector_load %arg8[%parallel_loop3A_243, %parallel_loop3A_244] {strides = array<i32>} : memref<8x2048xf32, #tpu.memory_space<vmem>>, vector<16xf32>,
          %parallel_loop3A_246 = tpu.memref_slice %arg10[%parallel_loop3A_155] : memref<32768xf32, #tpu.memory_space<vmem>> -> memref<256xf32, #tpu.memory_space<vmem>>
          tpu.vector_store_idx %parallel_loop3A_246[%add3A_64], %parallel_loop3A_245 : memref<256xf32, #tpu.memory_space<vmem>>[vector<16xi32>], vector<16xf32>,
          %parallel_loop3A_247 = arith.constant 16 : i32
          %parallel_loop3A_248 = arith.muli %parallel_loop3A_152, %parallel_loop3A_247 : i32
          %parallel_loop3A_249 = arith.constant 5 : i32
          %parallel_loop3A_250 = arith.index_cast %parallel_loop3A_249 : i32 to index
          %parallel_loop3A_251 = arith.index_cast %parallel_loop3A_248 : i32 to index
          %parallel_loop3A_252 = tpu.vector_load %arg8[%parallel_loop3A_250, %parallel_loop3A_251] {strides = array<i32>} : memref<8x2048xf32, #tpu.memory_space<vmem>>, vector<16xf32>,
          %parallel_loop3A_253 = tpu.memref_slice %arg10[%parallel_loop3A_155] : memref<32768xf32, #tpu.memory_space<vmem>> -> memref<256xf32, #tpu.memory_space<vmem>>
          tpu.vector_store_idx %parallel_loop3A_253[%add3A_67], %parallel_loop3A_252 : memref<256xf32, #tpu.memory_space<vmem>>[vector<16xi32>], vector<16xf32>,
          %parallel_loop3A_254 = arith.constant 16 : i32
          %parallel_loop3A_255 = arith.muli %parallel_loop3A_152, %parallel_loop3A_254 : i32
          %parallel_loop3A_256 = arith.constant 6 : i32
          %parallel_loop3A_257 = arith.index_cast %parallel_loop3A_256 : i32 to index
          %parallel_loop3A_258 = arith.index_cast %parallel_loop3A_255 : i32 to index
          %parallel_loop3A_259 = tpu.vector_load %arg8[%parallel_loop3A_257, %parallel_loop3A_258] {strides = array<i32>} : memref<8x2048xf32, #tpu.memory_space<vmem>>, vector<16xf32>,
          %parallel_loop3A_260 = tpu.memref_slice %arg10[%parallel_loop3A_155] : memref<32768xf32, #tpu.memory_space<vmem>> -> memref<256xf32, #tpu.memory_space<vmem>>
          tpu.vector_store_idx %parallel_loop3A_260[%add3A_70], %parallel_loop3A_259 : memref<256xf32, #tpu.memory_space<vmem>>[vector<16xi32>], vector<16xf32>,
          %parallel_loop3A_261 = arith.constant 16 : i32
          %parallel_loop3A_262 = arith.muli %parallel_loop3A_152, %parallel_loop3A_261 : i32
          %parallel_loop3A_263 = arith.constant 7 : i32
          %parallel_loop3A_264 = arith.index_cast %parallel_loop3A_263 : i32 to index
          %parallel_loop3A_265 = arith.index_cast %parallel_loop3A_262 : i32 to index
          %parallel_loop3A_266 = tpu.vector_load %arg8[%parallel_loop3A_264, %parallel_loop3A_265] {strides = array<i32>} : memref<8x2048xf32, #tpu.memory_space<vmem>>, vector<16xf32>,
          %parallel_loop3A_267 = tpu.memref_slice %arg10[%parallel_loop3A_155] : memref<32768xf32, #tpu.memory_space<vmem>> -> memref<256xf32, #tpu.memory_space<vmem>>
          tpu.vector_store_idx %parallel_loop3A_267[%add3A_73], %parallel_loop3A_266 : memref<256xf32, #tpu.memory_space<vmem>>[vector<16xi32>], vector<16xf32>,
          scf.yield %parallel_loop3A_153 : i32
        } {sc.loop_unroll_factor = 1 : i64, sc.parallel_access}
        %mul3A_149 = arith.constant 32768 : i32
        %mul3A_150 = arith.muli %add3A_118, %mul3A_149 : i32
        %dma_start3A = tpu.memref_slice %arg4[%mul3A_150] : memref<16000016xf32, #tpu.memory_space<hbm>> -> memref<32768xf32, #tpu.memory_space<hbm>>
        %dma_start3A_151 = tpu.memref_slice %arg4[%mul3A_150] : memref<16000016xf32, #tpu.memory_space<hbm>> -> memref<32768xf32, #tpu.memory_space<hbm>>
        tpu.enqueue_dma source(%arg10 : memref<32768xf32, #tpu.memory_space<vmem>>) target(%dma_start3A_151 : memref<32768xf32, #tpu.memory_space<hbm>>) target_semaphore(%arg14 : memref<!tpu.dma_semaphore, #tpu.memory_space<semaphore_mem>>)
      } else {
      }
    }
    %scan3A_91 = arith.constant 16 : i32
    %ge3A = arith.constant 1 : i32
    %ge3A_92 = arith.cmpi sge, %select_n3A, %ge3A : i32
    %convert_element_type3A_93 = arith.extui %ge3A_92 : i1 to i32
    %cond3A_94 = arith.constant 0 : i32
    %cond3A_95 = arith.cmpi ne, %convert_element_type3A_93, %cond3A_94 : i32
    scf.if %cond3A_95 {
      %dma_wait3A = arith.constant 0 : i32
      %dma_wait3A_101 = tpu.memref_slice %arg4[%dma_wait3A] : memref<16000016xf32, #tpu.memory_space<hbm>> -> memref<32768xf32, #tpu.memory_space<hbm>>
      %dma_wait3A_102 = arith.constant 0 : i32
      %dma_wait3A_103 = tpu.memref_slice %arg4[%dma_wait3A_102] : memref<16000016xf32, #tpu.memory_space<hbm>> -> memref<32768xf32, #tpu.memory_space<hbm>>
      tpu.wait_dma2 semaphore(%arg13 : memref<!tpu.dma_semaphore, #tpu.memory_space<semaphore_mem>>) src(%arg9 : memref<32768xf32, #tpu.memory_space<vmem>>) dst(%dma_wait3A_103 : memref<32768xf32, #tpu.memory_space<hbm>>)
    } else {
    }
    %ge3A_96 = arith.constant 2 : i32
    %ge3A_97 = arith.cmpi sge, %select_n3A, %ge3A_96 : i32
    %convert_element_type3A_98 = arith.extui %ge3A_97 : i1 to i32
    %cond3A_99 = arith.constant 0 : i32
    %cond3A_100 = arith.cmpi ne, %convert_element_type3A_98, %cond3A_99 : i32
    scf.if %cond3A_100 {
      %dma_wait3A = arith.constant 0 : i32
      %dma_wait3A_101 = tpu.memref_slice %arg4[%dma_wait3A] : memref<16000016xf32, #tpu.memory_space<hbm>> -> memref<32768xf32, #tpu.memory_space<hbm>>
      %dma_wait3A_102 = arith.constant 0 : i32
      %dma_wait3A_103 = tpu.memref_slice %arg4[%dma_wait3A_102] : memref<16000016xf32, #tpu.memory_space<hbm>> -> memref<32768xf32, #tpu.memory_space<hbm>>
      tpu.wait_dma2 semaphore(%arg14 : memref<!tpu.dma_semaphore, #tpu.memory_space<semaphore_mem>>) src(%arg10 : memref<32768xf32, #tpu.memory_space<vmem>>) dst(%dma_wait3A_103 : memref<32768xf32, #tpu.memory_space<hbm>>)
    } else {
    }
    return
  }
}

#map = affine_map<(d0, d1) -> (0, 0)>
#map1 = affine_map<(d0, d1) -> (0)>
module attributes {stable_mosaic.version = 14 : i64} {
  func.func @_sc_body(%arg0: i32, %arg1: i32, %arg2: memref<50x16384xi32, #tpu.memory_space<hbm>>, %arg3: memref<100x16384xi32, #tpu.memory_space<hbm>>, %arg4: memref<1000001x16xf32, #tpu.memory_space<hbm>>, %arg5: memref<16xf32, #tpu.memory_space<hbm>>, %arg6: memref<16xf32, #tpu.memory_space<hbm>>, %arg7: memref<16384xf32, #tpu.memory_space<hbm>>, %arg8: memref<50x512xi32, #tpu.memory_space<vmem>>, %arg9: memref<100x512xi32, #tpu.memory_space<vmem>>, %arg10: memref<512x16xf32, #tpu.memory_space<vmem>>, %arg11: memref<512x16xf32, #tpu.memory_space<vmem>>, %arg12: memref<512xf32, #tpu.memory_space<vmem>>, %arg13: memref<256xf32, #tpu.memory_space<vmem>>, %arg14: memref<16xf32, #tpu.memory_space<vmem>>, %arg15: memref<16xf32, #tpu.memory_space<vmem>>, %arg16: memref<!tpu.dma_semaphore, #tpu.memory_space<semaphore_mem>>, %arg17: memref<!tpu.dma_semaphore, #tpu.memory_space<semaphore_mem>>) attributes {dimension_semantics = [#tpu.dimension_semantics<core_parallel>, #tpu.dimension_semantics<subcore_parallel>], iteration_bounds = array<i64: 2, 16>, scalar_prefetch = 0 : i64, scratch_operands = 10 : i64, tpu.core_type = #tpu.core_type<sc_vector_subcore>, window_params = [{transform_indices = #map}, {transform_indices = #map}, {transform_indices = #map}, {transform_indices = #map1}, {transform_indices = #map1}, {transform_indices = #map1}]} {
    %mul3A = arith.constant 2 : i32
    %mul3A_0 = arith.muli %arg1, %mul3A : i32
    %add3A = arith.addi %mul3A_0, %arg0 : i32
    %mul3A_1 = arith.constant 512 : i32
    %mul3A_2 = arith.muli %add3A, %mul3A_1 : i32
    "tpu.region"() ({
      %run_scoped3A = tpu.sem_alloc : memref<!tpu.dma_semaphore, #tpu.memory_space<semaphore_mem>>
      tpu.enqueue_dma source(%arg5 : memref<16xf32, #tpu.memory_space<hbm>>) target(%arg14 : memref<16xf32, #tpu.memory_space<vmem>>) target_semaphore(%run_scoped3A : memref<!tpu.dma_semaphore, #tpu.memory_space<semaphore_mem>>)
      tpu.wait_dma2 semaphore(%run_scoped3A : memref<!tpu.dma_semaphore, #tpu.memory_space<semaphore_mem>>) src(%arg5 : memref<16xf32, #tpu.memory_space<hbm>>) dst(%arg14 : memref<16xf32, #tpu.memory_space<vmem>>)
      tpu.yield
    }) : () -> ()
    "tpu.region"() ({
      %run_scoped3A = tpu.sem_alloc : memref<!tpu.dma_semaphore, #tpu.memory_space<semaphore_mem>>
      tpu.enqueue_dma source(%arg6 : memref<16xf32, #tpu.memory_space<hbm>>) target(%arg15 : memref<16xf32, #tpu.memory_space<vmem>>) target_semaphore(%run_scoped3A : memref<!tpu.dma_semaphore, #tpu.memory_space<semaphore_mem>>)
      tpu.wait_dma2 semaphore(%run_scoped3A : memref<!tpu.dma_semaphore, #tpu.memory_space<semaphore_mem>>) src(%arg6 : memref<16xf32, #tpu.memory_space<hbm>>) dst(%arg15 : memref<16xf32, #tpu.memory_space<vmem>>)
      tpu.yield
    }) : () -> ()
    %dma_start3A = arith.constant 0 : i32
    %dma_start3A_3 = tpu.memref_slice %arg2[%dma_start3A, %mul3A_2] : memref<50x16384xi32, #tpu.memory_space<hbm>> -> memref<50x512xi32, #tpu.memory_space<hbm>>
    %dma_start3A_4 = arith.constant 0 : i32
    %dma_start3A_5 = tpu.memref_slice %arg2[%dma_start3A_4, %mul3A_2] : memref<50x16384xi32, #tpu.memory_space<hbm>> -> memref<50x512xi32, #tpu.memory_space<hbm>>
    tpu.enqueue_dma source(%dma_start3A_5 : memref<50x512xi32, #tpu.memory_space<hbm>>) target(%arg8 : memref<50x512xi32, #tpu.memory_space<vmem>>) target_semaphore(%arg16 : memref<!tpu.dma_semaphore, #tpu.memory_space<semaphore_mem>>)
    %dma_start3A_6 = arith.constant 0 : i32
    %dma_start3A_7 = tpu.memref_slice %arg3[%dma_start3A_6, %mul3A_2] : memref<100x16384xi32, #tpu.memory_space<hbm>> -> memref<100x512xi32, #tpu.memory_space<hbm>>
    %dma_start3A_8 = arith.constant 0 : i32
    %dma_start3A_9 = tpu.memref_slice %arg3[%dma_start3A_8, %mul3A_2] : memref<100x16384xi32, #tpu.memory_space<hbm>> -> memref<100x512xi32, #tpu.memory_space<hbm>>
    tpu.enqueue_dma source(%dma_start3A_9 : memref<100x512xi32, #tpu.memory_space<hbm>>) target(%arg9 : memref<100x512xi32, #tpu.memory_space<vmem>>) target_semaphore(%arg16 : memref<!tpu.dma_semaphore, #tpu.memory_space<semaphore_mem>>)
    %broadcast_in_dim3A = arith.constant 0.000000e+00 : f32
    %broadcast_in_dim3A_10 = vector.broadcast %broadcast_in_dim3A : f32 to vector<16xf32>
    %scan3A = arith.constant 0 : i32
    %scan3A_11 = arith.constant 0 : i32
    %scan3A_12 = arith.constant 512 : i32
    %scan3A_13 = arith.addi %scan3A_11, %scan3A_12 : i32
    %scan3A_14 = arith.constant 1 : i32
    scf.for %scan3A_63 = %scan3A_11 to %scan3A_13 step %scan3A_14  : i32 {
      %swap3A = arith.index_cast %scan3A_63 : i32 to index
      %swap3A_64 = arith.constant 0 : index
      %swap3A_65 = tpu.vector_load %arg10[%swap3A, %swap3A_64] {strides = array<i32>} : memref<512x16xf32, #tpu.memory_space<vmem>>, vector<16xf32>,
      tpu.vector_store %arg10[%swap3A, %swap3A_64], %broadcast_in_dim3A_10 {strides = array<i32>} : memref<512x16xf32, #tpu.memory_space<vmem>>, vector<16xf32>,
      %swap3A_66 = arith.index_cast %scan3A_63 : i32 to index
      %swap3A_67 = arith.constant 0 : index
      %swap3A_68 = tpu.vector_load %arg11[%swap3A_66, %swap3A_67] {strides = array<i32>} : memref<512x16xf32, #tpu.memory_space<vmem>>, vector<16xf32>,
      tpu.vector_store %arg11[%swap3A_66, %swap3A_67], %broadcast_in_dim3A_10 {strides = array<i32>} : memref<512x16xf32, #tpu.memory_space<vmem>>, vector<16xf32>,
    }
    %scan3A_15 = arith.constant 512 : i32
    %dma_wait3A = arith.constant 0 : i32
    %dma_wait3A_16 = arith.constant 0 : i32
    %dma_wait3A_17 = tpu.memref_slice %arg2[%dma_wait3A, %dma_wait3A_16] : memref<50x16384xi32, #tpu.memory_space<hbm>> -> memref<50x512xi32, #tpu.memory_space<hbm>>
    %dma_wait3A_18 = arith.constant 0 : i32
    %dma_wait3A_19 = arith.constant 0 : i32
    %dma_wait3A_20 = tpu.memref_slice %arg2[%dma_wait3A_18, %dma_wait3A_19] : memref<50x16384xi32, #tpu.memory_space<hbm>> -> memref<50x512xi32, #tpu.memory_space<hbm>>
    tpu.wait_dma2 semaphore(%arg16 : memref<!tpu.dma_semaphore, #tpu.memory_space<semaphore_mem>>) src(%dma_wait3A_20 : memref<50x512xi32, #tpu.memory_space<hbm>>) dst(%arg8 : memref<50x512xi32, #tpu.memory_space<vmem>>)
    %scan3A_21 = arith.constant 0 : i32
    %scan3A_22 = arith.constant 0 : i32
    %scan3A_23 = arith.constant 50 : i32
    %scan3A_24 = arith.addi %scan3A_22, %scan3A_23 : i32
    %scan3A_25 = arith.constant 1 : i32
    scf.for %scan3A_63 = %scan3A_22 to %scan3A_24 step %scan3A_25  : i32 {
      %dma_start3A_64 = arith.constant 0 : i32
      %dma_start3A_65 = tpu.memref_slice %arg8[%scan3A_63, %dma_start3A_64] : memref<50x512xi32, #tpu.memory_space<vmem>> -> memref<1x512xi32, #tpu.memory_space<vmem>>
      %dma_start3A_66 = tpu.memref_squeeze %dma_start3A_65 : memref<1x512xi32, #tpu.memory_space<vmem>> -> memref<512xi32, #tpu.memory_space<vmem>>
      %dma_start3A_67 = arith.constant 0 : i32
      %dma_start3A_68 = arith.constant 0 : i32
      %dma_start3A_69 = tpu.memref_slice %arg4[%dma_start3A_67, %dma_start3A_68] : memref<1000001x16xf32, #tpu.memory_space<hbm>> -> memref<1000001x16xf32, #tpu.memory_space<hbm>>
      tpu.enqueue_indirect_dma source(%dma_start3A_69 : memref<1000001x16xf32, #tpu.memory_space<hbm>>) target(%arg10 : memref<512x16xf32, #tpu.memory_space<vmem>>) offsets(%dma_start3A_66 : memref<512xi32, #tpu.memory_space<vmem>>) semaphore(%arg17 : memref<!tpu.dma_semaphore, #tpu.memory_space<semaphore_mem>>) {add = true}
    }
    %scan3A_26 = arith.constant 50 : i32
    %dma_wait3A_27 = arith.constant 0 : i32
    %dma_wait3A_28 = arith.constant 0 : i32
    %dma_wait3A_29 = tpu.memref_slice %arg3[%dma_wait3A_27, %dma_wait3A_28] : memref<100x16384xi32, #tpu.memory_space<hbm>> -> memref<100x512xi32, #tpu.memory_space<hbm>>
    %dma_wait3A_30 = arith.constant 0 : i32
    %dma_wait3A_31 = arith.constant 0 : i32
    %dma_wait3A_32 = tpu.memref_slice %arg3[%dma_wait3A_30, %dma_wait3A_31] : memref<100x16384xi32, #tpu.memory_space<hbm>> -> memref<100x512xi32, #tpu.memory_space<hbm>>
    tpu.wait_dma2 semaphore(%arg16 : memref<!tpu.dma_semaphore, #tpu.memory_space<semaphore_mem>>) src(%dma_wait3A_32 : memref<100x512xi32, #tpu.memory_space<hbm>>) dst(%arg9 : memref<100x512xi32, #tpu.memory_space<vmem>>)
    %scan3A_33 = arith.constant 0 : i32
    %scan3A_34 = arith.constant 0 : i32
    %scan3A_35 = arith.constant 100 : i32
    %scan3A_36 = arith.addi %scan3A_34, %scan3A_35 : i32
    %scan3A_37 = arith.constant 1 : i32
    scf.for %scan3A_63 = %scan3A_34 to %scan3A_36 step %scan3A_37  : i32 {
      %dma_start3A_64 = arith.constant 0 : i32
      %dma_start3A_65 = tpu.memref_slice %arg9[%scan3A_63, %dma_start3A_64] : memref<100x512xi32, #tpu.memory_space<vmem>> -> memref<1x512xi32, #tpu.memory_space<vmem>>
      %dma_start3A_66 = tpu.memref_squeeze %dma_start3A_65 : memref<1x512xi32, #tpu.memory_space<vmem>> -> memref<512xi32, #tpu.memory_space<vmem>>
      %dma_start3A_67 = arith.constant 0 : i32
      %dma_start3A_68 = arith.constant 0 : i32
      %dma_start3A_69 = tpu.memref_slice %arg4[%dma_start3A_67, %dma_start3A_68] : memref<1000001x16xf32, #tpu.memory_space<hbm>> -> memref<1000001x16xf32, #tpu.memory_space<hbm>>
      tpu.enqueue_indirect_dma source(%dma_start3A_69 : memref<1000001x16xf32, #tpu.memory_space<hbm>>) target(%arg11 : memref<512x16xf32, #tpu.memory_space<vmem>>) offsets(%dma_start3A_66 : memref<512xi32, #tpu.memory_space<vmem>>) semaphore(%arg17 : memref<!tpu.dma_semaphore, #tpu.memory_space<semaphore_mem>>) {add = true}
    }
    %scan3A_38 = arith.constant 100 : i32
    %scan3A_39 = arith.constant 0 : i32
    %scan3A_40 = arith.constant 0 : i32
    %scan3A_41 = arith.constant 50 : i32
    %scan3A_42 = arith.addi %scan3A_40, %scan3A_41 : i32
    %scan3A_43 = arith.constant 1 : i32
    scf.for %scan3A_63 = %scan3A_40 to %scan3A_42 step %scan3A_43  : i32 {
      %dma_wait3A_64 = arith.constant 0 : i32
      %dma_wait3A_65 = arith.constant 0 : i32
      %dma_wait3A_66 = tpu.memref_slice %arg8[%dma_wait3A_64, %dma_wait3A_65] : memref<50x512xi32, #tpu.memory_space<vmem>> -> memref<1x512xi32, #tpu.memory_space<vmem>>
      %dma_wait3A_67 = tpu.memref_squeeze %dma_wait3A_66 : memref<1x512xi32, #tpu.memory_space<vmem>> -> memref<512xi32, #tpu.memory_space<vmem>>
      %dma_wait3A_68 = arith.constant 0 : i32
      %dma_wait3A_69 = arith.constant 0 : i32
      %dma_wait3A_70 = tpu.memref_slice %arg4[%dma_wait3A_68, %dma_wait3A_69] : memref<1000001x16xf32, #tpu.memory_space<hbm>> -> memref<1000001x16xf32, #tpu.memory_space<hbm>>
      tpu.wait_indirect_dma semaphore(%arg17 : memref<!tpu.dma_semaphore, #tpu.memory_space<semaphore_mem>>) src(%dma_wait3A_70 : memref<1000001x16xf32, #tpu.memory_space<hbm>>) dst(%arg10 : memref<512x16xf32, #tpu.memory_space<vmem>>)
    }
    %scan3A_44 = arith.constant 50 : i32
    %scan3A_45 = arith.constant 0 : i32
    %scan3A_46 = arith.constant 0 : i32
    %scan3A_47 = arith.constant 100 : i32
    %scan3A_48 = arith.addi %scan3A_46, %scan3A_47 : i32
    %scan3A_49 = arith.constant 1 : i32
    scf.for %scan3A_63 = %scan3A_46 to %scan3A_48 step %scan3A_49  : i32 {
      %dma_wait3A_64 = arith.constant 0 : i32
      %dma_wait3A_65 = arith.constant 0 : i32
      %dma_wait3A_66 = tpu.memref_slice %arg9[%dma_wait3A_64, %dma_wait3A_65] : memref<100x512xi32, #tpu.memory_space<vmem>> -> memref<1x512xi32, #tpu.memory_space<vmem>>
      %dma_wait3A_67 = tpu.memref_squeeze %dma_wait3A_66 : memref<1x512xi32, #tpu.memory_space<vmem>> -> memref<512xi32, #tpu.memory_space<vmem>>
      %dma_wait3A_68 = arith.constant 0 : i32
      %dma_wait3A_69 = arith.constant 0 : i32
      %dma_wait3A_70 = tpu.memref_slice %arg4[%dma_wait3A_68, %dma_wait3A_69] : memref<1000001x16xf32, #tpu.memory_space<hbm>> -> memref<1000001x16xf32, #tpu.memory_space<hbm>>
      tpu.wait_indirect_dma semaphore(%arg17 : memref<!tpu.dma_semaphore, #tpu.memory_space<semaphore_mem>>) src(%dma_wait3A_70 : memref<1000001x16xf32, #tpu.memory_space<hbm>>) dst(%arg11 : memref<512x16xf32, #tpu.memory_space<vmem>>)
    }
    %scan3A_50 = arith.constant 100 : i32
    %get3A = arith.constant 0 : index
    %get3A_51 = tpu.vector_load %arg14[%get3A] {strides = array<i32>} : memref<16xf32, #tpu.memory_space<vmem>>, vector<16xf32>,
    %get3A_52 = arith.constant 0 : index
    %get3A_53 = tpu.vector_load %arg15[%get3A_52] {strides = array<i32>} : memref<16xf32, #tpu.memory_space<vmem>>, vector<16xf32>,
    %iota3A = tpu.iota {dimensions = array<i32: 0>} : vector<16xi32>
    %mul3A_54 = arith.constant 16 : i32
    %mul3A_55 = vector.broadcast %mul3A_54 : i32 to vector<16xi32>
    %mul3A_56 = arith.muli %iota3A, %mul3A_55 : vector<16xi32>
    %scan3A_57 = arith.constant 0 : i32
    %scan3A_58 = arith.constant 0 : i32
    %scan3A_59 = arith.constant 32 : i32
    %scan3A_60 = arith.addi %scan3A_58, %scan3A_59 : i32
    %scan3A_61 = arith.constant 1 : i32
    scf.for %scan3A_63 = %scan3A_58 to %scan3A_60 step %scan3A_61  : i32 {
      %scan3A_64 = arith.constant 0 : i32
      %scan3A_65 = arith.constant 0 : i32
      %scan3A_66 = arith.constant 16 : i32
      %scan3A_67 = arith.addi %scan3A_65, %scan3A_66 : i32
      %scan3A_68 = arith.constant 1 : i32
      scf.for %scan3A_161 = %scan3A_65 to %scan3A_67 step %scan3A_68  : i32 {
        %mul3A_162 = arith.constant 16 : i32
        %mul3A_163 = arith.muli %scan3A_63, %mul3A_162 : i32
        %add3A_164 = arith.addi %mul3A_163, %scan3A_161 : i32
        %get3A_165 = arith.index_cast %add3A_164 : i32 to index
        %get3A_166 = arith.constant 0 : index
        %get3A_167 = tpu.vector_load %arg10[%get3A_165, %get3A_166] {strides = array<i32>} : memref<512x16xf32, #tpu.memory_space<vmem>>, vector<16xf32>,
        %get3A_168 = arith.index_cast %add3A_164 : i32 to index
        %get3A_169 = arith.constant 0 : index
        %get3A_170 = tpu.vector_load %arg11[%get3A_168, %get3A_169] {strides = array<i32>} : memref<512x16xf32, #tpu.memory_space<vmem>>, vector<16xf32>,
        %mul3A_171 = arith.mulf %get3A_167, %get3A_170 : vector<16xf32>
        %mul3A_172 = arith.constant 16 : i32
        %mul3A_173 = arith.muli %scan3A_161, %mul3A_172 : i32
        %swap3A_174 = arith.index_cast %mul3A_173 : i32 to index
        %swap3A_175 = tpu.vector_load %arg13[%swap3A_174] {strides = array<i32>} : memref<256xf32, #tpu.memory_space<vmem>>, vector<16xf32>,
        tpu.vector_store %arg13[%swap3A_174], %mul3A_171 {strides = array<i32>} : memref<256xf32, #tpu.memory_space<vmem>>, vector<16xf32>,
      }
      %scan3A_69 = arith.constant 16 : i32
      %add3A_70 = arith.constant 0 : i32
      %add3A_71 = vector.broadcast %add3A_70 : i32 to vector<16xi32>
      %add3A_72 = arith.addi %mul3A_56, %add3A_71 : vector<16xi32>
      %gather3A = tpu.vector_load_idx %arg13[%add3A_72] : memref<256xf32, #tpu.memory_space<vmem>>[vector<16xi32>], vector<16xf32>,
      %add3A_73 = arith.addf %broadcast_in_dim3A_10, %gather3A : vector<16xf32>
      %add3A_74 = arith.constant 1 : i32
      %add3A_75 = vector.broadcast %add3A_74 : i32 to vector<16xi32>
      %add3A_76 = arith.addi %mul3A_56, %add3A_75 : vector<16xi32>
      %gather3A_77 = tpu.vector_load_idx %arg13[%add3A_76] : memref<256xf32, #tpu.memory_space<vmem>>[vector<16xi32>], vector<16xf32>,
      %add3A_78 = arith.addf %add3A_73, %gather3A_77 : vector<16xf32>
      %add3A_79 = arith.constant 2 : i32
      %add3A_80 = vector.broadcast %add3A_79 : i32 to vector<16xi32>
      %add3A_81 = arith.addi %mul3A_56, %add3A_80 : vector<16xi32>
      %gather3A_82 = tpu.vector_load_idx %arg13[%add3A_81] : memref<256xf32, #tpu.memory_space<vmem>>[vector<16xi32>], vector<16xf32>,
      %add3A_83 = arith.addf %add3A_78, %gather3A_82 : vector<16xf32>
      %add3A_84 = arith.constant 3 : i32
      %add3A_85 = vector.broadcast %add3A_84 : i32 to vector<16xi32>
      %add3A_86 = arith.addi %mul3A_56, %add3A_85 : vector<16xi32>
      %gather3A_87 = tpu.vector_load_idx %arg13[%add3A_86] : memref<256xf32, #tpu.memory_space<vmem>>[vector<16xi32>], vector<16xf32>,
      %add3A_88 = arith.addf %add3A_83, %gather3A_87 : vector<16xf32>
      %add3A_89 = arith.constant 4 : i32
      %add3A_90 = vector.broadcast %add3A_89 : i32 to vector<16xi32>
      %add3A_91 = arith.addi %mul3A_56, %add3A_90 : vector<16xi32>
      %gather3A_92 = tpu.vector_load_idx %arg13[%add3A_91] : memref<256xf32, #tpu.memory_space<vmem>>[vector<16xi32>], vector<16xf32>,
      %add3A_93 = arith.addf %add3A_88, %gather3A_92 : vector<16xf32>
      %add3A_94 = arith.constant 5 : i32
      %add3A_95 = vector.broadcast %add3A_94 : i32 to vector<16xi32>
      %add3A_96 = arith.addi %mul3A_56, %add3A_95 : vector<16xi32>
      %gather3A_97 = tpu.vector_load_idx %arg13[%add3A_96] : memref<256xf32, #tpu.memory_space<vmem>>[vector<16xi32>], vector<16xf32>,
      %add3A_98 = arith.addf %add3A_93, %gather3A_97 : vector<16xf32>
      %add3A_99 = arith.constant 6 : i32
      %add3A_100 = vector.broadcast %add3A_99 : i32 to vector<16xi32>
      %add3A_101 = arith.addi %mul3A_56, %add3A_100 : vector<16xi32>
      %gather3A_102 = tpu.vector_load_idx %arg13[%add3A_101] : memref<256xf32, #tpu.memory_space<vmem>>[vector<16xi32>], vector<16xf32>,
      %add3A_103 = arith.addf %add3A_98, %gather3A_102 : vector<16xf32>
      %add3A_104 = arith.constant 7 : i32
      %add3A_105 = vector.broadcast %add3A_104 : i32 to vector<16xi32>
      %add3A_106 = arith.addi %mul3A_56, %add3A_105 : vector<16xi32>
      %gather3A_107 = tpu.vector_load_idx %arg13[%add3A_106] : memref<256xf32, #tpu.memory_space<vmem>>[vector<16xi32>], vector<16xf32>,
      %add3A_108 = arith.addf %add3A_103, %gather3A_107 : vector<16xf32>
      %add3A_109 = arith.constant 8 : i32
      %add3A_110 = vector.broadcast %add3A_109 : i32 to vector<16xi32>
      %add3A_111 = arith.addi %mul3A_56, %add3A_110 : vector<16xi32>
      %gather3A_112 = tpu.vector_load_idx %arg13[%add3A_111] : memref<256xf32, #tpu.memory_space<vmem>>[vector<16xi32>], vector<16xf32>,
      %add3A_113 = arith.addf %add3A_108, %gather3A_112 : vector<16xf32>
      %add3A_114 = arith.constant 9 : i32
      %add3A_115 = vector.broadcast %add3A_114 : i32 to vector<16xi32>
      %add3A_116 = arith.addi %mul3A_56, %add3A_115 : vector<16xi32>
      %gather3A_117 = tpu.vector_load_idx %arg13[%add3A_116] : memref<256xf32, #tpu.memory_space<vmem>>[vector<16xi32>], vector<16xf32>,
      %add3A_118 = arith.addf %add3A_113, %gather3A_117 : vector<16xf32>
      %add3A_119 = arith.constant 10 : i32
      %add3A_120 = vector.broadcast %add3A_119 : i32 to vector<16xi32>
      %add3A_121 = arith.addi %mul3A_56, %add3A_120 : vector<16xi32>
      %gather3A_122 = tpu.vector_load_idx %arg13[%add3A_121] : memref<256xf32, #tpu.memory_space<vmem>>[vector<16xi32>], vector<16xf32>,
      %add3A_123 = arith.addf %add3A_118, %gather3A_122 : vector<16xf32>
      %add3A_124 = arith.constant 11 : i32
      %add3A_125 = vector.broadcast %add3A_124 : i32 to vector<16xi32>
      %add3A_126 = arith.addi %mul3A_56, %add3A_125 : vector<16xi32>
      %gather3A_127 = tpu.vector_load_idx %arg13[%add3A_126] : memref<256xf32, #tpu.memory_space<vmem>>[vector<16xi32>], vector<16xf32>,
      %add3A_128 = arith.addf %add3A_123, %gather3A_127 : vector<16xf32>
      %add3A_129 = arith.constant 12 : i32
      %add3A_130 = vector.broadcast %add3A_129 : i32 to vector<16xi32>
      %add3A_131 = arith.addi %mul3A_56, %add3A_130 : vector<16xi32>
      %gather3A_132 = tpu.vector_load_idx %arg13[%add3A_131] : memref<256xf32, #tpu.memory_space<vmem>>[vector<16xi32>], vector<16xf32>,
      %add3A_133 = arith.addf %add3A_128, %gather3A_132 : vector<16xf32>
      %add3A_134 = arith.constant 13 : i32
      %add3A_135 = vector.broadcast %add3A_134 : i32 to vector<16xi32>
      %add3A_136 = arith.addi %mul3A_56, %add3A_135 : vector<16xi32>
      %gather3A_137 = tpu.vector_load_idx %arg13[%add3A_136] : memref<256xf32, #tpu.memory_space<vmem>>[vector<16xi32>], vector<16xf32>,
      %add3A_138 = arith.addf %add3A_133, %gather3A_137 : vector<16xf32>
      %add3A_139 = arith.constant 14 : i32
      %add3A_140 = vector.broadcast %add3A_139 : i32 to vector<16xi32>
      %add3A_141 = arith.addi %mul3A_56, %add3A_140 : vector<16xi32>
      %gather3A_142 = tpu.vector_load_idx %arg13[%add3A_141] : memref<256xf32, #tpu.memory_space<vmem>>[vector<16xi32>], vector<16xf32>,
      %add3A_143 = arith.addf %add3A_138, %gather3A_142 : vector<16xf32>
      %add3A_144 = arith.constant 15 : i32
      %add3A_145 = vector.broadcast %add3A_144 : i32 to vector<16xi32>
      %add3A_146 = arith.addi %mul3A_56, %add3A_145 : vector<16xi32>
      %gather3A_147 = tpu.vector_load_idx %arg13[%add3A_146] : memref<256xf32, #tpu.memory_space<vmem>>[vector<16xi32>], vector<16xf32>,
      %add3A_148 = arith.addf %add3A_143, %gather3A_147 : vector<16xf32>
      %mul3A_149 = arith.mulf %add3A_148, %get3A_51 : vector<16xf32>
      %add3A_150 = arith.addf %mul3A_149, %get3A_53 : vector<16xf32>
      %neg3A = arith.constant 0.000000e+00 : f32
      %neg3A_151 = vector.broadcast %neg3A : f32 to vector<16xf32>
      %neg3A_152 = arith.subf %neg3A_151, %add3A_150 : vector<16xf32>
      %exp3A = math.exp %neg3A_152 : vector<16xf32>
      %add3A_153 = arith.constant 1.000000e+00 : f32
      %add3A_154 = vector.broadcast %add3A_153 : f32 to vector<16xf32>
      %add3A_155 = arith.addf %add3A_154, %exp3A : vector<16xf32>
      %div3A = arith.constant 1.000000e+00 : f32
      %div3A_156 = vector.broadcast %div3A : f32 to vector<16xf32>
      %div3A_157 = arith.divf %div3A_156, %add3A_155 : vector<16xf32>
      %mul3A_158 = arith.constant 16 : i32
      %mul3A_159 = arith.muli %scan3A_63, %mul3A_158 : i32
      %swap3A = arith.index_cast %mul3A_159 : i32 to index
      %swap3A_160 = tpu.vector_load %arg12[%swap3A] {strides = array<i32>} : memref<512xf32, #tpu.memory_space<vmem>>, vector<16xf32>,
      tpu.vector_store %arg12[%swap3A], %div3A_157 {strides = array<i32>} : memref<512xf32, #tpu.memory_space<vmem>>, vector<16xf32>,
    }
    %scan3A_62 = arith.constant 32 : i32
    "tpu.region"() ({
      %run_scoped3A = tpu.sem_alloc : memref<!tpu.dma_semaphore, #tpu.memory_space<semaphore_mem>>
      %dma_start3A_63 = tpu.memref_slice %arg7[%mul3A_2] : memref<16384xf32, #tpu.memory_space<hbm>> -> memref<512xf32, #tpu.memory_space<hbm>>
      %dma_start3A_64 = tpu.memref_slice %arg7[%mul3A_2] : memref<16384xf32, #tpu.memory_space<hbm>> -> memref<512xf32, #tpu.memory_space<hbm>>
      tpu.enqueue_dma source(%arg12 : memref<512xf32, #tpu.memory_space<vmem>>) target(%dma_start3A_64 : memref<512xf32, #tpu.memory_space<hbm>>) target_semaphore(%run_scoped3A : memref<!tpu.dma_semaphore, #tpu.memory_space<semaphore_mem>>)
      %dma_wait3A_65 = tpu.memref_slice %arg7[%mul3A_2] : memref<16384xf32, #tpu.memory_space<hbm>> -> memref<512xf32, #tpu.memory_space<hbm>>
      %dma_wait3A_66 = tpu.memref_slice %arg7[%mul3A_2] : memref<16384xf32, #tpu.memory_space<hbm>> -> memref<512xf32, #tpu.memory_space<hbm>>
      tpu.wait_dma2 semaphore(%run_scoped3A : memref<!tpu.dma_semaphore, #tpu.memory_space<semaphore_mem>>) src(%arg12 : memref<512xf32, #tpu.memory_space<vmem>>) dst(%dma_wait3A_66 : memref<512xf32, #tpu.memory_space<hbm>>)
      tpu.yield
    }) : () -> ()
    return
  }
}

</mosaic_0001>

<sc_bundles>
// kernel: kernel.4.cloned.1.call-start
scs
__scs_entry_jumppad:
0x0: {  	(pc) =	sbr.rel $0x88, $3  }
0x1: {  	(tag) =	ssettag $0x0;
	lr =	simm.s32 $0x1  }
0x2: {  	[smem:$0x3F9C] =	sst lr;
	_ =	strace $0xD0000000  }
0x3: {  	_ = 	snop  }
0x4: {  	_ = 	snop  }
0x5: {  	_ = 	snop  }
0x6: {  	_ = 	snop  }
0x7: {  	_ = 	snop  }
__scs_overlays_trampoline_lowered:
0x8: {  	[smem:$0x3FAB] =	sst s0  }
0x9: {  	[smem:$0x3FAC] =	sst s1  }
0xa: {  	[smem:$0x3FAD] =	sst s2  }
0xb: {  	[smem:$0x3FAE] =	sst s3  }
0xc: {  	[smem:$0x3FAF] =	sst s4  }
0xd: {  	[smem:$0x3FB0] =	sst s5  }
0xe: {  	[smem:$0x3FB1] =	sst s6  }
0xf: {  	[smem:$0x3FB2] =	sst s7  }
0x10: {  	[smem:$0x3FB3] =	sst s8  }
0x11: {  	[smem:$0x3FB4] =	sst s9;
	s0 =	simm.s32 @!p0 $0x0  }
0x12: {  	s1 =	sld [smem:$0x3F9A];
	s0 =	simm.s32 @p0 $0x1  }
0x13: {  	[smem:$0x3FB5] =	sst s0;
	s0 =	simm.s32 @!p1 $0x0  }
0x14: {  	s2 =	sld [smem:$0x3F99];
	s0 =	simm.s32 @p1 $0x1  }
0x15: {  	[smem:$0x3FB6] =	sst s0;
	s0 =	simm.s32 @!p2 $0x0  }
0x16: {  	s3 =	sld [smem:$0x3FDB];
	s0 =	simm.s32 @p2 $0x1  }
0x17: {  	s4 =	simm.s32 $0x1BF5;
	[smem:$0x3FB8] =	sst s0  }
0x18: {  	s0 =	sld [smem:$0x3F9B];
	_ =	swait.ge [sflag:s4], $0x0  }
0x19: {  	s7 =	sld [smem:$0x3F9C]  }
0x1a: {  	s8 =	sadd.s32 $0xFFFFE003, lr  }
0x1b: {  	s9 =	sadd.s32 $0xFFFFFEF7, lr;
	s5 =	simm.s32 $0xFFFFFFFF;
	p2 =	slt.u32 s8, $0xFFFFF086  }
0x1c: {  	p1 =	slt.u32 s9, $0xF7A;
	s5 =	simm.s32 @!p2 $0x0  }
0x1d: {  	s5 =	simm.s32 @p1 $0x1;
	p0 =	seq.s32 s7, s2  }
0x1e: {  	s7 =	smul.u32 @!p0 $0xF7A, s2;
	p2 =	seq.s32 @!p0 s5, $0x0  }
0x1f: {  	s9 =	smul.u32 $0xF7A, s1;
	s8 =	simm.s32 @!p0 $0x1BF5;
	p2 =	por !p2, p0  }
0x20: {  	[sflag:s8] =	ssyncset.s32 @!p0 $0xFFFFF086;
	s6 =	sadd.s32 @!p0 s3, s7;
	s7 =	simm.s32 @!p0 $0x108  }
0x21: {  	s3 =	sadd.s32 s3, s9;
	s6 =	sadd.s32 @!p0 $0x88, s6;
	s7 =	simm.s32 @p2 $0x1082  }
0x22: {  	[simem:s7], [sflag:s8] =	dma.local @!p0 [hbm:s6], $0xF7A  }
0x23: {  	s9 =	sor.u32 $0xD0000000, s2;
	s6 =	simm.s32 $0x108;
	_ =	swait.ge @!p0 [sflag:s8], $0x0  }
0x24: {  	s3 =	sadd.s32 $0x88, s3;
	s6 =	simm.s32 @!p1 $0x1082;
	[sflag:s4] =	ssyncset.s32 $0xFFFFF086  }
0x25: {  	[simem:s6], [sflag:s4] =	dma.local [hbm:s3], $0xF7A  }
0x26: {  	[smem:$0x3F9C] =	sst s1;
	(tag) =	ssettag s2;
	_ =	strace s9  }
0x27: {  	s1 =	sld [smem:$0x3FAC]  }
0x28: {  	s2 =	sld [smem:$0x3FAD]  }
0x29: {  	s4 =	sld [smem:$0x3FAF]  }
0x2a: {  	p0 =	seq.s32 s5, $0x0;
	s5 =	sld [smem:$0x3FB0]  }
0x2b: {  	s6 =	sld [smem:$0x3FB1]  }
0x2c: {  	s7 =	sld [smem:$0x3FB2]  }
0x2d: {  	s3 =	simm.s32 $0x108;
	s8 =	sld [smem:$0x3FB3]  }
0x2e: {  	s3 =	simm.s32 @!p0 $0x1082;
	s9 =	sld [smem:$0x3FB4]  }
0x2f: {  	lr =	sadd.s32 s0, s3;
	s0 =	sld [smem:$0x3FAB]  }
0x30: {  	s3 =	sld [smem:$0x3FAE]  }
0x31: {  	[smem:$0x3FB7] =	sst s10  }
0x32: {  	s10 =	sld [smem:$0x3FB5];
	_ =	sdelay $0x3  }
0x33: {  	p0 =	seq.s32 s10, $0x1;
	s10 =	sld [smem:$0x3FB7];
	_ =	sdelay $0x3  }
0x34: {  	[smem:$0x3FB7] =	sst s10  }
0x35: {  	s10 =	sld [smem:$0x3FB6];
	_ =	sdelay $0x3  }
0x36: {  	p1 =	seq.s32 s10, $0x1;
	s10 =	sld [smem:$0x3FB7];
	_ =	sdelay $0x3  }
0x37: {  	[smem:$0x3FB7] =	sst s10  }
0x38: {  	s10 =	sld [smem:$0x3FB8]  }
0x39: {  	_ = 	snop;
	(pc) =	sbr.ind lr, $3  }
0x3a: {  	_ = 	snop  }
0x3b: {  	_ = 	snop  }
0x3c: {  	p2 =	seq.s32 s10, $0x1;
	s10 =	sld [smem:$0x3FB7]  }
0x3d: {  	_ =	shalt  }
0x3e: {  	_ =	shalt  }
0x3f: {  	_ =	shalt  }
0x40: {  	_ =	shalt  }
0x41: {  	_ =	shalt  }
0x42: {  	_ =	shalt  }
0x43: {  	_ =	shalt  }
0x44: {  	_ =	shalt  }
0x45: {  	_ =	shalt  }
0x46: {  	_ =	shalt  }
0x47: {  	_ =	shalt  }
0x48: {  	_ =	shalt  }
0x49: {  	_ =	shalt  }
0x4a: {  	_ =	shalt  }
0x4b: {  	_ =	shalt  }
0x4c: {  	_ =	shalt  }
0x4d: {  	_ =	shalt  }
0x4e: {  	_ =	shalt  }
0x4f: {  	_ =	shalt  }
0x50: {  	_ =	shalt  }
0x51: {  	_ =	shalt  }
0x52: {  	_ =	shalt  }
0x53: {  	_ =	shalt  }
0x54: {  	_ =	shalt  }
0x55: {  	_ =	shalt  }
0x56: {  	_ =	shalt  }
0x57: {  	_ =	shalt  }
0x58: {  	_ =	shalt  }
0x59: {  	_ =	shalt  }
0x5a: {  	_ =	shalt  }
0x5b: {  	_ =	shalt  }
0x5c: {  	_ =	shalt  }
0x5d: {  	_ =	shalt  }
0x5e: {  	_ =	shalt  }
0x5f: {  	_ =	shalt  }
0x60: {  	_ =	shalt  }
0x61: {  	_ =	shalt  }
0x62: {  	_ =	shalt  }
0x63: {  	_ =	shalt  }
0x64: {  	_ =	shalt  }
0x65: {  	_ =	shalt  }
0x66: {  	_ =	shalt  }
0x67: {  	_ =	shalt  }
0x68: {  	_ =	shalt  }
0x69: {  	_ =	shalt  }
0x6a: {  	_ =	shalt  }
0x6b: {  	_ =	shalt  }
0x6c: {  	_ =	shalt  }
0x6d: {  	_ =	shalt  }
0x6e: {  	_ =	shalt  }
0x6f: {  	_ =	shalt  }
0x70: {  	_ =	shalt  }
0x71: {  	_ =	shalt  }
0x72: {  	_ =	shalt  }
0x73: {  	_ =	shalt  }
0x74: {  	_ =	shalt  }
0x75: {  	_ =	shalt  }
0x76: {  	_ =	shalt  }
0x77: {  	_ =	shalt  }
0x78: {  	_ =	shalt  }
0x79: {  	_ =	shalt  }
0x7a: {  	_ =	shalt  }
0x7b: {  	_ =	shalt  }
0x7c: {  	_ =	shalt  }
0x7d: {  	_ =	shalt  }
0x7e: {  	_ =	shalt  }
0x7f: {  	_ =	shalt  }
0x80: {  	_ =	shalt  }
0x81: {  	_ =	shalt  }
0x82: {  	_ =	shalt  }
0x83: {  	_ =	shalt  }
0x84: {  	_ =	shalt  }
0x85: {  	_ =	shalt  }
0x86: {  	_ =	shalt  }
0x87: {  	_ =	shalt  }
.Lfunc_end0:
.L_simem_size_0:
called_computation_lowered:
.L_overlay_start_0:
0x88: {  	s2 =	sld [smem:$0x3FD9]  }
0x89: {  	s3 =	sld [smem:$0x3FFE];
	_ =	sdelay $0x1  }
0x8a: {  	s1 =	srdreg.scid  }
0x8b: {  	s0 =	sand.u32 $0x1, s1  }
0x8c: {  	s17 =	sshll.u32 s0, $0xA;
	s2 =	sadd.s32 s3, s2  }
0x8d: {  	s2 =	sadd.s32 s2, s17  }
0x8e: {  	[smem:$0x3FC3] =	sst s2  }
0x8f: {  	_ = 	snop  }
0x90: {  	s2 =	sld [smem:$0x3FC7]  }
0x91: {  	s18 =	sld [smem:$0x3FD0];
	(tm) =	ssettm $0x1  }
0x92: {  	s4 =	sld [smem:$0x3FFB];
	_ =	sdelay $0x3  }
0x93: {  	_ =	strace s4  }
0x94: {  	s4 =	sld [smem:$0x3FFC];
	_ =	sdelay $0x3  }
0x95: {  	_ =	strace s4  }
0x96: {  	s4 =	sld [smem:$0x3FFD];
	_ =	sdelay $0x3  }
0x97: {  	_ =	strace s4  }
0x98: {  	_ =	strace $0x8FFFFFFF  }
0x99: {  	s19 =	sld [smem:$0x3FDB];
	_ =	sdelay $0x1  }
0x9a: {  	s5 =	simm.s32 $_scs_section_size  }
0x9b: {  	s6 =	simm.s32 $_size__tile_overlayer_lowered;
	s7 =	simm.s32 $_tile_overlayer_lowered  }
0x9c: {  	s22 =	simm.s32 $0x1BFF;
	s21 =	sshll.u32 s7, $0x1;
	s4 =	sadd.s32 s5, s19  }
0x9d: {  	s8 =	simm.s32 $0x0;
	s20 =	sshll.u32 s6, $0x1;
	s6 =	sadd.s32 s21, s4  }
0x9e: {  	[timem:s8], [sflag:s22] =	dma.local [hbm:s6], s20  }
0x9f: {  	_ =	swait.ge [sflag:s22], s20  }
0xa0: {  	s5 =	ssub.s32 $0x0, s20;
	[sflag:s22] =	ssyncset.done $0x0  }
0xa1: {  	[sflag:s22] =	ssyncadd.s32 s5;
	_ =	sdelay $0x1  }
0xa2: {  	s23 =	simm.s32 $0x1B8B  }
0xa3: {  	_ =	swait.ge [sflag:s23], $0x1  }
0xa4: {  	[sflag:s23] =	ssyncset.done $0x0  }
0xa5: {  	s25 =	simm.s32 $0x1B8E;
	s24 =	sld [smem:$0x3FFE];
	[sflag:s23] =	ssyncadd.s32 $0xFFFFFFFF  }
0xa6: {  	s26 =	simm.s32 $execute0_lowered;
	[smem:$0x3FD2] =	sst s25  }
0xa7: {  	s6 =	sshll.u32 s26, $0x1;
	_ =	strace $0x80000046;
	[dreg:$0x1] =	wrdreg $0xFFFFFFFF  }
0xa8: {  	s28 =	simm.s32 $_size_execute0_lowered;
	s4 =	sadd.s32 s4, s6;
	[dreg:$0x0] =	wrdreg $0x0  }
0xa9: {  	s6 =	sshll.u32 s28, $0x1;
	[dreg:$0x2] =	wrdreg s4  }
0xaa: {  	[dreg:$0x3] =	wrdreg s6  }
0xab: {  	[dreg:$0x4] =	wrdreg $0xC0  }
0xac: {  	_ =	task [dreg:s8], $0x5FFFF  }
0xad: {  	[dreg:$0x1] =	wrdreg $0xFFFFFFFF  }
0xae: {  	[dreg:$0x0] =	wrdreg $0x60  }
0xaf: {  	[dreg:$0x2] =	wrdreg s2  }
0xb0: {  	[dreg:$0x3] =	wrdreg s18  }
0xb1: {  	[dreg:$0x4] =	wrdreg s24  }
0xb2: {  	[dreg:$0x5] =	wrdreg $0x9  }
0xb3: {  	_ =	task.clear_ibuf [dreg:s8], $0x6FFFF;
	_ =	strace $0x90000046  }
0xb4: {  	s29 =	simm.s32 $0x9;
	_ =	strace $0x80000048  }
0xb5: {  	_ =	swait.ge [sflag:s29], $0x1  }
0xb6: {  	[sflag:s29] =	ssyncadd.s32 $0xFFFFFFFF  }
0xb7: {  	_ =	strace $0x90000048  }
0xb8: {  	_ =	sfence  }
0xb9: {  	s30 =	sld [smem:$0x0];
	_ =	sdelay $0x2  }
0xba: {  	s31 =	sshll.u32 s1, $0xD;
	s1 =	sshrl.u32 s1, $0x2  }
0xbb: {  	s3 =	sand.u32 $0x4000, s31;
	s1 =	sadd.s32 s1, s30  }
0xbc: {  	s0 =	sor.u32 s3, s0;
	s1 =	sshll.u32 s1, $0x11  }
0xbd: {  	s0 =	sor.u32 s1, s0  }
0xbe: {  	s0 =	sadd.s32 $0x8F2B, s0  }
0xbf: {  	[sflag:s0] =	ssyncadd.remote.s32 $0x1  }
0xc0: {  	_ =	sfence.sel $0xFFFF  }
0xc1: {  	[dreg:$0x0] =	wrdreg $0xFFFFFFFF;
	(pc) =	sbr.abs _section_cstart, $3  }
0xc2: {  	[dreg:$0x1] =	wrdreg $0xFFFFFFFF  }
0xc3: {  	_ =	task.clear_ibuf [dreg:s8], $0x2FFFF;
	_ =	strace $0x9FFFFFFF  }
0xc4: {  	(tm) =	ssettm $0x7FFFFFFF  }
0xc5: {  	_ =	shalt  }
tec
execute0_lowered:
.L_overlay_start_1:
0x0: {  	(tag) =	ssettag $0x1  }
0x1: {  	s16 =	rddreg [dreg:$0x0]  }
0x2: {  	s0 =	rddreg [dreg:$0x2];
	s26 =	simm.s32 $0x0  }
0x3: {  	s1 =	srdreg.scid;
	[smem:$0x7FF] =	sst s26;
	s19 =	sadd.s32 $0x1200, s0  }
0x4: {  	s22 =	sadd.s32 $0x1E9600, s0;
	_ =	strace $0x80000047;
	[dreg:$0x5] =	wrdreg s19  }
0x5: {  	s2 =	stileid.u32;
	s23 =	sadd.s32 $0x1E8280, s16;
	[dreg:$0x6] =	wrdreg s22  }
0x6: {  	s1 =	sand.u32 $0x1, s1;
	s24 =	sadd.s32 $0xF4000, s16;
	[dreg:$0x7] =	wrdreg s23  }
0x7: {  	s2 =	sshll.u32 s2, $0x1;
	s0 =	sadd.s32 $0x1E9200, s0;
	[dreg:$0x9] =	wrdreg s24  }
0x8: {  	s29 =	sadd.s32 $0x10000, s16;
	s30 =	sadd.s32 $0x104280, s16;
	[dreg:$0xa] =	wrdreg s0  }
0x9: {  	v0 =	vlaneseq.u32;
	s3 =	ssub.s32 $0x2, s1;
	s4 =	sor.u32 s1, s2;
	[dreg:$0xd] =	wrdreg s29  }
0xa: {  	v0 =	vmul.u32 $0x10, v0;
	[dreg:$0xe] =	wrdreg s30;
	s23 =	simm.s32 $0x2;
	s20 =	sshrl.u32 s3, $0x1  }
0xb: {  	s2 =	ssub.s32 $0x207, s4;
	s21 =	sshll.u32 s4, $0xB;
	[dreg:$0x4] =	wrdreg s4  }
.Ltmp0:
0xc: {  	v1 =	vor.u32 $0x1, v0;
	v2 =	vor.u32 $0x2, v0;
	v15 =	vor.u32 $0xF, v0;
	s7 =	sshrl.u32 s2, $0x5;
	s2 =	sadd.s32 s16, s21;
	(pc) =	sbr.rel .LBB2_1-.Ltmp0, $4  }
0xd: {  	v3 =	vor.u32 $0x3, v0;
	p0 =	seq.s32 s4, $0x11;
	v4 =	vor.u32 $0x4, v0;
	v5 =	vor.u32 $0x5, v0;
	[dreg:$0x8] =	wrdreg s2;
	s25 =	sadd.s32 $0xF4280, s2  }
0xe: {  	v6 =	vor.u32 $0x6, v0;
	v7 =	vor.u32 $0x7, v0;
	v10 =	vor.u32 $0xA, v0;
	s1 =	ssub.s32 s3, s20;
	s28 =	sadd.s32 $0xFFFFFFFE, s7;
	[dreg:$0xb] =	wrdreg s25  }
0xf: {  	v8 =	vor.u32 $0x8, v0;
	v9 =	vor.u32 $0x9, v0;
	v11 =	vor.u32 $0xB, v0;
	p1 =	sne.s32 s4, $0x8;
	s31 =	smax.u32 s1, $0x1;
	[dreg:$0xc] =	wrdreg s28  }
0x10: {  	v12 =	vor.u32 $0xC, v0;
	v13 =	vor.u32 $0xD, v0;
	v14 =	vor.u32 $0xE, v0;
	s21 =	simm.s32 $0x1;
	s2 =	simm.s32 $0x0;
	[dreg:$0xf] =	wrdreg s31  }
.LBB2_18:
0x11: {  	s0 =	simm.s32 $0x3  }
0x12: {  	_ =	swait.ge [sflag:s0], $0x8000  }
0x13: {  	[sflag:s0] =	ssyncset.done $0x0  }
0x14: {  	s1 =	simm.s32 $0x4;
	[sflag:s0] =	ssyncadd.s32 $0xFFFF8000  }
0x15: {  	_ =	swait.ge [sflag:s1], $0x8000  }
0x16: {  	s2 =	rddreg [dreg:$0x10]  }
0x17: {  	s31 =	rddreg [dreg:$0xf];
	s2 =	sadd.s32 $0x1, s2  }
0x18: {  	p2 =	sne.s32 s2, s31  }
.Ltmp1:
0x19: {  	_ = 	snop;
	(pc) =	sbr.rel @!p2 .LBB2_19-.Ltmp1, $3  }
0x1a: {  	_ =	sdelay $0x1  }
0x1b: {  	[sflag:s1] =	ssyncset.done $0x0  }
0x1c: {  	[sflag:s1] =	ssyncadd.s32 $0xFFFF8000  }
.LBB2_1:
.Ltmp2:
0x1d: {  	(pc) =	sbr.rel @p0 .LBB2_6-.Ltmp2, $2  }
0x1e: {  	_ =	sdelay $0x2  }
0x1f: {  	[dreg:$0x10] =	wrdreg s2  }
.Ltmp3:
0x20: {  	(pc) =	sbr.rel @p1 .LBB2_7-.Ltmp3, $1  }
0x21: {  	_ =	sdelay $0x3  }
0x22: {  	s4 =	simm.s32 $0x0;
	s0 =	rddreg [dreg:$0x9]  }
0x23: {  	[tilespmem:s4], [sflag:$0x1] =	stream.linear.gather [hbm4b:s0+s4], $0x1000, $0x38;
	v63 =	vld [tilespmem:$0x0]  }
0x24: {  	s5 =	rddreg [dreg:$0x7];
	s1 =	simm.s32 $0x8000  }
0x25: {  	[tilespmem:s1], [sflag:$0x1] =	stream.linear.gather [hbm4b:s5+s4], $0x1000, $0x38;
	v63 =	vld [tilespmem:$0x0]  }
0x26: {  	_ =	swait.ge [sflag:s21], $0x1000  }
0x27: {  	[sflag:s21] =	ssyncset.done $0x0  }
0x28: {  	[sflag:s21] =	ssyncadd.s32 $0xFFFFF000  }
0x29: {  	_ =	swait.ge [sflag:s21], $0x1000  }
0x2a: {  	s6 =	sand.u32 $0x70, s4;
	s8 =	sand.u32 $0xC00, s4;
	[sflag:s21] =	ssyncset.done $0x0  }
0x2b: {  	s18 =	sor.u32 s6, s8;
	[sflag:s21] =	ssyncadd.s32 $0xFFFFF000  }
0x2c: {  	v16 =	vld [tilespmem:s18+$0x0];
	_ =	sdelay $0x3  }
0x2d: {  	s3 =	simm.s32 $0x10000  }
0x2e: {  	[tilespmem:v0+s3+$0x0] =	vst.idx.msk $0xffff, v16  }
0x2f: {  	v16 =	vld [tilespmem:s18+$0x80];
	_ =	sdelay $0x4  }
0x30: {  	[tilespmem:v1+s3+$0x0] =	vst.idx.msk $0xffff, v16  }
0x31: {  	v16 =	vld [tilespmem:s18+$0x100]  }
0x32: {  	s12 =	simm.s32 $0x10;
	s17 =	simm.s32 $0x80  }
0x33: {  	s9 =	sand.u32 $0x70, s12;
	s2 =	sand.u32 $0xC00, s17  }
0x34: {  	s28 =	sor.u32 s9, s2  }
0x35: {  	s10 =	sor.u32 s8, s4;
	v17 =	vld [tilespmem:s28+$0x0]  }
0x36: {  	s13 =	sor.u32 $0x180, s10;
	[tilespmem:v2+s3+$0x0] =	vst.idx.msk $0xffff, v16  }
0x37: {  	v16 =	vld [tilespmem:s13+$0x0];
	_ =	sdelay $0x1  }
0x38: {  	s0 =	simm.s32 $0x10100  }
0x39: {  	[tilespmem:v0+s0+$0x0] =	vst.idx.msk $0xffff, v17  }
0x3a: {  	v17 =	vld [tilespmem:s28+$0x80]  }
0x3b: {  	[tilespmem:v3+s3+$0x0] =	vst.idx.msk $0xffff, v16  }
0x3c: {  	v16 =	vld [tilespmem:s18+$0x200];
	_ =	sdelay $0x2  }
0x3d: {  	[tilespmem:v1+s0+$0x0] =	vst.idx.msk $0xffff, v17  }
0x3e: {  	v17 =	vld [tilespmem:s28+$0x100]  }
0x3f: {  	s15 =	simm.s32 $0x100;
	s1 =	simm.s32 $0x20;
	[tilespmem:v4+s3+$0x0] =	vst.idx.msk $0xffff, v16  }
0x40: {  	s9 =	sand.u32 $0xC00, s15;
	s6 =	sand.u32 $0x70, s1;
	v16 =	vld [tilespmem:s18+$0x280]  }
0x41: {  	s8 =	sor.u32 s6, s9  }
0x42: {  	s2 =	sor.u32 s2, s12;
	v18 =	vld [tilespmem:s8+$0x0]  }
0x43: {  	s10 =	sor.u32 $0x180, s2;
	[tilespmem:v2+s0+$0x0] =	vst.idx.msk $0xffff, v17  }
0x44: {  	v17 =	vld [tilespmem:s10+$0x0]  }
0x45: {  	[tilespmem:v5+s3+$0x0] =	vst.idx.msk $0xffff, v16  }
0x46: {  	s2 =	simm.s32 $0x10200;
	v16 =	vld [tilespmem:s18+$0x300]  }
0x47: {  	[tilespmem:v0+s2+$0x0] =	vst.idx.msk $0xffff, v18  }
0x48: {  	v18 =	vld [tilespmem:s8+$0x80]  }
0x49: {  	[tilespmem:v3+s0+$0x0] =	vst.idx.msk $0xffff, v17  }
0x4a: {  	s4 =	sor.u32 s4, s4;
	v17 =	vld [tilespmem:s28+$0x200]  }
0x4b: {  	s4 =	sor.u32 $0x380, s4;
	[tilespmem:v6+s3+$0x0] =	vst.idx.msk $0xffff, v16  }
0x4c: {  	v16 =	vld [tilespmem:s4+$0x0]  }
0x4d: {  	[tilespmem:v1+s2+$0x0] =	vst.idx.msk $0xffff, v18  }
0x4e: {  	s14 =	simm.s32 $0x30;
	s16 =	simm.s32 $0x180;
	v18 =	vld [tilespmem:s8+$0x100]  }
0x4f: {  	s11 =	sand.u32 $0x70, s14;
	s19 =	sand.u32 $0xC00, s16;
	[tilespmem:v4+s0+$0x0] =	vst.idx.msk $0xffff, v17  }
0x50: {  	s11 =	sor.u32 s11, s19;
	v17 =	vld [tilespmem:s28+$0x280]  }
0x51: {  	[tilespmem:v7+s3+$0x0] =	vst.idx.msk $0xffff, v16;
	v16 =	vld [tilespmem:s11+$0x0]  }
0x52: {  	s20 =	sor.u32 s9, s1;
	v19 =	vld [tilespmem:s18+$0x8000]  }
0x53: {  	s20 =	sor.u32 $0x180, s20;
	[tilespmem:v2+s2+$0x0] =	vst.idx.msk $0xffff, v18  }
0x54: {  	v18 =	vld [tilespmem:s20+$0x0]  }
0x55: {  	s9 =	simm.s32 $0x10300;
	[tilespmem:v5+s0+$0x0] =	vst.idx.msk $0xffff, v17  }
0x56: {  	v17 =	vld [tilespmem:s28+$0x300];
	[tilespmem:v0+s9+$0x0] =	vst.idx.msk $0xffff, v16  }
0x57: {  	v16 =	vld [tilespmem:s11+$0x80];
	[tilespmem:v8+s3+$0x0] =	vst.idx.msk $0xffff, v19  }
0x58: {  	v19 =	vld [tilespmem:s18+$0x8080]  }
0x59: {  	[tilespmem:v3+s2+$0x0] =	vst.idx.msk $0xffff, v18  }
0x5a: {  	s22 =	sor.u32 s17, s12;
	v18 =	vld [tilespmem:s8+$0x200]  }
0x5b: {  	s12 =	sor.u32 $0x380, s22;
	[tilespmem:v6+s0+$0x0] =	vst.idx.msk $0xffff, v17  }
0x5c: {  	v17 =	vld [tilespmem:s12+$0x0];
	[tilespmem:v1+s9+$0x0] =	vst.idx.msk $0xffff, v16  }
0x5d: {  	v16 =	vld [tilespmem:s11+$0x100];
	[tilespmem:v9+s3+$0x0] =	vst.idx.msk $0xffff, v19  }
0x5e: {  	s26 =	simm.s32 $0x40;
	s25 =	simm.s32 $0x200;
	v19 =	vld [tilespmem:s18+$0x8100]  }
0x5f: {  	s24 =	sand.u32 $0x70, s26;
	s30 =	sand.u32 $0xC00, s25;
	[tilespmem:v4+s2+$0x0] =	vst.idx.msk $0xffff, v18  }
0x60: {  	s17 =	sor.u32 s24, s30;
	v18 =	vld [tilespmem:s8+$0x280]  }
0x61: {  	s5 =	sor.u32 s19, s14;
	[tilespmem:v7+s0+$0x0] =	vst.idx.msk $0xffff, v17;
	v17 =	vld [tilespmem:s17+$0x0]  }
0x62: {  	s24 =	sor.u32 $0x180, s5;
	[tilespmem:v2+s9+$0x0] =	vst.idx.msk $0xffff, v16;
	v16 =	vld [tilespmem:s28+$0x8000]  }
0x63: {  	v20 =	vld [tilespmem:s24+$0x0];
	[tilespmem:v10+s3+$0x0] =	vst.idx.msk $0xffff, v19  }
0x64: {  	v19 =	vld [tilespmem:s13+$0x8000]  }
0x65: {  	[tilespmem:v5+s2+$0x0] =	vst.idx.msk $0xffff, v18;
	s13 =	simm.s32 $0x10400  }
0x66: {  	v18 =	vld [tilespmem:s8+$0x300];
	[tilespmem:v0+s13+$0x0] =	vst.idx.msk $0xffff, v17  }
0x67: {  	v17 =	vld [tilespmem:s17+$0x80];
	[tilespmem:v8+s0+$0x0] =	vst.idx.msk $0xffff, v16  }
0x68: {  	[tilespmem:v3+s9+$0x0] =	vst.idx.msk $0xffff, v20;
	v16 =	vld [tilespmem:s28+$0x8080]  }
0x69: {  	v20 =	vld [tilespmem:s11+$0x200];
	[tilespmem:v11+s3+$0x0] =	vst.idx.msk $0xffff, v19  }
0x6a: {  	s1 =	sor.u32 s15, s1;
	v19 =	vld [tilespmem:s18+$0x8200]  }
0x6b: {  	s29 =	sor.u32 $0x380, s1;
	[tilespmem:v6+s2+$0x0] =	vst.idx.msk $0xffff, v18  }
0x6c: {  	v18 =	vld [tilespmem:s29+$0x0];
	[tilespmem:v1+s13+$0x0] =	vst.idx.msk $0xffff, v17  }
0x6d: {  	v17 =	vld [tilespmem:s17+$0x100];
	[tilespmem:v9+s0+$0x0] =	vst.idx.msk $0xffff, v16  }
0x6e: {  	s22 =	simm.s32 $0x280;
	s1 =	simm.s32 $0x50;
	[tilespmem:v4+s9+$0x0] =	vst.idx.msk $0xffff, v20;
	v16 =	vld [tilespmem:s28+$0x8100]  }
0x6f: {  	s15 =	sand.u32 $0xC00, s22;
	s19 =	sand.u32 $0x70, s1;
	v20 =	vld [tilespmem:s11+$0x280];
	[tilespmem:v12+s3+$0x0] =	vst.idx.msk $0xffff, v19  }
0x70: {  	s19 =	sor.u32 s19, s15;
	v19 =	vld [tilespmem:s18+$0x8280]  }
0x71: {  	s5 =	sor.u32 s30, s26;
	[tilespmem:v7+s2+$0x0] =	vst.idx.msk $0xffff, v18;
	v18 =	vld [tilespmem:s19+$0x0]  }
0x72: {  	s31 =	sor.u32 $0x180, s5;
	[tilespmem:v2+s13+$0x0] =	vst.idx.msk $0xffff, v17;
	v17 =	vld [tilespmem:s8+$0x8000]  }
0x73: {  	v21 =	vld [tilespmem:s31+$0x0];
	[tilespmem:v10+s0+$0x0] =	vst.idx.msk $0xffff, v16  }
0x74: {  	[tilespmem:v5+s9+$0x0] =	vst.idx.msk $0xffff, v20;
	v16 =	vld [tilespmem:s10+$0x8000]  }
0x75: {  	s10 =	simm.s32 $0x10500;
	v20 =	vld [tilespmem:s11+$0x300];
	[tilespmem:v13+s3+$0x0] =	vst.idx.msk $0xffff, v19  }
0x76: {  	[tilespmem:v0+s10+$0x0] =	vst.idx.msk $0xffff, v18;
	v18 =	vld [tilespmem:s18+$0x8300]  }
0x77: {  	v19 =	vld [tilespmem:s19+$0x80];
	[tilespmem:v8+s2+$0x0] =	vst.idx.msk $0xffff, v17  }
0x78: {  	[tilespmem:v3+s13+$0x0] =	vst.idx.msk $0xffff, v21;
	v21 =	vld [tilespmem:s8+$0x8080]  }
0x79: {  	s16 =	sor.u32 s16, s14;
	v22 =	vld [tilespmem:s17+$0x200];
	[tilespmem:v11+s0+$0x0] =	vst.idx.msk $0xffff, v16  }
0x7a: {  	s30 =	sor.u32 $0x380, s16;
	[tilespmem:v6+s9+$0x0] =	vst.idx.msk $0xffff, v20;
	v16 =	vld [tilespmem:s28+$0x8200]  }
0x7b: {  	v23 =	vld [tilespmem:s30+$0x0];
	[tilespmem:v14+s3+$0x0] =	vst.idx.msk $0xffff, v18  }
0x7c: {  	[tilespmem:v1+s10+$0x0] =	vst.idx.msk $0xffff, v19;
	v17 =	vld [tilespmem:s4+$0x8000]  }
0x7d: {  	v20 =	vld [tilespmem:s19+$0x100];
	[tilespmem:v9+s2+$0x0] =	vst.idx.msk $0xffff, v21  }
0x7e: {  	s14 =	simm.s32 $0x300;
	s16 =	simm.s32 $0x60;
	[tilespmem:v4+s13+$0x0] =	vst.idx.msk $0xffff, v22;
	v18 =	vld [tilespmem:s8+$0x8100]  }
0x7f: {  	s6 =	sand.u32 $0xC00, s14;
	s18 =	sand.u32 $0x70, s16;
	v19 =	vld [tilespmem:s17+$0x280];
	[tilespmem:v12+s0+$0x0] =	vst.idx.msk $0xffff, v16  }
0x80: {  	s18 =	sor.u32 s18, s6;
	s4 =	simm.s32 $0x70;
	[tilespmem:v7+s9+$0x0] =	vst.idx.msk $0xffff, v23;
	v16 =	vld [tilespmem:s28+$0x8280]  }
.LBB2_4:
0x81: {  	p2 =	sne.s32 s4, $0x1F0;
	v21 =	vld [tilespmem:s18+$0x0];
	s15 =	sor.u32 s15, s1;
	[tilespmem:v15+s3+$0x0] =	vst.idx.msk $0xffff, v17;
	s3 =	smov.u32 s0  }
0x82: {  	s0 =	smov.u32 s2;
	s2 =	smov.u32 s9;
	[tilespmem:v2+s10+$0x0] =	vst.idx.msk $0xffff, v20;
	s5 =	sor.u32 $0x180, s15;
	v17 =	vld [tilespmem:s11+$0x8000]  }
0x83: {  	s9 =	smov.u32 s13;
	s13 =	smov.u32 s10;
	s15 =	smov.u32 s6;
	v20 =	vld [tilespmem:s5+$0x0];
	[tilespmem:v10+s0+$0x0] =	vst.idx.msk $0xffff, v18  }
0x84: {  	[tilespmem:v5+s9+$0x0] =	vst.idx.msk $0xffff, v19;
	v18 =	vld [tilespmem:s20+$0x8000];
	s20 =	smov.u32 s24;
	s24 =	smov.u32 s31;
	s31 =	smov.u32 s5  }
0x85: {  	s10 =	sadd.s32 $0x100, s10;
	v19 =	vld [tilespmem:s17+$0x300];
	[tilespmem:v13+s3+$0x0] =	vst.idx.msk $0xffff, v16  }
0x86: {  	[tilespmem:v0+s10+$0x0] =	vst.idx.msk $0xffff, v21;
	v16 =	vld [tilespmem:s28+$0x8300];
	s28 =	smov.u32 s8;
	s8 =	smov.u32 s11;
	s11 =	smov.u32 s17  }
0x87: {  	s17 =	smov.u32 s19;
	s19 =	smov.u32 s18;
	v21 =	vld [tilespmem:s18+$0x80];
	[tilespmem:v8+s2+$0x0] =	vst.idx.msk $0xffff, v17  }
0x88: {  	[tilespmem:v3+s13+$0x0] =	vst.idx.msk $0xffff, v20;
	v22 =	vld [tilespmem:s8+$0x8080]  }
0x89: {  	s5 =	sor.u32 s25, s26;
	s25 =	smov.u32 s22;
	s22 =	smov.u32 s14;
	v23 =	vld [tilespmem:s17+$0x200];
	[tilespmem:v11+s0+$0x0] =	vst.idx.msk $0xffff, v18  }
0x8a: {  	s26 =	smov.u32 s1;
	s1 =	smov.u32 s16;
	s5 =	sor.u32 $0x380, s5;
	[tilespmem:v6+s9+$0x0] =	vst.idx.msk $0xffff, v19;
	v24 =	vld [tilespmem:s28+$0x8200]  }
0x8b: {  	s16 =	smov.u32 s4;
	v25 =	vld [tilespmem:s5+$0x0];
	[tilespmem:v14+s3+$0x0] =	vst.idx.msk $0xffff, v16  }
.Ltmp4:
0x8c: {  	[tilespmem:v1+s10+$0x0] =	vst.idx.msk $0xffff, v21;
	v17 =	vld [tilespmem:s12+$0x8000];
	s12 =	smov.u32 s29;
	s29 =	smov.u32 s30;
	(pc) =	sbr.rel @p2 .LBB2_4-.Ltmp4, $4  }
0x8d: {  	s30 =	smov.u32 s5;
	v20 =	vld [tilespmem:s19+$0x100];
	[tilespmem:v9+s2+$0x0] =	vst.idx.msk $0xffff, v22  }
0x8e: {  	s14 =	sadd.s32 $0x80, s14;
	[tilespmem:v4+s13+$0x0] =	vst.idx.msk $0xffff, v23;
	v18 =	vld [tilespmem:s8+$0x8100]  }
0x8f: {  	s6 =	sand.u32 $0xC00, s14;
	s5 =	sand.u32 $0x70, s4;
	v19 =	vld [tilespmem:s17+$0x280];
	[tilespmem:v12+s0+$0x0] =	vst.idx.msk $0xffff, v24  }
0x90: {  	s4 =	sadd.s32 $0x10, s4;
	s18 =	sor.u32 s5, s6;
	[tilespmem:v7+s9+$0x0] =	vst.idx.msk $0xffff, v25;
	v16 =	vld [tilespmem:s28+$0x8280]  }
0x91: {  	v21 =	vld [tilespmem:s18+$0x0];
	_ =	sdelay $0x3  }
0x92: {  	s4 =	sadd.s32 $0x100, s10  }
0x93: {  	[tilespmem:v0+s4+$0x0] =	vst.idx.msk $0xffff, v21  }
0x94: {  	v21 =	vld [tilespmem:s18+$0x80];
	_ =	sdelay $0x4  }
0x95: {  	[tilespmem:v1+s4+$0x0] =	vst.idx.msk $0xffff, v21  }
0x96: {  	v21 =	vld [tilespmem:s18+$0x100];
	_ =	sdelay $0x2  }
0x97: {  	s5 =	sor.u32 s15, s1  }
0x98: {  	s6 =	sor.u32 s6, s16;
	[tilespmem:v2+s10+$0x0] =	vst.idx.msk $0xffff, v20;
	s5 =	sor.u32 $0x180, s5  }
0x99: {  	s6 =	sor.u32 $0x180, s6;
	v20 =	vld [tilespmem:s5+$0x0];
	[tilespmem:v2+s4+$0x0] =	vst.idx.msk $0xffff, v21  }
0x9a: {  	v21 =	vld [tilespmem:s6+$0x0];
	_ =	sdelay $0x3  }
0x9b: {  	[tilespmem:v3+s10+$0x0] =	vst.idx.msk $0xffff, v20  }
0x9c: {  	v20 =	vld [tilespmem:s19+$0x200];
	[tilespmem:v3+s4+$0x0] =	vst.idx.msk $0xffff, v21  }
0x9d: {  	v21 =	vld [tilespmem:s18+$0x200];
	_ =	sdelay $0x3  }
0x9e: {  	[tilespmem:v4+s10+$0x0] =	vst.idx.msk $0xffff, v20  }
0x9f: {  	v20 =	vld [tilespmem:s19+$0x280];
	[tilespmem:v4+s4+$0x0] =	vst.idx.msk $0xffff, v21  }
0xa0: {  	v21 =	vld [tilespmem:s18+$0x280];
	_ =	sdelay $0x1  }
0xa1: {  	[tilespmem:v5+s13+$0x0] =	vst.idx.msk $0xffff, v19  }
0xa2: {  	v19 =	vld [tilespmem:s17+$0x300]  }
0xa3: {  	[tilespmem:v5+s10+$0x0] =	vst.idx.msk $0xffff, v20  }
0xa4: {  	v20 =	vld [tilespmem:s19+$0x300];
	[tilespmem:v5+s4+$0x0] =	vst.idx.msk $0xffff, v21  }
0xa5: {  	v21 =	vld [tilespmem:s18+$0x300]  }
0xa6: {  	s26 =	sor.u32 s25, s26  }
0xa7: {  	s25 =	sor.u32 $0x380, s26;
	[tilespmem:v6+s13+$0x0] =	vst.idx.msk $0xffff, v19  }
0xa8: {  	s22 =	sor.u32 s22, s1;
	v19 =	vld [tilespmem:s25+$0x0]  }
0xa9: {  	s14 =	sor.u32 s14, s16;
	s26 =	sor.u32 $0x380, s22;
	[tilespmem:v6+s10+$0x0] =	vst.idx.msk $0xffff, v20  }
0xaa: {  	s14 =	sor.u32 $0x380, s14;
	v20 =	vld [tilespmem:s26+$0x0];
	[tilespmem:v6+s4+$0x0] =	vst.idx.msk $0xffff, v21  }
0xab: {  	v21 =	vld [tilespmem:s14+$0x0];
	_ =	sdelay $0x1  }
0xac: {  	v22 =	vld [tilespmem:s11+$0x8000];
	[tilespmem:v7+s13+$0x0] =	vst.idx.msk $0xffff, v19  }
0xad: {  	v19 =	vld [tilespmem:s17+$0x8000]  }
0xae: {  	[tilespmem:v7+s10+$0x0] =	vst.idx.msk $0xffff, v20  }
0xaf: {  	v20 =	vld [tilespmem:s19+$0x8000];
	[tilespmem:v7+s4+$0x0] =	vst.idx.msk $0xffff, v21  }
0xb0: {  	v21 =	vld [tilespmem:s18+$0x8000]  }
0xb1: {  	[tilespmem:v8+s9+$0x0] =	vst.idx.msk $0xffff, v22  }
0xb2: {  	v22 =	vld [tilespmem:s11+$0x8080];
	[tilespmem:v8+s13+$0x0] =	vst.idx.msk $0xffff, v19  }
0xb3: {  	v19 =	vld [tilespmem:s17+$0x8080]  }
0xb4: {  	[tilespmem:v8+s10+$0x0] =	vst.idx.msk $0xffff, v20  }
0xb5: {  	v20 =	vld [tilespmem:s19+$0x8080];
	[tilespmem:v8+s4+$0x0] =	vst.idx.msk $0xffff, v21  }
0xb6: {  	v21 =	vld [tilespmem:s18+$0x8080]  }
0xb7: {  	[tilespmem:v9+s9+$0x0] =	vst.idx.msk $0xffff, v22  }
0xb8: {  	v22 =	vld [tilespmem:s11+$0x8100];
	[tilespmem:v9+s13+$0x0] =	vst.idx.msk $0xffff, v19  }
0xb9: {  	v19 =	vld [tilespmem:s17+$0x8100]  }
0xba: {  	[tilespmem:v9+s10+$0x0] =	vst.idx.msk $0xffff, v20  }
0xbb: {  	v20 =	vld [tilespmem:s19+$0x8100];
	[tilespmem:v9+s4+$0x0] =	vst.idx.msk $0xffff, v21  }
0xbc: {  	[tilespmem:v10+s2+$0x0] =	vst.idx.msk $0xffff, v18;
	v21 =	vld [tilespmem:s18+$0x8100]  }
0xbd: {  	v18 =	vld [tilespmem:s20+$0x8000];
	[tilespmem:v10+s9+$0x0] =	vst.idx.msk $0xffff, v22  }
0xbe: {  	v22 =	vld [tilespmem:s24+$0x8000];
	[tilespmem:v10+s13+$0x0] =	vst.idx.msk $0xffff, v19  }
0xbf: {  	v19 =	vld [tilespmem:s31+$0x8000]  }
0xc0: {  	[tilespmem:v10+s10+$0x0] =	vst.idx.msk $0xffff, v20  }
0xc1: {  	v20 =	vld [tilespmem:s5+$0x8000];
	[tilespmem:v10+s4+$0x0] =	vst.idx.msk $0xffff, v21  }
0xc2: {  	[tilespmem:v11+s2+$0x0] =	vst.idx.msk $0xffff, v18;
	v21 =	vld [tilespmem:s6+$0x8000]  }
0xc3: {  	v18 =	vld [tilespmem:s8+$0x8200];
	[tilespmem:v11+s9+$0x0] =	vst.idx.msk $0xffff, v22  }
0xc4: {  	v60 =	vld [tilespmem:s11+$0x8200];
	[tilespmem:v11+s13+$0x0] =	vst.idx.msk $0xffff, v19  }
0xc5: {  	[tilespmem:v15+s3+$0x0] =	vst.idx.msk $0xffff, v17;
	v61 =	vld [tilespmem:s17+$0x8200]  }
0xc6: {  	[tilespmem:v11+s10+$0x0] =	vst.idx.msk $0xffff, v20  }
0xc7: {  	v62 =	vld [tilespmem:s19+$0x8200];
	[tilespmem:v11+s4+$0x0] =	vst.idx.msk $0xffff, v21  }
0xc8: {  	[tilespmem:v12+s2+$0x0] =	vst.idx.msk $0xffff, v18;
	v17 =	vld [tilespmem:s18+$0x8200]  }
0xc9: {  	v18 =	vld [tilespmem:s8+$0x8280];
	[tilespmem:v12+s9+$0x0] =	vst.idx.msk $0xffff, v60  }
0xca: {  	v19 =	vld [tilespmem:s11+$0x8280];
	[tilespmem:v12+s13+$0x0] =	vst.idx.msk $0xffff, v61  }
0xcb: {  	[tilespmem:v13+s0+$0x0] =	vst.idx.msk $0xffff, v16;
	v20 =	vld [tilespmem:s17+$0x8280]  }
0xcc: {  	[tilespmem:v12+s10+$0x0] =	vst.idx.msk $0xffff, v62  }
0xcd: {  	v21 =	vld [tilespmem:s19+$0x8280];
	[tilespmem:v12+s4+$0x0] =	vst.idx.msk $0xffff, v17  }
0xce: {  	[tilespmem:v13+s2+$0x0] =	vst.idx.msk $0xffff, v18;
	v16 =	vld [tilespmem:s18+$0x8280]  }
0xcf: {  	v18 =	vld [tilespmem:s8+$0x8300];
	[tilespmem:v13+s9+$0x0] =	vst.idx.msk $0xffff, v19  }
0xd0: {  	v19 =	vld [tilespmem:s11+$0x8300];
	[tilespmem:v13+s13+$0x0] =	vst.idx.msk $0xffff, v20  }
0xd1: {  	v20 =	vld [tilespmem:s17+$0x8300]  }
0xd2: {  	[tilespmem:v13+s10+$0x0] =	vst.idx.msk $0xffff, v21;
	v17 =	vld [tilespmem:s28+$0x8300]  }
0xd3: {  	v21 =	vld [tilespmem:s19+$0x8300];
	[tilespmem:v13+s4+$0x0] =	vst.idx.msk $0xffff, v16  }
0xd4: {  	[tilespmem:v14+s2+$0x0] =	vst.idx.msk $0xffff, v18;
	v16 =	vld [tilespmem:s18+$0x8300]  }
0xd5: {  	v18 =	vld [tilespmem:s29+$0x8000];
	[tilespmem:v14+s9+$0x0] =	vst.idx.msk $0xffff, v19  }
0xd6: {  	v19 =	vld [tilespmem:s30+$0x8000];
	[tilespmem:v14+s13+$0x0] =	vst.idx.msk $0xffff, v20  }
0xd7: {  	v20 =	vld [tilespmem:s25+$0x8000];
	[tilespmem:v14+s0+$0x0] =	vst.idx.msk $0xffff, v17  }
0xd8: {  	[tilespmem:v14+s10+$0x0] =	vst.idx.msk $0xffff, v21;
	v17 =	vld [tilespmem:s12+$0x8000]  }
0xd9: {  	v21 =	vld [tilespmem:s26+$0x8000];
	[tilespmem:v14+s4+$0x0] =	vst.idx.msk $0xffff, v16  }
0xda: {  	[tilespmem:v15+s2+$0x0] =	vst.idx.msk $0xffff, v18;
	v16 =	vld [tilespmem:s14+$0x8000]  }
0xdb: {  	[tilespmem:v15+s9+$0x0] =	vst.idx.msk $0xffff, v19  }
0xdc: {  	[tilespmem:v15+s13+$0x0] =	vst.idx.msk $0xffff, v20  }
0xdd: {  	[tilespmem:v15+s0+$0x0] =	vst.idx.msk $0xffff, v17  }
0xde: {  	[tilespmem:v15+s10+$0x0] =	vst.idx.msk $0xffff, v21  }
0xdf: {  	[tilespmem:v15+s4+$0x0] =	vst.idx.msk $0xffff, v16  }
0xe0: {  	s30 =	simm.s32 $0x10000;
	s26 =	simm.s32 $0x0;
	s0 =	rddreg [dreg:$0xa]  }
0xe1: {  	[hbm4b:s0+s26] =	stream.linear.scatter [tilespmem:s30], [sflag:$0x5], $0x2000, $0x38;
	v63 =	vld [tilespmem:$0x0]  }
.Ltmp5:
0xe2: {  	s31 =	simm.s32 $0x5;
	(pc) =	sbr.rel .LBB2_7-.Ltmp5, $4  }
0xe3: {  	_ =	swait.ge [sflag:s31], $0x2000  }
0xe4: {  	[sflag:s31] =	ssyncset.done $0x0  }
0xe5: {  	[sflag:s31] =	ssyncadd.s32 $0xFFFFE000  }
0xe6: {  	s16 =	rddreg [dreg:$0x0]  }
.LBB2_6:
0xe7: {  	s0 =	rddreg [dreg:$0x1];
	s1 =	simm.s32 $0x18000;
	s2 =	simm.s32 $0x5  }
0xe8: {  	[tilespmem:s1], [sflag:$0x5] =	stream.linear.gather [hbm4b:s0+s26], $0x410, $0x38;
	v63 =	vld [tilespmem:$0x0]  }
0xe9: {  	_ =	swait.ge [sflag:s2], $0x410  }
0xea: {  	[sflag:s2] =	ssyncset.done $0x0  }
0xeb: {  	s31 =	rddreg [dreg:$0x6];
	[sflag:s2] =	ssyncadd.s32 $0xFFFFFBF0  }
0xec: {  	[hbm4b:s31+s26] =	stream.linear.scatter [tilespmem:s1], [sflag:$0x5], $0x410, $0x38;
	v63 =	vld [tilespmem:$0x0]  }
0xed: {  	_ =	swait.ge [sflag:s2], $0x410  }
0xee: {  	[sflag:s2] =	ssyncset.done $0x0  }
0xef: {  	[sflag:s2] =	ssyncadd.s32 $0xFFFFFBF0  }
.LBB2_7:
.Ltmp6:
0xf0: {  	(pc) =	sbr.rel .LBB2_8-.Ltmp6, $4  }
0xf1: {  	s28 =	simm.s32 $0x0;
	s0 =	rddreg [dreg:$0x8]  }
0xf2: {  	[tilespmem:s28], [sflag:$0x1] =	stream.linear.gather [hbm4b:s0+s28], $0x4000, $0x38;
	v63 =	vld [tilespmem:$0x0]  }
0xf3: {  	s31 =	rddreg [dreg:$0xb];
	s1 =	simm.s32 $0x8000  }
0xf4: {  	[tilespmem:s1], [sflag:$0x1] =	stream.linear.gather [hbm4b:s31+s28], $0x4000, $0x38;
	v63 =	vld [tilespmem:$0x0]  }
.LBB2_16:
0xf5: {  	v21 =	vld [tilespmem:s22+$0x4000];
	_ =	sdelay $0x3  }
0xf6: {  	s18 =	sadd.s32 $0x100, s29  }
0xf7: {  	[tilespmem:v0+s18+$0x0] =	vst.idx.msk $0xffff, v21  }
0xf8: {  	v21 =	vld [tilespmem:s22+$0x4080];
	_ =	sdelay $0x4  }
0xf9: {  	[tilespmem:v1+s18+$0x0] =	vst.idx.msk $0xffff, v21  }
0xfa: {  	v21 =	vld [tilespmem:s22+$0x4100];
	_ =	sdelay $0x3  }
0xfb: {  	[tilespmem:v2+s29+$0x0] =	vst.idx.msk $0xffff, v20  }
0xfc: {  	v20 =	vld [tilespmem:s19+$0x4180];
	[tilespmem:v2+s18+$0x0] =	vst.idx.msk $0xffff, v21  }
0xfd: {  	v21 =	vld [tilespmem:s22+$0x4180];
	_ =	sdelay $0x3  }
0xfe: {  	[tilespmem:v3+s29+$0x0] =	vst.idx.msk $0xffff, v20  }
0xff: {  	v20 =	vld [tilespmem:s19+$0x4200];
	[tilespmem:v3+s18+$0x0] =	vst.idx.msk $0xffff, v21  }
0x100: {  	v21 =	vld [tilespmem:s22+$0x4200];
	_ =	sdelay $0x3  }
0x101: {  	[tilespmem:v4+s29+$0x0] =	vst.idx.msk $0xffff, v20  }
0x102: {  	v20 =	vld [tilespmem:s19+$0x4280];
	[tilespmem:v4+s18+$0x0] =	vst.idx.msk $0xffff, v21  }
0x103: {  	v21 =	vld [tilespmem:s22+$0x4280];
	_ =	sdelay $0x2  }
0x104: {  	[tilespmem:v5+s13+$0x0] =	vst.idx.msk $0xffff, v19  }
0x105: {  	v19 =	vld [tilespmem:s17+$0x4300];
	[tilespmem:v5+s29+$0x0] =	vst.idx.msk $0xffff, v20  }
0x106: {  	s4 =	sadd.s32 $0x1, s14;
	v20 =	vld [tilespmem:s19+$0x4300];
	[tilespmem:v5+s18+$0x0] =	vst.idx.msk $0xffff, v21  }
0x107: {  	s5 =	sand.u32 $0x7, s4;
	s4 =	sadd.s32 $0x1, s4;
	v21 =	vld [tilespmem:s22+$0x4300]  }
0x108: {  	s5 =	sshll.u32 s5, $0x4;
	s6 =	sand.u32 $0x7, s4;
	s4 =	sadd.s32 $0x1, s4  }
0x109: {  	s5 =	sadd.s32 s5, s25;
	s6 =	sshll.u32 s6, $0x4;
	s4 =	sand.u32 $0x7, s4  }
0x10a: {  	s6 =	sadd.s32 s6, s1;
	s14 =	sor.u32 $0x380, s5;
	s4 =	sshll.u32 s4, $0x4;
	[tilespmem:v6+s13+$0x0] =	vst.idx.msk $0xffff, v19  }
0x10b: {  	s4 =	sadd.s32 s4, s15;
	s15 =	sor.u32 $0x380, s6;
	v19 =	vld [tilespmem:s14+$0x4000];
	[tilespmem:v6+s29+$0x0] =	vst.idx.msk $0xffff, v20  }
0x10c: {  	s4 =	sor.u32 $0x380, s4;
	v20 =	vld [tilespmem:s15+$0x4000];
	[tilespmem:v6+s18+$0x0] =	vst.idx.msk $0xffff, v21  }
0x10d: {  	v21 =	vld [tilespmem:s4+$0x4000];
	_ =	sdelay $0x2  }
0x10e: {  	v22 =	vld [tilespmem:s12+$0xC000];
	[tilespmem:v7+s13+$0x0] =	vst.idx.msk $0xffff, v19  }
0x10f: {  	v19 =	vld [tilespmem:s17+$0xC000];
	[tilespmem:v7+s29+$0x0] =	vst.idx.msk $0xffff, v20  }
0x110: {  	v20 =	vld [tilespmem:s19+$0xC000];
	[tilespmem:v7+s18+$0x0] =	vst.idx.msk $0xffff, v21  }
0x111: {  	v21 =	vld [tilespmem:s22+$0xC000];
	_ =	sdelay $0x1  }
0x112: {  	[tilespmem:v8+s11+$0x0] =	vst.idx.msk $0xffff, v22  }
0x113: {  	v22 =	vld [tilespmem:s12+$0xC080];
	[tilespmem:v8+s13+$0x0] =	vst.idx.msk $0xffff, v19  }
0x114: {  	v19 =	vld [tilespmem:s17+$0xC080];
	[tilespmem:v8+s29+$0x0] =	vst.idx.msk $0xffff, v20  }
0x115: {  	v20 =	vld [tilespmem:s19+$0xC080];
	[tilespmem:v8+s18+$0x0] =	vst.idx.msk $0xffff, v21  }
0x116: {  	v21 =	vld [tilespmem:s22+$0xC080];
	_ =	sdelay $0x1  }
0x117: {  	[tilespmem:v9+s11+$0x0] =	vst.idx.msk $0xffff, v22  }
0x118: {  	v22 =	vld [tilespmem:s12+$0xC100];
	[tilespmem:v9+s13+$0x0] =	vst.idx.msk $0xffff, v19  }
0x119: {  	v19 =	vld [tilespmem:s17+$0xC100];
	[tilespmem:v9+s29+$0x0] =	vst.idx.msk $0xffff, v20  }
0x11a: {  	v20 =	vld [tilespmem:s19+$0xC100];
	[tilespmem:v9+s18+$0x0] =	vst.idx.msk $0xffff, v21  }
0x11b: {  	v21 =	vld [tilespmem:s22+$0xC100]  }
0x11c: {  	[tilespmem:v10+s2+$0x0] =	vst.idx.msk $0xffff, v18  }
0x11d: {  	v18 =	vld [tilespmem:s9+$0xC180];
	[tilespmem:v10+s11+$0x0] =	vst.idx.msk $0xffff, v22  }
0x11e: {  	v22 =	vld [tilespmem:s12+$0xC180];
	[tilespmem:v10+s13+$0x0] =	vst.idx.msk $0xffff, v19  }
0x11f: {  	v19 =	vld [tilespmem:s17+$0xC180];
	[tilespmem:v10+s29+$0x0] =	vst.idx.msk $0xffff, v20  }
0x120: {  	v20 =	vld [tilespmem:s19+$0xC180];
	[tilespmem:v10+s18+$0x0] =	vst.idx.msk $0xffff, v21  }
0x121: {  	v21 =	vld [tilespmem:s22+$0xC180]  }
0x122: {  	[tilespmem:v11+s2+$0x0] =	vst.idx.msk $0xffff, v18  }
0x123: {  	v18 =	vld [tilespmem:s9+$0xC200];
	[tilespmem:v11+s11+$0x0] =	vst.idx.msk $0xffff, v22  }
0x124: {  	v60 =	vld [tilespmem:s12+$0xC200];
	[tilespmem:v11+s13+$0x0] =	vst.idx.msk $0xffff, v19  }
0x125: {  	v61 =	vld [tilespmem:s17+$0xC200];
	[tilespmem:v11+s29+$0x0] =	vst.idx.msk $0xffff, v20  }
0x126: {  	v62 =	vld [tilespmem:s19+$0xC200];
	[tilespmem:v11+s18+$0x0] =	vst.idx.msk $0xffff, v21  }
0x127: {  	[tilespmem:v15+s8+$0x0] =	vst.idx.msk $0xffff, v16;
	v16 =	vld [tilespmem:s22+$0xC200]  }
0x128: {  	[tilespmem:v12+s2+$0x0] =	vst.idx.msk $0xffff, v18  }
0x129: {  	v18 =	vld [tilespmem:s9+$0xC280];
	[tilespmem:v12+s11+$0x0] =	vst.idx.msk $0xffff, v60  }
0x12a: {  	v19 =	vld [tilespmem:s12+$0xC280];
	[tilespmem:v12+s13+$0x0] =	vst.idx.msk $0xffff, v61  }
0x12b: {  	v20 =	vld [tilespmem:s17+$0xC280];
	[tilespmem:v12+s29+$0x0] =	vst.idx.msk $0xffff, v62  }
0x12c: {  	v21 =	vld [tilespmem:s19+$0xC280];
	[tilespmem:v12+s18+$0x0] =	vst.idx.msk $0xffff, v16  }
0x12d: {  	[tilespmem:v13+s0+$0x0] =	vst.idx.msk $0xffff, v17;
	v16 =	vld [tilespmem:s22+$0xC280]  }
0x12e: {  	v17 =	vld [tilespmem:s3+$0xC300];
	[tilespmem:v13+s2+$0x0] =	vst.idx.msk $0xffff, v18  }
0x12f: {  	v18 =	vld [tilespmem:s9+$0xC300];
	[tilespmem:v13+s11+$0x0] =	vst.idx.msk $0xffff, v19  }
0x130: {  	v19 =	vld [tilespmem:s12+$0xC300];
	[tilespmem:v13+s13+$0x0] =	vst.idx.msk $0xffff, v20  }
0x131: {  	v20 =	vld [tilespmem:s17+$0xC300];
	[tilespmem:v13+s29+$0x0] =	vst.idx.msk $0xffff, v21  }
0x132: {  	v21 =	vld [tilespmem:s19+$0xC300];
	[tilespmem:v13+s18+$0x0] =	vst.idx.msk $0xffff, v16  }
0x133: {  	[tilespmem:v14+s0+$0x0] =	vst.idx.msk $0xffff, v17;
	v16 =	vld [tilespmem:s22+$0xC300]  }
0x134: {  	v17 =	vld [tilespmem:s20+$0xC000];
	[tilespmem:v14+s2+$0x0] =	vst.idx.msk $0xffff, v18  }
0x135: {  	v18 =	vld [tilespmem:s10+$0xC000];
	[tilespmem:v14+s11+$0x0] =	vst.idx.msk $0xffff, v19  }
0x136: {  	v19 =	vld [tilespmem:s24+$0xC000];
	[tilespmem:v14+s13+$0x0] =	vst.idx.msk $0xffff, v20  }
0x137: {  	v20 =	vld [tilespmem:s14+$0xC000];
	[tilespmem:v14+s29+$0x0] =	vst.idx.msk $0xffff, v21  }
0x138: {  	v21 =	vld [tilespmem:s15+$0xC000];
	[tilespmem:v14+s18+$0x0] =	vst.idx.msk $0xffff, v16  }
0x139: {  	[tilespmem:v15+s0+$0x0] =	vst.idx.msk $0xffff, v17;
	v16 =	vld [tilespmem:s4+$0xC000]  }
0x13a: {  	[tilespmem:v15+s2+$0x0] =	vst.idx.msk $0xffff, v18  }
0x13b: {  	[tilespmem:v15+s11+$0x0] =	vst.idx.msk $0xffff, v19  }
0x13c: {  	[tilespmem:v15+s13+$0x0] =	vst.idx.msk $0xffff, v20  }
0x13d: {  	[tilespmem:v15+s29+$0x0] =	vst.idx.msk $0xffff, v21  }
0x13e: {  	s25 =	sshll.u32 s30, $0xC;
	[tilespmem:v15+s18+$0x0] =	vst.idx.msk $0xffff, v16  }
0x13f: {  	s0 =	sand.u32 $0x1FFFF000, s25;
	s30 =	rddreg [dreg:$0x5]  }
0x140: {  	s31 =	simm.s32 $0x18000;
	s0 =	sadd.s32 s30, s0  }
0x141: {  	[hbm4b:s0+s26] =	stream.linear.scatter [tilespmem:s31], [sflag:$0x4], $0x8000, $0x38;
	v63 =	vld [tilespmem:$0x0]  }
.LBB2_17:
0x142: {  	s28 =	sadd.s32 $0x1, s28  }
0x143: {  	p2 =	sne.s32 s28, $0x10  }
.Ltmp7:
0x144: {  	_ = 	snop;
	(pc) =	sbr.rel @!p2 .LBB2_18-.Ltmp7, $1  }
0x145: {  	_ =	sdelay $0x3  }
.LBB2_8:
0x146: {  	s29 =	sshll.u32 s28, $0x1  }
0x147: {  	p2 =	slt.u32 s29, s7  }
.Ltmp8:
0x148: {  	_ = 	snop;
	(pc) =	sbr.rel @!p2 .LBB2_9-.Ltmp8, $1  }
0x149: {  	_ =	sdelay $0x3  }
0x14a: {  	_ =	swait.ge [sflag:s21], $0x4000  }
0x14b: {  	[sflag:s21] =	ssyncset.done $0x0  }
0x14c: {  	[sflag:s21] =	ssyncadd.s32 $0xFFFFC000  }
0x14d: {  	s30 =	sor.u32 $0x1, s29;
	_ =	swait.ge [sflag:s21], $0x4000  }
0x14e: {  	s0 =	sshll.u32 s28, $0x6;
	p2 =	sge.u32 s30, s7;
	s1 =	rddreg [dreg:$0x4]  }
0x14f: {  	s2 =	simm.s32 @!p2 $0x0;
	s31 =	sor.u32 s1, s0  }
0x150: {  	[sflag:s21] =	ssyncset.done $0x0;
	s1 =	rddreg [dreg:$0xd];
	s0 =	sshll.u32 @!p2 s31, $0xB  }
0x151: {  	s3 =	simm.s32 @!p2 $0x4000;
	[sflag:s21] =	ssyncadd.s32 $0xFFFFC000;
	s1 =	sadd.s32 @!p2 s0, s1  }
0x152: {  	[tilespmem:s3], [sflag:$0x2] =	stream.linear.gather @!p2 [hbm4b:s1+s2], $0x4000, $0x38;
	v63 =	vld [tilespmem:$0x0]  }
0x153: {  	s1 =	rddreg [dreg:$0xe]  }
0x154: {  	s0 =	sadd.s32 @!p2 s0, s1;
	s1 =	simm.s32 @!p2 $0xC000  }
0x155: {  	[tilespmem:s1], [sflag:$0x2] =	stream.linear.gather @!p2 [hbm4b:s0+s2], $0x4000, $0x38;
	v63 =	vld [tilespmem:$0x0]  }
0x156: {  	p2 =	seq.s32 s28, $0x0  }
0x157: {  	s0 =	simm.s32 @!p2 $0x3  }
0x158: {  	s13 =	simm.s32 $0x0;
	_ =	swait.ge @!p2 [sflag:s0], $0x8000  }
0x159: {  	s14 =	sand.u32 $0x70, s13;
	s15 =	sand.u32 $0x3C00, s13;
	[sflag:s0] =	ssyncset.done @!p2 $0x0  }
0x15a: {  	s18 =	sor.u32 s14, s15;
	[sflag:s0] =	ssyncadd.s32 @!p2 $0xFFFF8000  }
0x15b: {  	v16 =	vld [tilespmem:s18+$0x0];
	_ =	sdelay $0x3  }
0x15c: {  	s8 =	simm.s32 $0x10000  }
0x15d: {  	[tilespmem:v0+s8+$0x0] =	vst.idx.msk $0xffff, v16  }
0x15e: {  	v16 =	vld [tilespmem:s18+$0x80];
	_ =	sdelay $0x4  }
0x15f: {  	[tilespmem:v1+s8+$0x0] =	vst.idx.msk $0xffff, v16  }
0x160: {  	v16 =	vld [tilespmem:s18+$0x100]  }
0x161: {  	s17 =	simm.s32 $0x10;
	s19 =	simm.s32 $0x80  }
0x162: {  	s2 =	sand.u32 $0x3C00, s19;
	s0 =	sand.u32 $0x70, s17  }
0x163: {  	s3 =	sor.u32 s0, s2  }
0x164: {  	v17 =	vld [tilespmem:s3+$0x0]  }
0x165: {  	[tilespmem:v2+s8+$0x0] =	vst.idx.msk $0xffff, v16  }
0x166: {  	v16 =	vld [tilespmem:s18+$0x180];
	_ =	sdelay $0x1  }
0x167: {  	s0 =	simm.s32 $0x10100  }
0x168: {  	[tilespmem:v0+s0+$0x0] =	vst.idx.msk $0xffff, v17  }
0x169: {  	v17 =	vld [tilespmem:s3+$0x80]  }
0x16a: {  	[tilespmem:v3+s8+$0x0] =	vst.idx.msk $0xffff, v16  }
0x16b: {  	v16 =	vld [tilespmem:s18+$0x200];
	_ =	sdelay $0x2  }
0x16c: {  	[tilespmem:v1+s0+$0x0] =	vst.idx.msk $0xffff, v17  }
0x16d: {  	v17 =	vld [tilespmem:s3+$0x100]  }
0x16e: {  	s20 =	simm.s32 $0x20;
	s4 =	simm.s32 $0x100;
	[tilespmem:v4+s8+$0x0] =	vst.idx.msk $0xffff, v16  }
0x16f: {  	s4 =	sand.u32 $0x3C00, s4;
	s2 =	sand.u32 $0x70, s20;
	v16 =	vld [tilespmem:s18+$0x280]  }
0x170: {  	s9 =	sor.u32 s2, s4  }
0x171: {  	v18 =	vld [tilespmem:s9+$0x0]  }
0x172: {  	[tilespmem:v2+s0+$0x0] =	vst.idx.msk $0xffff, v17  }
0x173: {  	v17 =	vld [tilespmem:s3+$0x180]  }
0x174: {  	[tilespmem:v5+s8+$0x0] =	vst.idx.msk $0xffff, v16  }
0x175: {  	s2 =	simm.s32 $0x10200;
	v16 =	vld [tilespmem:s18+$0x300]  }
0x176: {  	[tilespmem:v0+s2+$0x0] =	vst.idx.msk $0xffff, v18  }
0x177: {  	s1 =	sand.u32 $0x7, s13;
	v18 =	vld [tilespmem:s9+$0x80]  }
0x178: {  	s1 =	sshll.u32 s1, $0x4;
	[tilespmem:v3+s0+$0x0] =	vst.idx.msk $0xffff, v17  }
0x179: {  	s1 =	sadd.s32 $0x0, s1;
	v17 =	vld [tilespmem:s3+$0x200]  }
0x17a: {  	s22 =	sor.u32 $0x380, s1;
	[tilespmem:v6+s8+$0x0] =	vst.idx.msk $0xffff, v16  }
0x17b: {  	v16 =	vld [tilespmem:s22+$0x0]  }
0x17c: {  	[tilespmem:v1+s2+$0x0] =	vst.idx.msk $0xffff, v18  }
0x17d: {  	s25 =	simm.s32 $0x30;
	s5 =	simm.s32 $0x180;
	v18 =	vld [tilespmem:s9+$0x100]  }
0x17e: {  	s5 =	sand.u32 $0x3C00, s5;
	s1 =	sand.u32 $0x70, s25;
	[tilespmem:v4+s0+$0x0] =	vst.idx.msk $0xffff, v17  }
0x17f: {  	s12 =	sor.u32 s1, s5;
	v17 =	vld [tilespmem:s3+$0x280]  }
0x180: {  	[tilespmem:v7+s8+$0x0] =	vst.idx.msk $0xffff, v16;
	v16 =	vld [tilespmem:s12+$0x0]  }
0x181: {  	v19 =	vld [tilespmem:s18+$0x8000]  }
0x182: {  	[tilespmem:v2+s2+$0x0] =	vst.idx.msk $0xffff, v18  }
0x183: {  	v18 =	vld [tilespmem:s9+$0x180]  }
0x184: {  	s11 =	simm.s32 $0x10300;
	[tilespmem:v5+s0+$0x0] =	vst.idx.msk $0xffff, v17  }
0x185: {  	v17 =	vld [tilespmem:s3+$0x300];
	[tilespmem:v0+s11+$0x0] =	vst.idx.msk $0xffff, v16  }
0x186: {  	s26 =	simm.s32 $0x1;
	v16 =	vld [tilespmem:s12+$0x80];
	[tilespmem:v8+s8+$0x0] =	vst.idx.msk $0xffff, v19  }
0x187: {  	s1 =	sand.u32 $0x7, s26;
	v19 =	vld [tilespmem:s18+$0x8080]  }
0x188: {  	s1 =	sshll.u32 s1, $0x4;
	[tilespmem:v3+s2+$0x0] =	vst.idx.msk $0xffff, v18  }
0x189: {  	s1 =	sadd.s32 $0x80, s1;
	v18 =	vld [tilespmem:s9+$0x200]  }
0x18a: {  	s20 =	sor.u32 $0x380, s1;
	[tilespmem:v6+s0+$0x0] =	vst.idx.msk $0xffff, v17  }
0x18b: {  	v17 =	vld [tilespmem:s20+$0x0];
	[tilespmem:v1+s11+$0x0] =	vst.idx.msk $0xffff, v16  }
0x18c: {  	v16 =	vld [tilespmem:s12+$0x100];
	[tilespmem:v9+s8+$0x0] =	vst.idx.msk $0xffff, v19  }
0x18d: {  	s5 =	simm.s32 $0x40;
	s26 =	simm.s32 $0x200;
	v19 =	vld [tilespmem:s18+$0x8100]  }
0x18e: {  	s6 =	sand.u32 $0x3C00, s26;
	s1 =	sand.u32 $0x70, s5;
	[tilespmem:v4+s2+$0x0] =	vst.idx.msk $0xffff, v18  }
0x18f: {  	s17 =	sor.u32 s1, s6;
	v18 =	vld [tilespmem:s9+$0x280]  }
0x190: {  	[tilespmem:v7+s0+$0x0] =	vst.idx.msk $0xffff, v17;
	v17 =	vld [tilespmem:s17+$0x0]  }
0x191: {  	[tilespmem:v2+s11+$0x0] =	vst.idx.msk $0xffff, v16;
	v16 =	vld [tilespmem:s3+$0x8000]  }
0x192: {  	v20 =	vld [tilespmem:s12+$0x180];
	[tilespmem:v10+s8+$0x0] =	vst.idx.msk $0xffff, v19  }
0x193: {  	v19 =	vld [tilespmem:s18+$0x8180]  }
0x194: {  	s13 =	simm.s32 $0x10400;
	[tilespmem:v5+s2+$0x0] =	vst.idx.msk $0xffff, v18  }
0x195: {  	v18 =	vld [tilespmem:s9+$0x300];
	[tilespmem:v0+s13+$0x0] =	vst.idx.msk $0xffff, v17  }
0x196: {  	s10 =	simm.s32 $0x2;
	v17 =	vld [tilespmem:s17+$0x80];
	[tilespmem:v8+s0+$0x0] =	vst.idx.msk $0xffff, v16  }
0x197: {  	s1 =	sand.u32 $0x7, s10;
	[tilespmem:v3+s11+$0x0] =	vst.idx.msk $0xffff, v20;
	v16 =	vld [tilespmem:s3+$0x8080]  }
0x198: {  	s1 =	sshll.u32 s1, $0x4;
	v20 =	vld [tilespmem:s12+$0x200];
	[tilespmem:v11+s8+$0x0] =	vst.idx.msk $0xffff, v19  }
0x199: {  	s1 =	sadd.s32 $0x100, s1;
	v19 =	vld [tilespmem:s18+$0x8200]  }
0x19a: {  	s10 =	sor.u32 $0x380, s1;
	[tilespmem:v6+s2+$0x0] =	vst.idx.msk $0xffff, v18  }
0x19b: {  	v18 =	vld [tilespmem:s10+$0x0];
	[tilespmem:v1+s13+$0x0] =	vst.idx.msk $0xffff, v17  }
0x19c: {  	v17 =	vld [tilespmem:s17+$0x100];
	[tilespmem:v9+s0+$0x0] =	vst.idx.msk $0xffff, v16  }
0x19d: {  	s14 =	simm.s32 $0x50;
	s1 =	simm.s32 $0x280;
	[tilespmem:v4+s11+$0x0] =	vst.idx.msk $0xffff, v20;
	v16 =	vld [tilespmem:s3+$0x8100]  }
0x19e: {  	s5 =	sand.u32 $0x70, s14;
	s6 =	sand.u32 $0x3C00, s1;
	v20 =	vld [tilespmem:s12+$0x280];
	[tilespmem:v12+s8+$0x0] =	vst.idx.msk $0xffff, v19  }
0x19f: {  	s24 =	sor.u32 s5, s6;
	v19 =	vld [tilespmem:s18+$0x8280]  }
0x1a0: {  	[tilespmem:v7+s2+$0x0] =	vst.idx.msk $0xffff, v18;
	v18 =	vld [tilespmem:s24+$0x0]  }
0x1a1: {  	[tilespmem:v2+s13+$0x0] =	vst.idx.msk $0xffff, v17;
	v17 =	vld [tilespmem:s9+$0x8000]  }
0x1a2: {  	v21 =	vld [tilespmem:s17+$0x180];
	[tilespmem:v10+s0+$0x0] =	vst.idx.msk $0xffff, v16  }
0x1a3: {  	[tilespmem:v5+s11+$0x0] =	vst.idx.msk $0xffff, v20;
	v16 =	vld [tilespmem:s3+$0x8180]  }
0x1a4: {  	s19 =	simm.s32 $0x10500;
	v20 =	vld [tilespmem:s12+$0x300];
	[tilespmem:v13+s8+$0x0] =	vst.idx.msk $0xffff, v19  }
0x1a5: {  	s14 =	simm.s32 $0x3;
	[tilespmem:v0+s19+$0x0] =	vst.idx.msk $0xffff, v18;
	v18 =	vld [tilespmem:s18+$0x8300]  }
0x1a6: {  	s15 =	sand.u32 $0x7, s14;
	[tilespmem:v8+s2+$0x0] =	vst.idx.msk $0xffff, v17;
	v19 =	vld [tilespmem:s24+$0x80]  }
0x1a7: {  	s5 =	sshll.u32 s15, $0x4;
	[tilespmem:v3+s13+$0x0] =	vst.idx.msk $0xffff, v21;
	v17 =	vld [tilespmem:s9+$0x8080]  }
0x1a8: {  	s5 =	sadd.s32 $0x180, s5;
	v21 =	vld [tilespmem:s17+$0x200];
	[tilespmem:v11+s0+$0x0] =	vst.idx.msk $0xffff, v16  }
0x1a9: {  	s25 =	sor.u32 $0x380, s5;
	[tilespmem:v6+s11+$0x0] =	vst.idx.msk $0xffff, v20;
	v22 =	vld [tilespmem:s3+$0x8200]  }
0x1aa: {  	v23 =	vld [tilespmem:s25+$0x0];
	[tilespmem:v14+s8+$0x0] =	vst.idx.msk $0xffff, v18  }
0x1ab: {  	[tilespmem:v1+s19+$0x0] =	vst.idx.msk $0xffff, v19;
	v16 =	vld [tilespmem:s22+$0x8000]  }
0x1ac: {  	[tilespmem:v9+s2+$0x0] =	vst.idx.msk $0xffff, v17;
	v20 =	vld [tilespmem:s24+$0x100]  }
0x1ad: {  	s15 =	simm.s32 $0x300;
	[tilespmem:v4+s13+$0x0] =	vst.idx.msk $0xffff, v21;
	s18 =	simm.s32 $0x60;
	v18 =	vld [tilespmem:s9+$0x8100]  }
0x1ae: {  	s4 =	sand.u32 $0x70, s18;
	v19 =	vld [tilespmem:s17+$0x280];
	s22 =	sand.u32 $0x3C00, s15;
	[tilespmem:v12+s0+$0x0] =	vst.idx.msk $0xffff, v22  }
0x1af: {  	s22 =	sor.u32 s4, s22;
	s4 =	simm.s32 $0x70;
	[tilespmem:v7+s11+$0x0] =	vst.idx.msk $0xffff, v23;
	v17 =	vld [tilespmem:s3+$0x8280]  }
.LBB2_11:
0x1b0: {  	p2 =	sne.s32 s4, $0x7F0;
	v21 =	vld [tilespmem:s22+$0x0];
	[tilespmem:v15+s8+$0x0] =	vst.idx.msk $0xffff, v16;
	s8 =	smov.u32 s0;
	s0 =	smov.u32 s2  }
0x1b1: {  	s2 =	smov.u32 s11;
	s11 =	smov.u32 s13;
	s13 =	smov.u32 s19;
	[tilespmem:v2+s19+$0x0] =	vst.idx.msk $0xffff, v20;
	v16 =	vld [tilespmem:s12+$0x8000]  }
0x1b2: {  	v20 =	vld [tilespmem:s24+$0x180];
	[tilespmem:v10+s0+$0x0] =	vst.idx.msk $0xffff, v18  }
0x1b3: {  	[tilespmem:v5+s11+$0x0] =	vst.idx.msk $0xffff, v19;
	v18 =	vld [tilespmem:s9+$0x8180]  }
0x1b4: {  	s19 =	sadd.s32 $0x100, s19;
	v19 =	vld [tilespmem:s17+$0x300];
	[tilespmem:v13+s8+$0x0] =	vst.idx.msk $0xffff, v17  }
0x1b5: {  	s14 =	sadd.s32 $0x1, s14;
	[tilespmem:v0+s19+$0x0] =	vst.idx.msk $0xffff, v21;
	v17 =	vld [tilespmem:s3+$0x8300];
	s3 =	smov.u32 s9;
	s9 =	smov.u32 s12  }
0x1b6: {  	s5 =	sand.u32 $0x7, s14;
	s12 =	smov.u32 s17;
	s17 =	smov.u32 s24;
	v21 =	vld [tilespmem:s22+$0x80];
	[tilespmem:v8+s2+$0x0] =	vst.idx.msk $0xffff, v16  }
0x1b7: {  	s5 =	sshll.u32 s5, $0x4;
	s24 =	smov.u32 s22;
	[tilespmem:v3+s13+$0x0] =	vst.idx.msk $0xffff, v20;
	v22 =	vld [tilespmem:s9+$0x8080]  }
0x1b8: {  	s5 =	sadd.s32 s5, s26;
	s26 =	smov.u32 s1;
	s1 =	smov.u32 s15;
	v23 =	vld [tilespmem:s17+$0x200];
	[tilespmem:v11+s0+$0x0] =	vst.idx.msk $0xffff, v18  }
0x1b9: {  	s5 =	sor.u32 $0x380, s5;
	[tilespmem:v6+s11+$0x0] =	vst.idx.msk $0xffff, v19;
	v24 =	vld [tilespmem:s3+$0x8200]  }
0x1ba: {  	v25 =	vld [tilespmem:s5+$0x0];
	[tilespmem:v14+s8+$0x0] =	vst.idx.msk $0xffff, v17  }
.Ltmp9:
0x1bb: {  	[tilespmem:v1+s19+$0x0] =	vst.idx.msk $0xffff, v21;
	v16 =	vld [tilespmem:s20+$0x8000];
	s20 =	smov.u32 s10;
	s10 =	smov.u32 s25;
	(pc) =	sbr.rel @p2 .LBB2_11-.Ltmp9, $4  }
0x1bc: {  	s25 =	smov.u32 s5;
	v20 =	vld [tilespmem:s24+$0x100];
	[tilespmem:v9+s2+$0x0] =	vst.idx.msk $0xffff, v22  }
0x1bd: {  	s15 =	sadd.s32 $0x80, s15;
	[tilespmem:v4+s13+$0x0] =	vst.idx.msk $0xffff, v23;
	v18 =	vld [tilespmem:s9+$0x8100]  }
0x1be: {  	s6 =	sand.u32 $0x3C00, s15;
	s5 =	sand.u32 $0x70, s4;
	v19 =	vld [tilespmem:s17+$0x280];
	[tilespmem:v12+s0+$0x0] =	vst.idx.msk $0xffff, v24  }
0x1bf: {  	s4 =	sadd.s32 $0x10, s4;
	s22 =	sor.u32 s5, s6;
	[tilespmem:v7+s11+$0x0] =	vst.idx.msk $0xffff, v25;
	v17 =	vld [tilespmem:s3+$0x8280]  }
0x1c0: {  	v21 =	vld [tilespmem:s22+$0x0];
	_ =	sdelay $0x3  }
0x1c1: {  	s18 =	sadd.s32 $0x100, s19  }
0x1c2: {  	[tilespmem:v0+s18+$0x0] =	vst.idx.msk $0xffff, v21  }
0x1c3: {  	v21 =	vld [tilespmem:s22+$0x80];
	_ =	sdelay $0x4  }
0x1c4: {  	[tilespmem:v1+s18+$0x0] =	vst.idx.msk $0xffff, v21  }
0x1c5: {  	v21 =	vld [tilespmem:s22+$0x100];
	_ =	sdelay $0x3  }
0x1c6: {  	[tilespmem:v2+s19+$0x0] =	vst.idx.msk $0xffff, v20  }
0x1c7: {  	v20 =	vld [tilespmem:s24+$0x180];
	[tilespmem:v2+s18+$0x0] =	vst.idx.msk $0xffff, v21  }
0x1c8: {  	v21 =	vld [tilespmem:s22+$0x180];
	_ =	sdelay $0x3  }
0x1c9: {  	[tilespmem:v3+s19+$0x0] =	vst.idx.msk $0xffff, v20  }
0x1ca: {  	v20 =	vld [tilespmem:s24+$0x200];
	[tilespmem:v3+s18+$0x0] =	vst.idx.msk $0xffff, v21  }
0x1cb: {  	v21 =	vld [tilespmem:s22+$0x200];
	_ =	sdelay $0x3  }
0x1cc: {  	[tilespmem:v4+s19+$0x0] =	vst.idx.msk $0xffff, v20  }
0x1cd: {  	v20 =	vld [tilespmem:s24+$0x280];
	[tilespmem:v4+s18+$0x0] =	vst.idx.msk $0xffff, v21  }
0x1ce: {  	v21 =	vld [tilespmem:s22+$0x280];
	_ =	sdelay $0x2  }
0x1cf: {  	[tilespmem:v5+s13+$0x0] =	vst.idx.msk $0xffff, v19  }
0x1d0: {  	v19 =	vld [tilespmem:s17+$0x300];
	[tilespmem:v5+s19+$0x0] =	vst.idx.msk $0xffff, v20  }
0x1d1: {  	s4 =	sadd.s32 $0x1, s14;
	v20 =	vld [tilespmem:s24+$0x300];
	[tilespmem:v5+s18+$0x0] =	vst.idx.msk $0xffff, v21  }
0x1d2: {  	s5 =	sand.u32 $0x7, s4;
	s4 =	sadd.s32 $0x1, s4;
	v21 =	vld [tilespmem:s22+$0x300]  }
0x1d3: {  	s5 =	sshll.u32 s5, $0x4;
	s6 =	sand.u32 $0x7, s4;
	s4 =	sadd.s32 $0x1, s4  }
0x1d4: {  	s5 =	sadd.s32 s5, s26;
	s6 =	sshll.u32 s6, $0x4;
	s4 =	sand.u32 $0x7, s4  }
0x1d5: {  	s6 =	sadd.s32 s6, s1;
	s14 =	sor.u32 $0x380, s5;
	s4 =	sshll.u32 s4, $0x4;
	[tilespmem:v6+s13+$0x0] =	vst.idx.msk $0xffff, v19  }
0x1d6: {  	s4 =	sadd.s32 s4, s15;
	s15 =	sor.u32 $0x380, s6;
	v19 =	vld [tilespmem:s14+$0x0];
	[tilespmem:v6+s19+$0x0] =	vst.idx.msk $0xffff, v20  }
0x1d7: {  	s4 =	sor.u32 $0x380, s4;
	v20 =	vld [tilespmem:s15+$0x0];
	[tilespmem:v6+s18+$0x0] =	vst.idx.msk $0xffff, v21  }
0x1d8: {  	v21 =	vld [tilespmem:s4+$0x0];
	_ =	sdelay $0x2  }
0x1d9: {  	v22 =	vld [tilespmem:s12+$0x8000];
	[tilespmem:v7+s13+$0x0] =	vst.idx.msk $0xffff, v19  }
0x1da: {  	v19 =	vld [tilespmem:s17+$0x8000];
	[tilespmem:v7+s19+$0x0] =	vst.idx.msk $0xffff, v20  }
0x1db: {  	v20 =	vld [tilespmem:s24+$0x8000];
	[tilespmem:v7+s18+$0x0] =	vst.idx.msk $0xffff, v21  }
0x1dc: {  	v21 =	vld [tilespmem:s22+$0x8000];
	_ =	sdelay $0x1  }
0x1dd: {  	[tilespmem:v8+s11+$0x0] =	vst.idx.msk $0xffff, v22  }
0x1de: {  	v22 =	vld [tilespmem:s12+$0x8080];
	[tilespmem:v8+s13+$0x0] =	vst.idx.msk $0xffff, v19  }
0x1df: {  	v19 =	vld [tilespmem:s17+$0x8080];
	[tilespmem:v8+s19+$0x0] =	vst.idx.msk $0xffff, v20  }
0x1e0: {  	v20 =	vld [tilespmem:s24+$0x8080];
	[tilespmem:v8+s18+$0x0] =	vst.idx.msk $0xffff, v21  }
0x1e1: {  	v21 =	vld [tilespmem:s22+$0x8080];
	_ =	sdelay $0x1  }
0x1e2: {  	[tilespmem:v9+s11+$0x0] =	vst.idx.msk $0xffff, v22  }
0x1e3: {  	v22 =	vld [tilespmem:s12+$0x8100];
	[tilespmem:v9+s13+$0x0] =	vst.idx.msk $0xffff, v19  }
0x1e4: {  	v19 =	vld [tilespmem:s17+$0x8100];
	[tilespmem:v9+s19+$0x0] =	vst.idx.msk $0xffff, v20  }
0x1e5: {  	v20 =	vld [tilespmem:s24+$0x8100];
	[tilespmem:v9+s18+$0x0] =	vst.idx.msk $0xffff, v21  }
0x1e6: {  	v21 =	vld [tilespmem:s22+$0x8100]  }
0x1e7: {  	[tilespmem:v10+s2+$0x0] =	vst.idx.msk $0xffff, v18  }
0x1e8: {  	v18 =	vld [tilespmem:s9+$0x8180];
	[tilespmem:v10+s11+$0x0] =	vst.idx.msk $0xffff, v22  }
0x1e9: {  	v22 =	vld [tilespmem:s12+$0x8180];
	[tilespmem:v10+s13+$0x0] =	vst.idx.msk $0xffff, v19  }
0x1ea: {  	v19 =	vld [tilespmem:s17+$0x8180];
	[tilespmem:v10+s19+$0x0] =	vst.idx.msk $0xffff, v20  }
0x1eb: {  	v20 =	vld [tilespmem:s24+$0x8180];
	[tilespmem:v10+s18+$0x0] =	vst.idx.msk $0xffff, v21  }
0x1ec: {  	v21 =	vld [tilespmem:s22+$0x8180]  }
0x1ed: {  	[tilespmem:v11+s2+$0x0] =	vst.idx.msk $0xffff, v18  }
0x1ee: {  	v18 =	vld [tilespmem:s9+$0x8200];
	[tilespmem:v11+s11+$0x0] =	vst.idx.msk $0xffff, v22  }
0x1ef: {  	v60 =	vld [tilespmem:s12+$0x8200];
	[tilespmem:v11+s13+$0x0] =	vst.idx.msk $0xffff, v19  }
0x1f0: {  	v61 =	vld [tilespmem:s17+$0x8200];
	[tilespmem:v11+s19+$0x0] =	vst.idx.msk $0xffff, v20  }
0x1f1: {  	v62 =	vld [tilespmem:s24+$0x8200];
	[tilespmem:v11+s18+$0x0] =	vst.idx.msk $0xffff, v21  }
0x1f2: {  	[tilespmem:v15+s8+$0x0] =	vst.idx.msk $0xffff, v16;
	v16 =	vld [tilespmem:s22+$0x8200]  }
0x1f3: {  	[tilespmem:v12+s2+$0x0] =	vst.idx.msk $0xffff, v18  }
0x1f4: {  	v18 =	vld [tilespmem:s9+$0x8280];
	[tilespmem:v12+s11+$0x0] =	vst.idx.msk $0xffff, v60  }
0x1f5: {  	v19 =	vld [tilespmem:s12+$0x8280];
	[tilespmem:v12+s13+$0x0] =	vst.idx.msk $0xffff, v61  }
0x1f6: {  	v20 =	vld [tilespmem:s17+$0x8280];
	[tilespmem:v12+s19+$0x0] =	vst.idx.msk $0xffff, v62  }
0x1f7: {  	v21 =	vld [tilespmem:s24+$0x8280];
	[tilespmem:v12+s18+$0x0] =	vst.idx.msk $0xffff, v16  }
0x1f8: {  	[tilespmem:v13+s0+$0x0] =	vst.idx.msk $0xffff, v17;
	v16 =	vld [tilespmem:s22+$0x8280]  }
0x1f9: {  	v17 =	vld [tilespmem:s3+$0x8300];
	[tilespmem:v13+s2+$0x0] =	vst.idx.msk $0xffff, v18  }
0x1fa: {  	v18 =	vld [tilespmem:s9+$0x8300];
	[tilespmem:v13+s11+$0x0] =	vst.idx.msk $0xffff, v19  }
0x1fb: {  	v19 =	vld [tilespmem:s12+$0x8300];
	[tilespmem:v13+s13+$0x0] =	vst.idx.msk $0xffff, v20  }
0x1fc: {  	v20 =	vld [tilespmem:s17+$0x8300];
	[tilespmem:v13+s19+$0x0] =	vst.idx.msk $0xffff, v21  }
0x1fd: {  	v21 =	vld [tilespmem:s24+$0x8300];
	[tilespmem:v13+s18+$0x0] =	vst.idx.msk $0xffff, v16  }
0x1fe: {  	[tilespmem:v14+s0+$0x0] =	vst.idx.msk $0xffff, v17;
	v16 =	vld [tilespmem:s22+$0x8300]  }
0x1ff: {  	v17 =	vld [tilespmem:s20+$0x8000];
	[tilespmem:v14+s2+$0x0] =	vst.idx.msk $0xffff, v18  }
0x200: {  	v18 =	vld [tilespmem:s10+$0x8000];
	[tilespmem:v14+s11+$0x0] =	vst.idx.msk $0xffff, v19  }
0x201: {  	v19 =	vld [tilespmem:s25+$0x8000];
	[tilespmem:v14+s13+$0x0] =	vst.idx.msk $0xffff, v20  }
0x202: {  	v20 =	vld [tilespmem:s14+$0x8000];
	[tilespmem:v14+s19+$0x0] =	vst.idx.msk $0xffff, v21  }
0x203: {  	v21 =	vld [tilespmem:s15+$0x8000];
	[tilespmem:v14+s18+$0x0] =	vst.idx.msk $0xffff, v16  }
0x204: {  	[tilespmem:v15+s0+$0x0] =	vst.idx.msk $0xffff, v17;
	v16 =	vld [tilespmem:s4+$0x8000]  }
0x205: {  	[tilespmem:v15+s2+$0x0] =	vst.idx.msk $0xffff, v18  }
0x206: {  	[tilespmem:v15+s11+$0x0] =	vst.idx.msk $0xffff, v19  }
0x207: {  	[tilespmem:v15+s13+$0x0] =	vst.idx.msk $0xffff, v20  }
.Ltmp10:
0x208: {  	[tilespmem:v15+s19+$0x0] =	vst.idx.msk $0xffff, v21;
	(pc) =	sbr.rel .LBB2_13-.Ltmp10, $4  }
0x209: {  	[tilespmem:v15+s18+$0x0] =	vst.idx.msk $0xffff, v16  }
0x20a: {  	s25 =	sshll.u32 s31, $0xC;
	s26 =	rddreg [dreg:$0x5]  }
0x20b: {  	s31 =	simm.s32 $0x10000;
	s0 =	sadd.s32 s26, s25;
	s26 =	simm.s32 $0x0  }
0x20c: {  	[hbm4b:s0+s26] =	stream.linear.scatter [tilespmem:s31], [sflag:$0x3], $0x8000, $0x38;
	v63 =	vld [tilespmem:$0x0]  }
.LBB2_9:
0x20d: {  	s30 =	sor.u32 $0x1, s29  }
.LBB2_13:
0x20e: {  	p2 =	sge.u32 s30, s7  }
.Ltmp11:
0x20f: {  	_ = 	snop;
	(pc) =	sbr.rel @p2 .LBB2_17-.Ltmp11, $1  }
0x210: {  	_ =	sdelay $0x3  }
0x211: {  	_ =	swait.ge [sflag:s23], $0x4000  }
0x212: {  	s1 =	rddreg [dreg:$0x4]  }
0x213: {  	s0 =	sshll.u32 s30, $0x5;
	s13 =	rddreg [dreg:$0xc]  }
0x214: {  	[sflag:s23] =	ssyncset.done $0x0;
	s30 =	sor.u32 s1, s0;
	p2 =	sge.u32 s29, s13  }
0x215: {  	[sflag:s23] =	ssyncadd.s32 $0xFFFFC000;
	s0 =	sshll.u32 @!p2 s30, $0xB  }
0x216: {  	_ =	swait.ge [sflag:s23], $0x4000;
	s0 =	sand.u32 @!p2 $0x1FFFF800, s0  }
0x217: {  	[sflag:s23] =	ssyncset.done $0x0;
	s0 =	sadd.s32 @!p2 s16, s0  }
0x218: {  	s2 =	simm.s32 @!p2 $0x0;
	[sflag:s23] =	ssyncadd.s32 $0xFFFFC000;
	s1 =	sadd.s32 @!p2 $0x10000, s0  }
0x219: {  	[tilespmem:s2], [sflag:$0x1] =	stream.linear.gather @!p2 [hbm4b:s1+s2], $0x4000, $0x38;
	v63 =	vld [tilespmem:$0x0]  }
0x21a: {  	s0 =	sadd.s32 @!p2 $0x104280, s0;
	s1 =	simm.s32 @!p2 $0x8000  }
0x21b: {  	[tilespmem:s1], [sflag:$0x1] =	stream.linear.gather @!p2 [hbm4b:s0+s2], $0x4000, $0x38;
	v63 =	vld [tilespmem:$0x0]  }
0x21c: {  	p2 =	seq.s32 s28, $0x0  }
0x21d: {  	s0 =	simm.s32 @!p2 $0x4  }
0x21e: {  	s14 =	simm.s32 $0x0;
	_ =	swait.ge @!p2 [sflag:s0], $0x8000  }
0x21f: {  	s15 =	sand.u32 $0x70, s14;
	s3 =	sand.u32 $0x3C00, s14;
	[sflag:s0] =	ssyncset.done @!p2 $0x0  }
0x220: {  	s18 =	sor.u32 s15, s3;
	[sflag:s0] =	ssyncadd.s32 @!p2 $0xFFFF8000  }
0x221: {  	v16 =	vld [tilespmem:s18+$0x4000];
	_ =	sdelay $0x3  }
0x222: {  	s8 =	simm.s32 $0x18000  }
0x223: {  	[tilespmem:v0+s8+$0x0] =	vst.idx.msk $0xffff, v16  }
0x224: {  	v16 =	vld [tilespmem:s18+$0x4080];
	_ =	sdelay $0x4  }
0x225: {  	[tilespmem:v1+s8+$0x0] =	vst.idx.msk $0xffff, v16  }
0x226: {  	v16 =	vld [tilespmem:s18+$0x4100]  }
0x227: {  	s17 =	simm.s32 $0x10;
	s19 =	simm.s32 $0x80  }
0x228: {  	s2 =	sand.u32 $0x3C00, s19;
	s0 =	sand.u32 $0x70, s17  }
0x229: {  	s3 =	sor.u32 s0, s2  }
0x22a: {  	v17 =	vld [tilespmem:s3+$0x4000]  }
0x22b: {  	[tilespmem:v2+s8+$0x0] =	vst.idx.msk $0xffff, v16  }
0x22c: {  	v16 =	vld [tilespmem:s18+$0x4180];
	_ =	sdelay $0x1  }
0x22d: {  	s0 =	simm.s32 $0x18100  }
0x22e: {  	[tilespmem:v0+s0+$0x0] =	vst.idx.msk $0xffff, v17  }
0x22f: {  	v17 =	vld [tilespmem:s3+$0x4080]  }
0x230: {  	[tilespmem:v3+s8+$0x0] =	vst.idx.msk $0xffff, v16  }
0x231: {  	v16 =	vld [tilespmem:s18+$0x4200];
	_ =	sdelay $0x2  }
0x232: {  	[tilespmem:v1+s0+$0x0] =	vst.idx.msk $0xffff, v17  }
0x233: {  	v17 =	vld [tilespmem:s3+$0x4100]  }
0x234: {  	s20 =	simm.s32 $0x20;
	s4 =	simm.s32 $0x100;
	[tilespmem:v4+s8+$0x0] =	vst.idx.msk $0xffff, v16  }
0x235: {  	s4 =	sand.u32 $0x3C00, s4;
	s2 =	sand.u32 $0x70, s20;
	v16 =	vld [tilespmem:s18+$0x4280]  }
0x236: {  	s9 =	sor.u32 s2, s4  }
0x237: {  	v18 =	vld [tilespmem:s9+$0x4000]  }
0x238: {  	[tilespmem:v2+s0+$0x0] =	vst.idx.msk $0xffff, v17  }
0x239: {  	v17 =	vld [tilespmem:s3+$0x4180]  }
0x23a: {  	[tilespmem:v5+s8+$0x0] =	vst.idx.msk $0xffff, v16  }
0x23b: {  	s2 =	simm.s32 $0x18200;
	v16 =	vld [tilespmem:s18+$0x4300]  }
0x23c: {  	[tilespmem:v0+s2+$0x0] =	vst.idx.msk $0xffff, v18  }
0x23d: {  	s1 =	sand.u32 $0x7, s14;
	v18 =	vld [tilespmem:s9+$0x4080]  }
0x23e: {  	s1 =	sshll.u32 s1, $0x4;
	[tilespmem:v3+s0+$0x0] =	vst.idx.msk $0xffff, v17  }
0x23f: {  	s1 =	sadd.s32 $0x0, s1;
	v17 =	vld [tilespmem:s3+$0x4200]  }
0x240: {  	s22 =	sor.u32 $0x380, s1;
	[tilespmem:v6+s8+$0x0] =	vst.idx.msk $0xffff, v16  }
0x241: {  	v16 =	vld [tilespmem:s22+$0x4000]  }
0x242: {  	[tilespmem:v1+s2+$0x0] =	vst.idx.msk $0xffff, v18  }
0x243: {  	s31 =	simm.s32 $0x30;
	s5 =	simm.s32 $0x180;
	v18 =	vld [tilespmem:s9+$0x4100]  }
0x244: {  	s5 =	sand.u32 $0x3C00, s5;
	s1 =	sand.u32 $0x70, s31;
	[tilespmem:v4+s0+$0x0] =	vst.idx.msk $0xffff, v17  }
0x245: {  	s12 =	sor.u32 s1, s5;
	v17 =	vld [tilespmem:s3+$0x4280]  }
0x246: {  	[tilespmem:v7+s8+$0x0] =	vst.idx.msk $0xffff, v16;
	v16 =	vld [tilespmem:s12+$0x4000]  }
0x247: {  	v19 =	vld [tilespmem:s18+$0xC000]  }
0x248: {  	[tilespmem:v2+s2+$0x0] =	vst.idx.msk $0xffff, v18  }
0x249: {  	v18 =	vld [tilespmem:s9+$0x4180]  }
0x24a: {  	s11 =	simm.s32 $0x18300;
	[tilespmem:v5+s0+$0x0] =	vst.idx.msk $0xffff, v17  }
0x24b: {  	v17 =	vld [tilespmem:s3+$0x4300];
	[tilespmem:v0+s11+$0x0] =	vst.idx.msk $0xffff, v16  }
0x24c: {  	s6 =	simm.s32 $0x1;
	v16 =	vld [tilespmem:s12+$0x4080];
	[tilespmem:v8+s8+$0x0] =	vst.idx.msk $0xffff, v19  }
0x24d: {  	s1 =	sand.u32 $0x7, s6;
	v19 =	vld [tilespmem:s18+$0xC080]  }
0x24e: {  	s1 =	sshll.u32 s1, $0x4;
	[tilespmem:v3+s2+$0x0] =	vst.idx.msk $0xffff, v18  }
0x24f: {  	s1 =	sadd.s32 $0x80, s1;
	v18 =	vld [tilespmem:s9+$0x4200]  }
0x250: {  	s20 =	sor.u32 $0x380, s1;
	[tilespmem:v6+s0+$0x0] =	vst.idx.msk $0xffff, v17  }
0x251: {  	v17 =	vld [tilespmem:s20+$0x4000];
	[tilespmem:v1+s11+$0x0] =	vst.idx.msk $0xffff, v16  }
0x252: {  	v16 =	vld [tilespmem:s12+$0x4100];
	[tilespmem:v9+s8+$0x0] =	vst.idx.msk $0xffff, v19  }
0x253: {  	s10 =	simm.s32 $0x40;
	s25 =	simm.s32 $0x200;
	v19 =	vld [tilespmem:s18+$0xC100]  }
0x254: {  	s13 =	sand.u32 $0x3C00, s25;
	s1 =	sand.u32 $0x70, s10;
	[tilespmem:v4+s2+$0x0] =	vst.idx.msk $0xffff, v18  }
0x255: {  	s17 =	sor.u32 s1, s13;
	v18 =	vld [tilespmem:s9+$0x4280]  }
0x256: {  	[tilespmem:v7+s0+$0x0] =	vst.idx.msk $0xffff, v17;
	v17 =	vld [tilespmem:s17+$0x4000]  }
0x257: {  	[tilespmem:v2+s11+$0x0] =	vst.idx.msk $0xffff, v16;
	v16 =	vld [tilespmem:s3+$0xC000]  }
0x258: {  	v20 =	vld [tilespmem:s12+$0x4180];
	[tilespmem:v10+s8+$0x0] =	vst.idx.msk $0xffff, v19  }
0x259: {  	v19 =	vld [tilespmem:s18+$0xC180]  }
0x25a: {  	s13 =	simm.s32 $0x18400;
	[tilespmem:v5+s2+$0x0] =	vst.idx.msk $0xffff, v18  }
0x25b: {  	v18 =	vld [tilespmem:s9+$0x4300];
	[tilespmem:v0+s13+$0x0] =	vst.idx.msk $0xffff, v17  }
0x25c: {  	s14 =	simm.s32 $0x2;
	v17 =	vld [tilespmem:s17+$0x4080];
	[tilespmem:v8+s0+$0x0] =	vst.idx.msk $0xffff, v16  }
0x25d: {  	s1 =	sand.u32 $0x7, s14;
	[tilespmem:v3+s11+$0x0] =	vst.idx.msk $0xffff, v20;
	v16 =	vld [tilespmem:s3+$0xC080]  }
0x25e: {  	s1 =	sshll.u32 s1, $0x4;
	v20 =	vld [tilespmem:s12+$0x4200];
	[tilespmem:v11+s8+$0x0] =	vst.idx.msk $0xffff, v19  }
0x25f: {  	s1 =	sadd.s32 $0x100, s1;
	v19 =	vld [tilespmem:s18+$0xC200]  }
0x260: {  	s10 =	sor.u32 $0x380, s1;
	[tilespmem:v6+s2+$0x0] =	vst.idx.msk $0xffff, v18  }
0x261: {  	v18 =	vld [tilespmem:s10+$0x4000];
	[tilespmem:v1+s13+$0x0] =	vst.idx.msk $0xffff, v17  }
0x262: {  	v17 =	vld [tilespmem:s17+$0x4100];
	[tilespmem:v9+s0+$0x0] =	vst.idx.msk $0xffff, v16  }
0x263: {  	s15 =	simm.s32 $0x50;
	s1 =	simm.s32 $0x280;
	[tilespmem:v4+s11+$0x0] =	vst.idx.msk $0xffff, v20;
	v16 =	vld [tilespmem:s3+$0xC100]  }
0x264: {  	s5 =	sand.u32 $0x70, s15;
	s6 =	sand.u32 $0x3C00, s1;
	v20 =	vld [tilespmem:s12+$0x4280];
	[tilespmem:v12+s8+$0x0] =	vst.idx.msk $0xffff, v19  }
0x265: {  	s19 =	sor.u32 s5, s6;
	v19 =	vld [tilespmem:s18+$0xC280]  }
0x266: {  	[tilespmem:v7+s2+$0x0] =	vst.idx.msk $0xffff, v18;
	v18 =	vld [tilespmem:s19+$0x4000]  }
0x267: {  	[tilespmem:v2+s13+$0x0] =	vst.idx.msk $0xffff, v17;
	v17 =	vld [tilespmem:s9+$0xC000]  }
0x268: {  	v21 =	vld [tilespmem:s17+$0x4180];
	[tilespmem:v10+s0+$0x0] =	vst.idx.msk $0xffff, v16  }
0x269: {  	[tilespmem:v5+s11+$0x0] =	vst.idx.msk $0xffff, v20;
	v16 =	vld [tilespmem:s3+$0xC180]  }
0x26a: {  	s29 =	simm.s32 $0x18500;
	v20 =	vld [tilespmem:s12+$0x4300];
	[tilespmem:v13+s8+$0x0] =	vst.idx.msk $0xffff, v19  }
0x26b: {  	s14 =	simm.s32 $0x3;
	[tilespmem:v0+s29+$0x0] =	vst.idx.msk $0xffff, v18;
	v18 =	vld [tilespmem:s18+$0xC300]  }
0x26c: {  	[tilespmem:v8+s2+$0x0] =	vst.idx.msk $0xffff, v17;
	v19 =	vld [tilespmem:s19+$0x4080];
	s18 =	sand.u32 $0x7, s14  }
0x26d: {  	[tilespmem:v3+s13+$0x0] =	vst.idx.msk $0xffff, v21;
	v17 =	vld [tilespmem:s9+$0xC080];
	s5 =	sshll.u32 s18, $0x4  }
0x26e: {  	v21 =	vld [tilespmem:s17+$0x4200];
	s5 =	sadd.s32 $0x180, s5;
	[tilespmem:v11+s0+$0x0] =	vst.idx.msk $0xffff, v16  }
0x26f: {  	s24 =	sor.u32 $0x380, s5;
	[tilespmem:v6+s11+$0x0] =	vst.idx.msk $0xffff, v20;
	v22 =	vld [tilespmem:s3+$0xC200]  }
0x270: {  	v23 =	vld [tilespmem:s24+$0x4000];
	[tilespmem:v14+s8+$0x0] =	vst.idx.msk $0xffff, v18  }
0x271: {  	[tilespmem:v1+s29+$0x0] =	vst.idx.msk $0xffff, v19;
	v16 =	vld [tilespmem:s22+$0xC000]  }
0x272: {  	[tilespmem:v9+s2+$0x0] =	vst.idx.msk $0xffff, v17;
	v20 =	vld [tilespmem:s19+$0x4100]  }
0x273: {  	s15 =	simm.s32 $0x300;
	[tilespmem:v4+s13+$0x0] =	vst.idx.msk $0xffff, v21;
	v18 =	vld [tilespmem:s9+$0xC100];
	s22 =	simm.s32 $0x60  }
0x274: {  	s31 =	sand.u32 $0x3C00, s15;
	v19 =	vld [tilespmem:s17+$0x4280];
	s4 =	sand.u32 $0x70, s22;
	[tilespmem:v12+s0+$0x0] =	vst.idx.msk $0xffff, v22  }
0x275: {  	s22 =	sor.u32 s4, s31;
	s4 =	simm.s32 $0x70;
	[tilespmem:v7+s11+$0x0] =	vst.idx.msk $0xffff, v23;
	v17 =	vld [tilespmem:s3+$0xC280]  }
.LBB2_15:
0x276: {  	p2 =	sne.s32 s4, $0x7F0;
	v21 =	vld [tilespmem:s22+$0x4000];
	[tilespmem:v15+s8+$0x0] =	vst.idx.msk $0xffff, v16;
	s8 =	smov.u32 s0;
	s0 =	smov.u32 s2  }
0x277: {  	s2 =	smov.u32 s11;
	s11 =	smov.u32 s13;
	s13 =	smov.u32 s29;
	[tilespmem:v2+s29+$0x0] =	vst.idx.msk $0xffff, v20;
	v16 =	vld [tilespmem:s12+$0xC000]  }
0x278: {  	v20 =	vld [tilespmem:s19+$0x4180];
	[tilespmem:v10+s0+$0x0] =	vst.idx.msk $0xffff, v18  }
0x279: {  	[tilespmem:v5+s11+$0x0] =	vst.idx.msk $0xffff, v19;
	v18 =	vld [tilespmem:s9+$0xC180]  }
0x27a: {  	s29 =	sadd.s32 $0x100, s29;
	v19 =	vld [tilespmem:s17+$0x4300];
	[tilespmem:v13+s8+$0x0] =	vst.idx.msk $0xffff, v17  }
0x27b: {  	s14 =	sadd.s32 $0x1, s14;
	[tilespmem:v0+s29+$0x0] =	vst.idx.msk $0xffff, v21;
	v17 =	vld [tilespmem:s3+$0xC300];
	s3 =	smov.u32 s9;
	s9 =	smov.u32 s12  }
0x27c: {  	s5 =	sand.u32 $0x7, s14;
	s12 =	smov.u32 s17;
	s17 =	smov.u32 s19;
	v21 =	vld [tilespmem:s22+$0x4080];
	[tilespmem:v8+s2+$0x0] =	vst.idx.msk $0xffff, v16  }
0x27d: {  	s5 =	sshll.u32 s5, $0x4;
	s19 =	smov.u32 s22;
	[tilespmem:v3+s13+$0x0] =	vst.idx.msk $0xffff, v20;
	v22 =	vld [tilespmem:s9+$0xC080]  }
0x27e: {  	s5 =	sadd.s32 s5, s25;
	s25 =	smov.u32 s1;
	s1 =	smov.u32 s15;
	v23 =	vld [tilespmem:s17+$0x4200];
	[tilespmem:v11+s0+$0x0] =	vst.idx.msk $0xffff, v18  }
0x27f: {  	s5 =	sor.u32 $0x380, s5;
	[tilespmem:v6+s11+$0x0] =	vst.idx.msk $0xffff, v19;
	v24 =	vld [tilespmem:s3+$0xC200]  }
0x280: {  	v25 =	vld [tilespmem:s5+$0x4000];
	[tilespmem:v14+s8+$0x0] =	vst.idx.msk $0xffff, v17  }
.Ltmp12:
0x281: {  	[tilespmem:v1+s29+$0x0] =	vst.idx.msk $0xffff, v21;
	v16 =	vld [tilespmem:s20+$0xC000];
	s20 =	smov.u32 s10;
	s10 =	smov.u32 s24;
	(pc) =	sbr.rel @p2 .LBB2_15-.Ltmp12, $4  }
0x282: {  	s24 =	smov.u32 s5;
	v20 =	vld [tilespmem:s19+$0x4100];
	[tilespmem:v9+s2+$0x0] =	vst.idx.msk $0xffff, v22  }
0x283: {  	s15 =	sadd.s32 $0x80, s15;
	[tilespmem:v4+s13+$0x0] =	vst.idx.msk $0xffff, v23;
	v18 =	vld [tilespmem:s9+$0xC100]  }
0x284: {  	s6 =	sand.u32 $0x3C00, s15;
	s5 =	sand.u32 $0x70, s4;
	v19 =	vld [tilespmem:s17+$0x4280];
	[tilespmem:v12+s0+$0x0] =	vst.idx.msk $0xffff, v24  }
0x285: {  	s4 =	sadd.s32 $0x10, s4;
	s22 =	sor.u32 s5, s6;
	[tilespmem:v7+s11+$0x0] =	vst.idx.msk $0xffff, v25;
	v17 =	vld [tilespmem:s3+$0xC280]  }
.Ltmp13:
0x286: {  	_ = 	snop;
	(pc) =	sbr.rel .LBB2_16-.Ltmp13, $1  }
0x287: {  	_ =	sdelay $0x3  }
.LBB2_19:
0x288: {  	_ =	sfence.sel $0x180000  }
0x289: {  	[bflag:$0x0] =	sbarrier.arrive $0xFFFF  }
0x28a: {  	_ =	strace $0x90000047  }
0x28b: {  	s0 =	stileid.u32;
	[bflag:$0x2] =	sbarrier.arrive $0xFFFF  }
0x28c: {  	p0 =	sne.s32 s0, $0x0;
	s0 =	rddreg [dreg:$0x3]  }
0x28d: {  	s0 =	sadd.s32 @!p0 $0x100000, s0  }
0x28e: {  	[sflag:s0] =	ssyncadd.tile.s32 @!p0 $0x1;
	_ =	shalt  }
.Lfunc_end2:
_tile_overlayer_lowered:
.L_overlay_start_2:
0x28f: {  	(tag) =	ssettag $0x2  }
0x290: {  	s0 =	rddreg [dreg:$0x0];
	s2 =	stileid.u32  }
0x291: {  	s1 =	rddreg [dreg:$0x1];
	p0 =	sne.s32 s2, $0x0  }
0x292: {  	s3 =	rddreg [dreg:$0x2];
	[bflag:$0x3] =	sbarrier.arrive $0xFFFF;
	s2 =	simm.s32 @!p0 $0x1C05  }
0x293: {  	[timem:s3], [sflag:s2] =	dma.local @!p0 [hbm:s0], s1  }
0x294: {  	s0 =	simm.s32 @!p0 $0x5  }
0x295: {  	_ =	swait.ge @!p0 [sflag:s0], s1  }
0x296: {  	s1 =	ssub.s32 @!p0 $0x0, s1;
	[sflag:s0] =	ssyncset.done @!p0 $0x0  }
0x297: {  	[sflag:s0] =	ssyncadd.s32 @!p0 s1  }
0x298: {  	[bflag:$0x3] =	sbarrier.arrive $0xFFFF  }
0x299: {  	_ =	shalt  }

// kernel: kernel.7.cloned.1.call-start
scs
__scs_entry_jumppad:
0x0: {  	(pc) =	sbr.rel $0x88, $3  }
0x1: {  	(tag) =	ssettag $0x0;
	lr =	simm.s32 $0x1  }
0x2: {  	[smem:$0x3F9C] =	sst lr;
	_ =	strace $0xD0000000  }
0x3: {  	_ = 	snop  }
0x4: {  	_ = 	snop  }
0x5: {  	_ = 	snop  }
0x6: {  	_ = 	snop  }
0x7: {  	_ = 	snop  }
__scs_overlays_trampoline_lowered:
0x8: {  	[smem:$0x3FAB] =	sst s0  }
0x9: {  	[smem:$0x3FAC] =	sst s1  }
0xa: {  	[smem:$0x3FAD] =	sst s2  }
0xb: {  	[smem:$0x3FAE] =	sst s3  }
0xc: {  	[smem:$0x3FAF] =	sst s4  }
0xd: {  	[smem:$0x3FB0] =	sst s5  }
0xe: {  	[smem:$0x3FB1] =	sst s6  }
0xf: {  	[smem:$0x3FB2] =	sst s7  }
0x10: {  	[smem:$0x3FB3] =	sst s8  }
0x11: {  	[smem:$0x3FB4] =	sst s9;
	s0 =	simm.s32 @!p0 $0x0  }
0x12: {  	s1 =	sld [smem:$0x3F9A];
	s0 =	simm.s32 @p0 $0x1  }
0x13: {  	[smem:$0x3FB5] =	sst s0;
	s0 =	simm.s32 @!p1 $0x0  }
0x14: {  	s2 =	sld [smem:$0x3F99];
	s0 =	simm.s32 @p1 $0x1  }
0x15: {  	[smem:$0x3FB6] =	sst s0;
	s0 =	simm.s32 @!p2 $0x0  }
0x16: {  	s3 =	sld [smem:$0x3FDB];
	s0 =	simm.s32 @p2 $0x1  }
0x17: {  	s4 =	simm.s32 $0x1BF5;
	[smem:$0x3FB8] =	sst s0  }
0x18: {  	s0 =	sld [smem:$0x3F9B];
	_ =	swait.ge [sflag:s4], $0x0  }
0x19: {  	s7 =	sld [smem:$0x3F9C]  }
0x1a: {  	s8 =	sadd.s32 $0xFFFFE003, lr  }
0x1b: {  	s9 =	sadd.s32 $0xFFFFFEF7, lr;
	s5 =	simm.s32 $0xFFFFFFFF;
	p2 =	slt.u32 s8, $0xFFFFF086  }
0x1c: {  	p1 =	slt.u32 s9, $0xF7A;
	s5 =	simm.s32 @!p2 $0x0  }
0x1d: {  	s5 =	simm.s32 @p1 $0x1;
	p0 =	seq.s32 s7, s2  }
0x1e: {  	s7 =	smul.u32 @!p0 $0xF7A, s2;
	p2 =	seq.s32 @!p0 s5, $0x0  }
0x1f: {  	s9 =	smul.u32 $0xF7A, s1;
	s8 =	simm.s32 @!p0 $0x1BF5;
	p2 =	por !p2, p0  }
0x20: {  	[sflag:s8] =	ssyncset.s32 @!p0 $0xFFFFF086;
	s6 =	sadd.s32 @!p0 s3, s7;
	s7 =	simm.s32 @!p0 $0x108  }
0x21: {  	s3 =	sadd.s32 s3, s9;
	s6 =	sadd.s32 @!p0 $0x88, s6;
	s7 =	simm.s32 @p2 $0x1082  }
0x22: {  	[simem:s7], [sflag:s8] =	dma.local @!p0 [hbm:s6], $0xF7A  }
0x23: {  	s9 =	sor.u32 $0xD0000000, s2;
	s6 =	simm.s32 $0x108;
	_ =	swait.ge @!p0 [sflag:s8], $0x0  }
0x24: {  	s3 =	sadd.s32 $0x88, s3;
	s6 =	simm.s32 @!p1 $0x1082;
	[sflag:s4] =	ssyncset.s32 $0xFFFFF086  }
0x25: {  	[simem:s6], [sflag:s4] =	dma.local [hbm:s3], $0xF7A  }
0x26: {  	[smem:$0x3F9C] =	sst s1;
	(tag) =	ssettag s2;
	_ =	strace s9  }
0x27: {  	s1 =	sld [smem:$0x3FAC]  }
0x28: {  	s2 =	sld [smem:$0x3FAD]  }
0x29: {  	s4 =	sld [smem:$0x3FAF]  }
0x2a: {  	p0 =	seq.s32 s5, $0x0;
	s5 =	sld [smem:$0x3FB0]  }
0x2b: {  	s6 =	sld [smem:$0x3FB1]  }
0x2c: {  	s7 =	sld [smem:$0x3FB2]  }
0x2d: {  	s3 =	simm.s32 $0x108;
	s8 =	sld [smem:$0x3FB3]  }
0x2e: {  	s3 =	simm.s32 @!p0 $0x1082;
	s9 =	sld [smem:$0x3FB4]  }
0x2f: {  	lr =	sadd.s32 s0, s3;
	s0 =	sld [smem:$0x3FAB]  }
0x30: {  	s3 =	sld [smem:$0x3FAE]  }
0x31: {  	[smem:$0x3FB7] =	sst s10  }
0x32: {  	s10 =	sld [smem:$0x3FB5];
	_ =	sdelay $0x3  }
0x33: {  	p0 =	seq.s32 s10, $0x1;
	s10 =	sld [smem:$0x3FB7];
	_ =	sdelay $0x3  }
0x34: {  	[smem:$0x3FB7] =	sst s10  }
0x35: {  	s10 =	sld [smem:$0x3FB6];
	_ =	sdelay $0x3  }
0x36: {  	p1 =	seq.s32 s10, $0x1;
	s10 =	sld [smem:$0x3FB7];
	_ =	sdelay $0x3  }
0x37: {  	[smem:$0x3FB7] =	sst s10  }
0x38: {  	s10 =	sld [smem:$0x3FB8]  }
0x39: {  	_ = 	snop;
	(pc) =	sbr.ind lr, $3  }
0x3a: {  	_ = 	snop  }
0x3b: {  	_ = 	snop  }
0x3c: {  	p2 =	seq.s32 s10, $0x1;
	s10 =	sld [smem:$0x3FB7]  }
0x3d: {  	_ =	shalt  }
0x3e: {  	_ =	shalt  }
0x3f: {  	_ =	shalt  }
0x40: {  	_ =	shalt  }
0x41: {  	_ =	shalt  }
0x42: {  	_ =	shalt  }
0x43: {  	_ =	shalt  }
0x44: {  	_ =	shalt  }
0x45: {  	_ =	shalt  }
0x46: {  	_ =	shalt  }
0x47: {  	_ =	shalt  }
0x48: {  	_ =	shalt  }
0x49: {  	_ =	shalt  }
0x4a: {  	_ =	shalt  }
0x4b: {  	_ =	shalt  }
0x4c: {  	_ =	shalt  }
0x4d: {  	_ =	shalt  }
0x4e: {  	_ =	shalt  }
0x4f: {  	_ =	shalt  }
0x50: {  	_ =	shalt  }
0x51: {  	_ =	shalt  }
0x52: {  	_ =	shalt  }
0x53: {  	_ =	shalt  }
0x54: {  	_ =	shalt  }
0x55: {  	_ =	shalt  }
0x56: {  	_ =	shalt  }
0x57: {  	_ =	shalt  }
0x58: {  	_ =	shalt  }
0x59: {  	_ =	shalt  }
0x5a: {  	_ =	shalt  }
0x5b: {  	_ =	shalt  }
0x5c: {  	_ =	shalt  }
0x5d: {  	_ =	shalt  }
0x5e: {  	_ =	shalt  }
0x5f: {  	_ =	shalt  }
0x60: {  	_ =	shalt  }
0x61: {  	_ =	shalt  }
0x62: {  	_ =	shalt  }
0x63: {  	_ =	shalt  }
0x64: {  	_ =	shalt  }
0x65: {  	_ =	shalt  }
0x66: {  	_ =	shalt  }
0x67: {  	_ =	shalt  }
0x68: {  	_ =	shalt  }
0x69: {  	_ =	shalt  }
0x6a: {  	_ =	shalt  }
0x6b: {  	_ =	shalt  }
0x6c: {  	_ =	shalt  }
0x6d: {  	_ =	shalt  }
0x6e: {  	_ =	shalt  }
0x6f: {  	_ =	shalt  }
0x70: {  	_ =	shalt  }
0x71: {  	_ =	shalt  }
0x72: {  	_ =	shalt  }
0x73: {  	_ =	shalt  }
0x74: {  	_ =	shalt  }
0x75: {  	_ =	shalt  }
0x76: {  	_ =	shalt  }
0x77: {  	_ =	shalt  }
0x78: {  	_ =	shalt  }
0x79: {  	_ =	shalt  }
0x7a: {  	_ =	shalt  }
0x7b: {  	_ =	shalt  }
0x7c: {  	_ =	shalt  }
0x7d: {  	_ =	shalt  }
0x7e: {  	_ =	shalt  }
0x7f: {  	_ =	shalt  }
0x80: {  	_ =	shalt  }
0x81: {  	_ =	shalt  }
0x82: {  	_ =	shalt  }
0x83: {  	_ =	shalt  }
0x84: {  	_ =	shalt  }
0x85: {  	_ =	shalt  }
0x86: {  	_ =	shalt  }
0x87: {  	_ =	shalt  }
.Lfunc_end0:
.L_simem_size_0:
called_computation.1_lowered:
.L_overlay_start_0:
0x88: {  	s2 =	sld [smem:$0x3FD9]  }
0x89: {  	s3 =	sld [smem:$0x3FFE];
	_ =	sdelay $0x1  }
0x8a: {  	s1 =	srdreg.scid  }
0x8b: {  	s0 =	sand.u32 $0x1, s1  }
0x8c: {  	s17 =	sshll.u32 s0, $0xA;
	s2 =	sadd.s32 s3, s2  }
0x8d: {  	s2 =	sadd.s32 s2, s17  }
0x8e: {  	[smem:$0x3FC3] =	sst s2  }
0x8f: {  	_ = 	snop  }
0x90: {  	s2 =	sld [smem:$0x3FD0];
	(tm) =	ssettm $0x1  }
0x91: {  	s18 =	sld [smem:$0x3FFB];
	_ =	sdelay $0x3  }
0x92: {  	_ =	strace s18  }
0x93: {  	s3 =	sld [smem:$0x3FFC];
	_ =	sdelay $0x3  }
0x94: {  	_ =	strace s3  }
0x95: {  	s3 =	sld [smem:$0x3FFD];
	_ =	sdelay $0x3  }
0x96: {  	_ =	strace s3  }
0x97: {  	_ =	strace $0x8FFFFFFF  }
0x98: {  	s19 =	sld [smem:$0x3FDB];
	_ =	sdelay $0x1  }
0x99: {  	s4 =	simm.s32 $_scs_section_size  }
0x9a: {  	s5 =	simm.s32 $_size__tile_overlayer_lowered;
	s6 =	simm.s32 $_tile_overlayer_lowered  }
0x9b: {  	s22 =	simm.s32 $0x1BFF;
	s21 =	sshll.u32 s6, $0x1;
	s3 =	sadd.s32 s4, s19  }
0x9c: {  	s7 =	simm.s32 $0x0;
	s20 =	sshll.u32 s5, $0x1;
	s5 =	sadd.s32 s21, s3  }
0x9d: {  	[timem:s7], [sflag:s22] =	dma.local [hbm:s5], s20  }
0x9e: {  	_ =	swait.ge [sflag:s22], s20  }
0x9f: {  	s4 =	ssub.s32 $0x0, s20;
	[sflag:s22] =	ssyncset.done $0x0  }
0xa0: {  	[sflag:s22] =	ssyncadd.s32 s4;
	_ =	sdelay $0x1  }
0xa1: {  	s23 =	simm.s32 $0x1B8B  }
0xa2: {  	_ =	swait.ge [sflag:s23], $0x1  }
0xa3: {  	[sflag:s23] =	ssyncset.done $0x0  }
0xa4: {  	s25 =	simm.s32 $0x1B8E;
	s24 =	sld [smem:$0x3FFE];
	[sflag:s23] =	ssyncadd.s32 $0xFFFFFFFF  }
0xa5: {  	s26 =	simm.s32 $execute0_lowered;
	[smem:$0x3FD2] =	sst s25  }
0xa6: {  	s5 =	sshll.u32 s26, $0x1;
	_ =	strace $0x80000049;
	[dreg:$0x1] =	wrdreg $0xFFFFFFFF  }
0xa7: {  	s28 =	simm.s32 $_size_execute0_lowered;
	s3 =	sadd.s32 s3, s5;
	[dreg:$0x0] =	wrdreg $0x0  }
0xa8: {  	s5 =	sshll.u32 s28, $0x1;
	[dreg:$0x2] =	wrdreg s3  }
0xa9: {  	[dreg:$0x3] =	wrdreg s5  }
0xaa: {  	[dreg:$0x4] =	wrdreg $0xC0  }
0xab: {  	_ =	task [dreg:s7], $0x5FFFF  }
0xac: {  	[dreg:$0x1] =	wrdreg $0xFFFFFFFF  }
0xad: {  	[dreg:$0x0] =	wrdreg $0x60  }
0xae: {  	[dreg:$0x2] =	wrdreg s24  }
0xaf: {  	[dreg:$0x3] =	wrdreg s2  }
0xb0: {  	[dreg:$0x4] =	wrdreg $0x9  }
0xb1: {  	_ =	task.clear_ibuf [dreg:s7], $0x5FFFF;
	_ =	strace $0x90000049  }
0xb2: {  	s29 =	simm.s32 $0x9;
	_ =	strace $0x8000004B  }
0xb3: {  	_ =	swait.ge [sflag:s29], $0x1  }
0xb4: {  	[sflag:s29] =	ssyncadd.s32 $0xFFFFFFFF  }
0xb5: {  	_ =	strace $0x9000004B  }
0xb6: {  	_ =	sfence  }
0xb7: {  	s30 =	sld [smem:$0x0];
	_ =	sdelay $0x2  }
0xb8: {  	s31 =	sshll.u32 s1, $0xD;
	s1 =	sshrl.u32 s1, $0x2  }
0xb9: {  	s3 =	sand.u32 $0x4000, s31;
	s1 =	sadd.s32 s1, s30  }
0xba: {  	s0 =	sor.u32 s3, s0;
	s1 =	sshll.u32 s1, $0x11  }
0xbb: {  	s0 =	sor.u32 s1, s0  }
0xbc: {  	s0 =	sadd.s32 $0x8F2B, s0  }
0xbd: {  	[sflag:s0] =	ssyncadd.remote.s32 $0x1  }
0xbe: {  	_ =	sfence.sel $0xFFFF  }
0xbf: {  	[dreg:$0x0] =	wrdreg $0xFFFFFFFF;
	(pc) =	sbr.abs _section_cstart, $3  }
0xc0: {  	[dreg:$0x1] =	wrdreg $0xFFFFFFFF  }
0xc1: {  	_ =	task.clear_ibuf [dreg:s7], $0x2FFFF;
	_ =	strace $0x9FFFFFFF  }
0xc2: {  	(tm) =	ssettm $0x7FFFFFFF  }
0xc3: {  	_ =	shalt  }
tec
execute0_lowered:
.L_overlay_start_1:
0x0: {  	(tag) =	ssettag $0x1  }
0x1: {  	s5 =	rddreg [dreg:$0x0]  }
0x2: {  	s8 =	rddreg [dreg:$0x1]  }
0x3: {  	s0 =	rddreg [dreg:$0x2]  }
0x4: {  	s3 =	srdreg.scid;
	s2 =	simm.s32 $0x0;
	s1 =	stileid.u32  }
0x5: {  	s11 =	simm.s32 $0x3;
	s12 =	simm.s32 $0x16F10;
	s13 =	simm.s32 $0x200  }
0x6: {  	s14 =	simm.s32 $0x4000;
	s15 =	simm.s32 $0x6400;
	s16 =	simm.s32 $0x1  }
0x7: {  	v0 =	vlaneseq.u32;
	s17 =	simm.s32 $0x12C00;
	s18 =	simm.s32 $0x14C00;
	s19 =	simm.s32 $0x2  }
0x8: {  	s20 =	simm.s32 $0x16E00;
	s21 =	simm.s32 $0x16C00;
	s22 =	simm.s32 $0x0;
	v0 =	vmul.u32 $0x10, v0  }
0x9: {  	v1 =	vimm.f32 $0.0e+00;
	s4 =	sand.u32 $0x1, s3;
	[smem:$0x7FF] =	sst s2;
	s30 =	sshll.u32 s1, $0x7  }
0xa: {  	s3 =	sadd.s32 $0x1200, s5;
	s6 =	sshll.u32 s4, $0x6;
	_ =	strace $0x8000004A;
	v2 =	vor.u32 $0x1, v0;
	v3 =	vor.u32 $0x2, v0;
	v4 =	vor.u32 $0x3, v0  }
0xb: {  	s31 =	ssub.s32 $0x2, s4;
	s4 =	sadd.s32 $0x234C00, s5;
	s9 =	sor.u32 s6, s30;
	v5 =	vor.u32 $0x4, v0;
	v6 =	vor.u32 $0x5, v0;
	v7 =	vor.u32 $0x6, v0  }
0xc: {  	s10 =	sshrl.u32 s31, $0x1;
	v8 =	vor.u32 $0x7, v0;
	v9 =	vor.u32 $0x8, v0;
	v10 =	vor.u32 $0x9, v0;
	s7 =	sadd.s32 s9, s5;
	s5 =	sadd.s32 $0x1E9A00, s5  }
0xd: {  	v11 =	vor.u32 $0xA, v0;
	v12 =	vor.u32 $0xB, v0;
	v13 =	vor.u32 $0xC, v0;
	s10 =	ssub.s32 s31, s10;
	s8 =	sadd.s32 s8, s9;
	s6 =	sadd.s32 $0x1E9C00, s7  }
0xe: {  	v14 =	vor.u32 $0xD, v0;
	v15 =	vor.u32 $0xE, v0;
	v16 =	vor.u32 $0xF, v0;
	s7 =	sadd.s32 $0x202C00, s7;
	s9 =	smax.u32 s10, $0x1;
	s10 =	simm.s32 $0x16F00  }
.LBB2_1:
0xf: {  	[tilespmem:s10], [sflag:$0x3] =	stream.linear.gather [hbm4b:s4+s2], $0x10, $0x38;
	[tilespmem:$0x16F20] =	vst v63  }
0x10: {  	_ =	swait.ge [sflag:s11], $0x10  }
0x11: {  	[sflag:s11] =	ssyncset.done $0x0  }
0x12: {  	[sflag:s11] =	ssyncadd.s32 $0xFFFFFFF0  }
0x13: {  	[tilespmem:s12], [sflag:$0x3] =	stream.linear.gather [hbm4b:s5+s2], $0x10, $0x38;
	[tilespmem:$0x16F20] =	vst v63  }
0x14: {  	_ =	swait.ge [sflag:s11], $0x10  }
0x15: {  	[sflag:s11] =	ssyncset.done $0x0  }
0x16: {  	[sflag:s11] =	ssyncadd.s32 $0xFFFFFFF0  }
0x17: {  	[tilespmem:s2], [sflag:$0x1] =	stream.strided.gather [hbm4b:s6+s13], $0x6400, s14, s13, $0x38;
	[tilespmem:$0x16F20] =	vst v63  }
0x18: {  	s23 =	simm.s32 $0x40;
	s24 =	simm.s32 $0x0  }
0x19: {  	[tilespmem:s15], [sflag:$0x1] =	stream.strided.gather [hbm4b:s7+s13], $0xC800, s14, s13, $0x38;
	[tilespmem:$0x16F20] =	vst v63  }
.LBB2_2:
0x1a: {  	p0 =	sne.s32 s23, $0x7FC0;
	[tilespmem:s24+$0x12C00] =	vst v1;
	s25 =	smov.u32 s23;
	s23 =	sadd.s32 $0x40, s23  }
.Ltmp0:
0x1b: {  	[tilespmem:s24+$0x14C00] =	vst v1;
	(pc) =	sbr.rel @p0 .LBB2_2-.Ltmp0, $2  }
0x1c: {  	_ =	sdelay $0x2  }
0x1d: {  	s24 =	sshra.s32 s25, $0x2  }
0x1e: {  	[tilespmem:s24+$0x12C00] =	vst v1  }
0x1f: {  	[tilespmem:s24+$0x14C00] =	vst v1  }
0x20: {  	_ =	swait.ge [sflag:s16], $0x6400  }
0x21: {  	[sflag:s16] =	ssyncset.done $0x0  }
0x22: {  	s23 =	simm.s32 $0x800;
	s24 =	simm.s32 $0x0;
	[sflag:s16] =	ssyncadd.s32 $0xFFFF9C00  }
.LBB2_4:
0x23: {  	[tilespmem:s17], [sflag:$0x2] =	stream.indirect.gather.add.f32 [hbm:s3], $0x10, s24, s13, $0xb8;
	[tilespmem:$0x16F20] =	vst v63  }
0x24: {  	s24 =	smov.u32 s23;
	p0 =	sne.s32 s23, $0x18800  }
.Ltmp1:
0x25: {  	s23 =	sadd.s32 $0x800, s23;
	(pc) =	sbr.rel @p0 .LBB2_4-.Ltmp1, $2  }
0x26: {  	_ =	sdelay $0x2  }
0x27: {  	s24 =	sshra.s32 s24, $0x2  }
0x28: {  	[tilespmem:s17], [sflag:$0x2] =	stream.indirect.gather.add.f32 [hbm:s3], $0x10, s24, s13, $0xb8;
	[tilespmem:$0x16F20] =	vst v63  }
0x29: {  	_ =	swait.ge [sflag:s16], $0xC800  }
0x2a: {  	[sflag:s16] =	ssyncset.done $0x0  }
0x2b: {  	s23 =	simm.s32 $0x0;
	[sflag:s16] =	ssyncadd.s32 $0xFFFF3800  }
.LBB2_6:
0x2c: {  	p0 =	sne.s32 s23, $0x31800  }
.Ltmp2:
0x2d: {  	_ = 	snop;
	(pc) =	sbr.rel @p0 .LBB2_6-.Ltmp2, $4  }
0x2e: {  	_ = 	snop  }
0x2f: {  	s24 =	sshra.s32 s23, $0x2  }
0x30: {  	s23 =	sadd.s32 $0x800, s23;
	s24 =	sadd.s32 $0x6400, s24  }
0x31: {  	[tilespmem:s18], [sflag:$0x2] =	stream.indirect.gather.add.f32 [hbm:s3], $0x10, s24, s13, $0xb8;
	[tilespmem:$0x16F20] =	vst v63  }
0x32: {  	s23 =	simm.s32 $0x32  }
.LBB2_8:
0x33: {  	p0 =	sne.s32 s23, $0x1  }
.Ltmp3:
0x34: {  	_ = 	snop;
	(pc) =	sbr.rel @p0 .LBB2_8-.Ltmp3, $4  }
0x35: {  	_ = 	snop  }
0x36: {  	_ =	swait.ge [sflag:s19], $0x2000  }
0x37: {  	[sflag:s19] =	ssyncset.done $0x0  }
0x38: {  	s23 =	sadd.s32 $0xFFFFFFFF, s23;
	[sflag:s19] =	ssyncadd.s32 $0xFFFFE000  }
0x39: {  	_ =	swait.ge [sflag:s19], $0x2000  }
0x3a: {  	s23 =	simm.s32 $0x63;
	[sflag:s19] =	ssyncset.done $0x0  }
.LBB2_10:
0x3b: {  	p0 =	sne.s32 s23, $0x1;
	s23 =	sadd.s32 $0xFFFFFFFF, s23;
	[sflag:s19] =	ssyncadd.s32 $0xFFFFE000  }
.Ltmp4:
0x3c: {  	(pc) =	sbr.rel @p0 .LBB2_10-.Ltmp4, $3  }
0x3d: {  	_ =	sdelay $0x1  }
0x3e: {  	_ =	swait.ge [sflag:s19], $0x2000  }
0x3f: {  	[sflag:s19] =	ssyncset.done $0x0  }
0x40: {  	[sflag:s19] =	ssyncadd.s32 $0xFFFFE000  }
0x41: {  	v17 =	vld [tilespmem:$0x16F00]  }
0x42: {  	s23 =	simm.s32 $0x0;
	s24 =	simm.s32 $0x14C00;
	s25 =	simm.s32 $0x12C00;
	v18 =	vld [tilespmem:$0x16F10]  }
.LBB2_12:
0x43: {  	v19 =	vmov s24  }
0x44: {  	v20 =	vmov s25;
	_ =	sdelay $0x2  }
0x45: {  	s26 =	simm.s32 $0x0  }
0x46: {  	s28 =	simm.s32 $0x40;
	v21 =	vld.idx.msk [tilespmem:v19+s26+$0x0 ss:$0x1], $0xffff  }
.LBB2_13:
0x47: {  	p0 =	sne.s32 s28, $0x3C0;
	v22 =	vld.idx.msk [tilespmem:v20+s26+$0x0 ss:$0x1], $0xffff;
	_ =	sdelay $0x4  }
.Ltmp5:
0x48: {  	(pc) =	sbr.rel @p0 .LBB2_13-.Ltmp5, $3  }
0x49: {  	v21 =	vmul.f32 v21, v22;
	_ =	sdelay $0x1  }
0x4a: {  	[tilespmem:s26+$0x16E00] =	vst v21;
	s26 =	sshra.s32 s28, $0x2  }
0x4b: {  	s28 =	sadd.s32 $0x40, s28;
	v21 =	vld.idx.msk [tilespmem:v19+s26+$0x0 ss:$0x1], $0xffff  }
0x4c: {  	_ =	sdelay $0x3  }
0x4d: {  	v19 =	vld.idx.msk [tilespmem:v20+s26+$0x0 ss:$0x1], $0xffff;
	_ =	sdelay $0x4  }
0x4e: {  	v19 =	vmul.f32 v21, v19;
	_ =	sdelay $0x1  }
0x4f: {  	[tilespmem:s26+$0x16E00] =	vst v19  }
0x50: {  	v19 =	vld.idx.msk [tilespmem:v0+s20+$0x0], $0xffff;
	_ =	sdelay $0x1  }
0x51: {  	v20 =	vld.idx.msk [tilespmem:v2+s20+$0x0], $0xffff;
	_ =	sdelay $0x1  }
0x52: {  	v55 =	vld.idx.msk [tilespmem:v3+s20+$0x0], $0xffff  }
0x53: {  	v19 =	vadd.f32 $0.0e+00, v19  }
0x54: {  	v22 =	vld.idx.msk [tilespmem:v4+s20+$0x0], $0xffff  }
0x55: {  	v19 =	vadd.f32 v20, v19  }
0x56: {  	v20 =	vld.idx.msk [tilespmem:v5+s20+$0x0], $0xffff  }
0x57: {  	v19 =	vadd.f32 v55, v19  }
0x58: {  	v56 =	vld.idx.msk [tilespmem:v6+s20+$0x0], $0xffff  }
0x59: {  	v19 =	vadd.f32 v22, v19  }
0x5a: {  	v57 =	vld.idx.msk [tilespmem:v7+s20+$0x0], $0xffff  }
0x5b: {  	v19 =	vadd.f32 v20, v19  }
0x5c: {  	v20 =	vld.idx.msk [tilespmem:v8+s20+$0x0], $0xffff  }
0x5d: {  	v19 =	vadd.f32 v56, v19  }
0x5e: {  	v58 =	vld.idx.msk [tilespmem:v9+s20+$0x0], $0xffff  }
0x5f: {  	v19 =	vadd.f32 v57, v19  }
0x60: {  	v59 =	vld.idx.msk [tilespmem:v10+s20+$0x0], $0xffff  }
0x61: {  	v19 =	vadd.f32 v20, v19  }
0x62: {  	v20 =	vld.idx.msk [tilespmem:v11+s20+$0x0], $0xffff  }
0x63: {  	v19 =	vadd.f32 v58, v19  }
0x64: {  	v60 =	vld.idx.msk [tilespmem:v12+s20+$0x0], $0xffff  }
0x65: {  	v19 =	vadd.f32 v59, v19  }
0x66: {  	v61 =	vld.idx.msk [tilespmem:v13+s20+$0x0], $0xffff  }
0x67: {  	v19 =	vadd.f32 v20, v19  }
0x68: {  	v20 =	vld.idx.msk [tilespmem:v14+s20+$0x0], $0xffff  }
0x69: {  	v19 =	vadd.f32 v60, v19  }
0x6a: {  	v62 =	vld.idx.msk [tilespmem:v15+s20+$0x0], $0xffff  }
0x6b: {  	v19 =	vadd.f32 v61, v19  }
0x6c: {  	v63 =	vld.idx.msk [tilespmem:v16+s20+$0x0], $0xffff  }
0x6d: {  	v19 =	vadd.f32 v20, v19;
	_ =	sdelay $0x1  }
0x6e: {  	v19 =	vadd.f32 v62, v19;
	_ =	sdelay $0x1  }
0x6f: {  	v19 =	vadd.f32 v63, v19;
	_ =	sdelay $0x1  }
0x70: {  	v19 =	vmul.f32 v19, v17;
	_ =	sdelay $0x1  }
0x71: {  	v19 =	vadd.f32 v19, v18;
	_ =	sdelay $0x1  }
0x72: {  	v19 =	vsub.f32 $0.0e+00, v19;
	_ =	sdelay $0x1  }
0x73: {  	v19 =	vmul.f32 $1.442695020e+00, v19;
	_ =	sdelay $0x1  }
0x74: {  	(erf) = vpow2.f32 v19;
	_ =	sdelay $0x8  }
0x75: {  	v19 =	vpop (erf)  }
0x76: {  	v19 =	vadd.f32 $1.000000000e+00, v19;
	_ =	sdelay $0x1  }
0x77: {  	(erf) = vrcp.f32 v19;
	_ =	sdelay $0x3  }
0x78: {  	s31 =	sshll.u32 s23, $0x4;
	s23 =	sadd.s32 $0x1, s23  }
0x79: {  	p0 =	sne.s32 s23, $0x20  }
.Ltmp6:
0x7a: {  	_ = 	snop;
	(pc) =	sbr.rel @p0 .LBB2_12-.Ltmp6, $3  }
0x7b: {  	_ =	sdelay $0x1  }
0x7c: {  	s26 =	sand.u32 $0x3FFFFFF0, s31;
	v19 =	vpop (erf)  }
0x7d: {  	s24 =	sadd.s32 $0x100, s24;
	s25 =	sadd.s32 $0x100, s25;
	[tilespmem:s26+$0x16C00] =	vst v19  }
0x7e: {  	s22 =	sadd.s32 $0x1, s22  }
0x7f: {  	p0 =	sne.s32 s22, s9  }
.Ltmp7:
0x80: {  	_ = 	snop;
	(pc) =	sbr.rel @p0 .LBB2_1-.Ltmp7, $4  }
0x81: {  	[hbm4b:s8+s2] =	stream.linear.scatter [tilespmem:s21], [sflag:$0x3], $0x200, $0x38;
	[tilespmem:$0x16F20] =	vst v63  }
0x82: {  	_ =	swait.ge [sflag:s11], $0x200  }
0x83: {  	[sflag:s11] =	ssyncset.done $0x0  }
0x84: {  	[sflag:s11] =	ssyncadd.s32 $0xFFFFFE00  }
0x85: {  	_ =	sfence.sel $0x180000  }
0x86: {  	[bflag:$0x0] =	sbarrier.arrive $0xFFFF  }
0x87: {  	p0 =	sne.s32 s1, $0x0;
	_ =	strace $0x9000004A  }
0x88: {  	s0 =	sadd.s32 @!p0 $0x100000, s0;
	[bflag:$0x2] =	sbarrier.arrive $0xFFFF  }
0x89: {  	[sflag:s0] =	ssyncadd.tile.s32 @!p0 $0x1;
	_ =	shalt  }
.Lfunc_end2:
_tile_overlayer_lowered:
.L_overlay_start_2:
0x8a: {  	(tag) =	ssettag $0x2  }
0x8b: {  	s0 =	rddreg [dreg:$0x0];
	s2 =	stileid.u32  }
0x8c: {  	s1 =	rddreg [dreg:$0x1];
	p0 =	sne.s32 s2, $0x0  }
0x8d: {  	s3 =	rddreg [dreg:$0x2];
	[bflag:$0x3] =	sbarrier.arrive $0xFFFF;
	s2 =	simm.s32 @!p0 $0x1C03  }
0x8e: {  	[timem:s3], [sflag:s2] =	dma.local @!p0 [hbm:s0], s1  }
0x8f: {  	s0 =	simm.s32 @!p0 $0x3  }
0x90: {  	_ =	swait.ge @!p0 [sflag:s0], s1  }
0x91: {  	s1 =	ssub.s32 @!p0 $0x0, s1;
	[sflag:s0] =	ssyncset.done @!p0 $0x0  }
0x92: {  	[sflag:s0] =	ssyncadd.s32 @!p0 s1  }
0x93: {  	[bflag:$0x3] =	sbarrier.arrive $0xFFFF  }
0x94: {  	_ =	shalt  }

</sc_bundles>
